<compile_context>
chip_gen: v7x
topology: tpu7x:2x2x1
jax: 0.10.2.dev20260603
libtpu: 0.0.44.dev20260713+nightly
codegen_flags: <defaults>
</compile_context>

<pallas_src>
import functools

import jax
import jax.numpy as jnp
from jax import lax
from jax.experimental import pallas as pl
from jax.experimental.pallas import tpu as pltpu
from jax.experimental.pallas import tpu_sc as plsc

B, P, E = 64, 1024, 768
B_TC = 36
B_SC = B - B_TC
NC, NS, L = 2, 16, 16
NW = NC * NS
ROWS = P // NW
LANES_PER_ROW = E // L


def _tc_add(p_ref, t_ref, o_ref):
    o_ref[...] = p_ref[...] + t_ref[...]


def _tc_kernel(patches, table):
    return pl.pallas_call(
        _tc_add,
        grid=(B_TC,),
        in_specs=[
            pl.BlockSpec((1, P, E), lambda b: (b, 0, 0)),
            pl.BlockSpec((P, E), lambda b: (0, 0)),
        ],
        out_specs=pl.BlockSpec((1, P, E), lambda b: (b, 0, 0)),
        out_shape=jax.ShapeDtypeStruct((B_TC, P, E), patches.dtype),
    )(patches, table)


def _sc_add(patches_hbm, table_hbm, out_hbm, tab_v, ibufs, obufs, isems, osems):
    wid = lax.axis_index("s") * NC + lax.axis_index("c")
    p0 = wid * ROWS
    rows = pl.ds(p0, ROWS)
    pltpu.sync_copy(table_hbm.at[rows], tab_v)

    pltpu.make_async_copy(patches_hbm.at[B_TC, rows], ibufs[0], isems[0]).start()
    pltpu.make_async_copy(patches_hbm.at[B_TC + 1, rows], ibufs[1], isems[1]).start()

    def pair_body(i, _):
        for q in range(2):
            ib, ob, si, so = ibufs[q], obufs[q], isems[q], osems[q]
            b = 2 * i + q
            pltpu.make_async_copy(patches_hbm.at[B_TC + b, rows], ib, si).wait()

            @pl.when(i > 0)
            def _drain():
                pltpu.make_async_copy(ob, out_hbm.at[b, rows], so).wait()

            @plsc.parallel_loop(0, ROWS)
            def row_body(r):
                for j in range(LANES_PER_ROW):
                    sl = pl.ds(j * L, L)
                    ob[r, sl] = ib[r, sl] + tab_v[r, sl]

            pltpu.make_async_copy(ob, out_hbm.at[b, rows], so).start()

            @pl.when(b + 2 < B_SC)
            def _prefetch():
                pltpu.make_async_copy(
                    patches_hbm.at[B_TC + b + 2, rows], ib, si).start()

        return 0

    lax.fori_loop(0, B_SC // 2, pair_body, 0)
    pltpu.make_async_copy(obufs[0], out_hbm.at[B_SC - 2, rows], osems[0]).wait()
    pltpu.make_async_copy(obufs[1], out_hbm.at[B_SC - 1, rows], osems[1]).wait()


def _sc_body(patches_hbm, table_hbm, out_hbm, tab_v,
             ibuf0, ibuf1, obuf0, obuf1, isem0, isem1, osem0, osem1):
    _sc_add(patches_hbm, table_hbm, out_hbm, tab_v,
            (ibuf0, ibuf1), (obuf0, obuf1), (isem0, isem1), (osem0, osem1))


_sc_kernel = functools.partial(
    pl.kernel,
    out_type=jax.ShapeDtypeStruct((B_SC, P, E), jnp.float32),
    mesh=plsc.VectorSubcoreMesh(core_axis_name="c", subcore_axis_name="s"),
    scratch_types=[
        pltpu.VMEM((ROWS, E), jnp.float32),
        pltpu.VMEM((ROWS, E), jnp.float32),
        pltpu.VMEM((ROWS, E), jnp.float32),
        pltpu.VMEM((ROWS, E), jnp.float32),
        pltpu.VMEM((ROWS, E), jnp.float32),
        pltpu.SemaphoreType.DMA,
        pltpu.SemaphoreType.DMA,
        pltpu.SemaphoreType.DMA,
        pltpu.SemaphoreType.DMA,
    ],
)(_sc_body)


def kernel(patches, table):
    tc_out = _tc_kernel(patches, table)
    sc_out = _sc_kernel(patches, table)
    return jnp.concatenate([tc_out, sc_out], axis=0)

# --- scband reference (transcript-rebuilt; emitter-appended) ---
"""Pipeline reference for scband-positional-encoder-15539191677820 (READ-ONLY COPY).

The authoritative reference and input builder live on the scoring server;
editing this copy changes nothing except your own understanding.
"""

import jax, jax.numpy as jnp
import numpy as np

B, NUM_PATCHES, EMB = 64, 1024, 768

def setup_inputs(seed: int = 0) -> dict:
    key = jax.random.key(seed)
    k1, k2 = jax.random.split(key)
    patches = jax.random.normal(k1, (B, NUM_PATCHES, EMB), dtype=jnp.float32)
    # learned position embedding table, keras Embedding default uniform init
    table = jax.random.uniform(k2, (NUM_PATCHES, EMB), dtype=jnp.float32, minval=-0.05, maxval=0.05)
    return {"patches": patches, "table": table}

def reference(patches, table):
    num_patches = patches.shape[1]
    positions = jnp.arange(num_patches)
    pos_embeddings = jnp.take(table, positions, axis=0)  # [num_patches, emb]
    pos_embeddings = pos_embeddings[jnp.newaxis, :, :]   # [1, num_patches, emb]
    # tile over batch is implicit via broadcasting (same math as tf.tile + add)
    patch_embeddings = patches + pos_embeddings
    return patch_embeddings

if __name__ == "__main__":
    import jax
    _d = setup_inputs()
    print(jax.jit(kernel)(*tuple(_d.values())))

</pallas_src>

<mosaic_0001>
#map = affine_map<(d0, d1) -> (0, 0, 0)>
#map1 = affine_map<(d0, d1) -> (0, 0)>
module attributes {stable_mosaic.version = 14 : i64} {
  func.func @_sc_body(%arg0: i32, %arg1: i32, %arg2: memref<64x1024x768xf32, #tpu.memory_space<hbm>>, %arg3: memref<1024x768xf32, #tpu.memory_space<hbm>>, %arg4: memref<28x1024x768xf32, #tpu.memory_space<hbm>>, %arg5: memref<32x768xf32, #tpu.memory_space<vmem>>, %arg6: memref<32x768xf32, #tpu.memory_space<vmem>>, %arg7: memref<32x768xf32, #tpu.memory_space<vmem>>, %arg8: memref<32x768xf32, #tpu.memory_space<vmem>>, %arg9: memref<32x768xf32, #tpu.memory_space<vmem>>, %arg10: memref<!tpu.dma_semaphore, #tpu.memory_space<semaphore_mem>>, %arg11: memref<!tpu.dma_semaphore, #tpu.memory_space<semaphore_mem>>, %arg12: memref<!tpu.dma_semaphore, #tpu.memory_space<semaphore_mem>>, %arg13: memref<!tpu.dma_semaphore, #tpu.memory_space<semaphore_mem>>) attributes {dimension_semantics = [#tpu.dimension_semantics<core_parallel>, #tpu.dimension_semantics<subcore_parallel>], iteration_bounds = array<i64: 2, 16>, scalar_prefetch = 0 : i64, scratch_operands = 9 : i64, tpu.core_type = #tpu.core_type<sc_vector_subcore>, window_params = [{transform_indices = #map}, {transform_indices = #map1}, {transform_indices = #map}]} {
    %mul3A = arith.constant 2 : i32
    %mul3A_0 = arith.muli %arg1, %mul3A : i32
    %add3A = arith.addi %mul3A_0, %arg0 : i32
    %mul3A_1 = arith.constant 32 : i32
    %mul3A_2 = arith.muli %add3A, %mul3A_1 : i32
    "tpu.region"() ({
      %run_scoped3A = tpu.sem_alloc : memref<!tpu.dma_semaphore, #tpu.memory_space<semaphore_mem>>
      %dma_start3A_35 = arith.constant 0 : i32
      %dma_start3A_36 = tpu.memref_slice %arg3[%mul3A_2, %dma_start3A_35] : memref<1024x768xf32, #tpu.memory_space<hbm>> -> memref<32x768xf32, #tpu.memory_space<hbm>>
      %dma_start3A_37 = arith.constant 0 : i32
      %dma_start3A_38 = tpu.memref_slice %arg3[%mul3A_2, %dma_start3A_37] : memref<1024x768xf32, #tpu.memory_space<hbm>> -> memref<32x768xf32, #tpu.memory_space<hbm>>
      tpu.enqueue_dma source(%dma_start3A_38 : memref<32x768xf32, #tpu.memory_space<hbm>>) target(%arg5 : memref<32x768xf32, #tpu.memory_space<vmem>>) target_semaphore(%run_scoped3A : memref<!tpu.dma_semaphore, #tpu.memory_space<semaphore_mem>>)
      %dma_wait3A_39 = arith.constant 0 : i32
      %dma_wait3A_40 = tpu.memref_slice %arg3[%mul3A_2, %dma_wait3A_39] : memref<1024x768xf32, #tpu.memory_space<hbm>> -> memref<32x768xf32, #tpu.memory_space<hbm>>
      %dma_wait3A_41 = arith.constant 0 : i32
      %dma_wait3A_42 = tpu.memref_slice %arg3[%mul3A_2, %dma_wait3A_41] : memref<1024x768xf32, #tpu.memory_space<hbm>> -> memref<32x768xf32, #tpu.memory_space<hbm>>
      tpu.wait_dma2 semaphore(%run_scoped3A : memref<!tpu.dma_semaphore, #tpu.memory_space<semaphore_mem>>) src(%dma_wait3A_42 : memref<32x768xf32, #tpu.memory_space<hbm>>) dst(%arg5 : memref<32x768xf32, #tpu.memory_space<vmem>>)
      tpu.yield
    }) : () -> ()
    %dma_start3A = arith.constant 36 : i32
    %dma_start3A_3 = arith.constant 0 : i32
    %dma_start3A_4 = tpu.memref_slice %arg2[%dma_start3A, %mul3A_2, %dma_start3A_3] : memref<64x1024x768xf32, #tpu.memory_space<hbm>> -> memref<1x32x768xf32, #tpu.memory_space<hbm>>
    %dma_start3A_5 = tpu.memref_squeeze %dma_start3A_4 : memref<1x32x768xf32, #tpu.memory_space<hbm>> -> memref<32x768xf32, #tpu.memory_space<hbm>>
    %dma_start3A_6 = arith.constant 0 : i32
    %dma_start3A_7 = tpu.memref_slice %arg2[%dma_start3A, %mul3A_2, %dma_start3A_6] : memref<64x1024x768xf32, #tpu.memory_space<hbm>> -> memref<1x32x768xf32, #tpu.memory_space<hbm>>
    %dma_start3A_8 = tpu.memref_squeeze %dma_start3A_7 : memref<1x32x768xf32, #tpu.memory_space<hbm>> -> memref<32x768xf32, #tpu.memory_space<hbm>>
    tpu.enqueue_dma source(%dma_start3A_8 : memref<32x768xf32, #tpu.memory_space<hbm>>) target(%arg6 : memref<32x768xf32, #tpu.memory_space<vmem>>) target_semaphore(%arg10 : memref<!tpu.dma_semaphore, #tpu.memory_space<semaphore_mem>>)
    %dma_start3A_9 = arith.constant 37 : i32
    %dma_start3A_10 = arith.constant 0 : i32
    %dma_start3A_11 = tpu.memref_slice %arg2[%dma_start3A_9, %mul3A_2, %dma_start3A_10] : memref<64x1024x768xf32, #tpu.memory_space<hbm>> -> memref<1x32x768xf32, #tpu.memory_space<hbm>>
    %dma_start3A_12 = tpu.memref_squeeze %dma_start3A_11 : memref<1x32x768xf32, #tpu.memory_space<hbm>> -> memref<32x768xf32, #tpu.memory_space<hbm>>
    %dma_start3A_13 = arith.constant 0 : i32
    %dma_start3A_14 = tpu.memref_slice %arg2[%dma_start3A_9, %mul3A_2, %dma_start3A_13] : memref<64x1024x768xf32, #tpu.memory_space<hbm>> -> memref<1x32x768xf32, #tpu.memory_space<hbm>>
    %dma_start3A_15 = tpu.memref_squeeze %dma_start3A_14 : memref<1x32x768xf32, #tpu.memory_space<hbm>> -> memref<32x768xf32, #tpu.memory_space<hbm>>
    tpu.enqueue_dma source(%dma_start3A_15 : memref<32x768xf32, #tpu.memory_space<hbm>>) target(%arg7 : memref<32x768xf32, #tpu.memory_space<vmem>>) target_semaphore(%arg11 : memref<!tpu.dma_semaphore, #tpu.memory_space<semaphore_mem>>)
    %scan3A = arith.constant 0 : i32
    %scan3A_16 = arith.constant 0 : i32
    %scan3A_17 = arith.constant 14 : i32
    %scan3A_18 = arith.addi %scan3A_16, %scan3A_17 : i32
    %scan3A_19 = arith.constant 1 : i32
    %scan3A_20 = scf.for %scan3A_35 = %scan3A_16 to %scan3A_18 step %scan3A_19 iter_args(%scan3A_36 = %scan3A) -> (i32)  : i32 {
      %mul3A_37 = arith.constant 2 : i32
      %mul3A_38 = arith.muli %mul3A_37, %scan3A_35 : i32
      %add3A_39 = arith.constant 0 : i32
      %add3A_40 = arith.addi %mul3A_38, %add3A_39 : i32
      %add3A_41 = arith.constant 36 : i32
      %add3A_42 = arith.addi %add3A_41, %add3A_40 : i32
      %dma_wait3A_43 = arith.constant 0 : i32
      %dma_wait3A_44 = tpu.memref_slice %arg2[%add3A_42, %mul3A_2, %dma_wait3A_43] : memref<64x1024x768xf32, #tpu.memory_space<hbm>> -> memref<1x32x768xf32, #tpu.memory_space<hbm>>
      %dma_wait3A_45 = tpu.memref_squeeze %dma_wait3A_44 : memref<1x32x768xf32, #tpu.memory_space<hbm>> -> memref<32x768xf32, #tpu.memory_space<hbm>>
      %dma_wait3A_46 = arith.constant 0 : i32
      %dma_wait3A_47 = tpu.memref_slice %arg2[%add3A_42, %mul3A_2, %dma_wait3A_46] : memref<64x1024x768xf32, #tpu.memory_space<hbm>> -> memref<1x32x768xf32, #tpu.memory_space<hbm>>
      %dma_wait3A_48 = tpu.memref_squeeze %dma_wait3A_47 : memref<1x32x768xf32, #tpu.memory_space<hbm>> -> memref<32x768xf32, #tpu.memory_space<hbm>>
      tpu.wait_dma2 semaphore(%arg10 : memref<!tpu.dma_semaphore, #tpu.memory_space<semaphore_mem>>) src(%dma_wait3A_48 : memref<32x768xf32, #tpu.memory_space<hbm>>) dst(%arg6 : memref<32x768xf32, #tpu.memory_space<vmem>>)
      %gt3A = arith.constant 0 : i32
      %gt3A_49 = arith.cmpi sgt, %scan3A_35, %gt3A : i32
      %convert_element_type3A = arith.extui %gt3A_49 : i1 to i32
      %cond3A = arith.constant 0 : i32
      %cond3A_50 = arith.cmpi ne, %convert_element_type3A, %cond3A : i32
      scf.if %cond3A_50 {
        %dma_wait3A_99 = arith.constant 0 : i32
        %dma_wait3A_100 = tpu.memref_slice %arg4[%add3A_40, %mul3A_2, %dma_wait3A_99] : memref<28x1024x768xf32, #tpu.memory_space<hbm>> -> memref<1x32x768xf32, #tpu.memory_space<hbm>>
        %dma_wait3A_101 = tpu.memref_squeeze %dma_wait3A_100 : memref<1x32x768xf32, #tpu.memory_space<hbm>> -> memref<32x768xf32, #tpu.memory_space<hbm>>
        %dma_wait3A_102 = arith.constant 0 : i32
        %dma_wait3A_103 = tpu.memref_slice %arg4[%add3A_40, %mul3A_2, %dma_wait3A_102] : memref<28x1024x768xf32, #tpu.memory_space<hbm>> -> memref<1x32x768xf32, #tpu.memory_space<hbm>>
        %dma_wait3A_104 = tpu.memref_squeeze %dma_wait3A_103 : memref<1x32x768xf32, #tpu.memory_space<hbm>> -> memref<32x768xf32, #tpu.memory_space<hbm>>
        tpu.wait_dma2 semaphore(%arg12 : memref<!tpu.dma_semaphore, #tpu.memory_space<semaphore_mem>>) src(%arg8 : memref<32x768xf32, #tpu.memory_space<vmem>>) dst(%dma_wait3A_104 : memref<32x768xf32, #tpu.memory_space<hbm>>)
      } else {
      }
      %parallel_loop3A = arith.constant 0 : i32
      %parallel_loop3A_51 = arith.constant 32 : i32
      %parallel_loop3A_52 = arith.constant 1 : i32
      scf.for %parallel_loop3A_99 = %parallel_loop3A to %parallel_loop3A_51 step %parallel_loop3A_52  : i32 {
        %parallel_loop3A_100 = arith.index_cast %parallel_loop3A_99 : i32 to index
        %parallel_loop3A_101 = arith.constant 0 : index
        %parallel_loop3A_102 = tpu.vector_load %arg6[%parallel_loop3A_100, %parallel_loop3A_101] {strides = array<i32>} : memref<32x768xf32, #tpu.memory_space<vmem>>, vector<1x16xf32>,
        %parallel_loop3A_103 = vector.shape_cast %parallel_loop3A_102 : vector<1x16xf32> to vector<16xf32>
        %parallel_loop3A_104 = arith.index_cast %parallel_loop3A_99 : i32 to index
        %parallel_loop3A_105 = arith.constant 0 : index
        %parallel_loop3A_106 = tpu.vector_load %arg5[%parallel_loop3A_104, %parallel_loop3A_105] {strides = array<i32>} : memref<32x768xf32, #tpu.memory_space<vmem>>, vector<1x16xf32>,
        %parallel_loop3A_107 = vector.shape_cast %parallel_loop3A_106 : vector<1x16xf32> to vector<16xf32>
        %parallel_loop3A_108 = arith.addf %parallel_loop3A_103, %parallel_loop3A_107 : vector<16xf32>
        %parallel_loop3A_109 = arith.index_cast %parallel_loop3A_99 : i32 to index
        %parallel_loop3A_110 = arith.constant 0 : index
        %parallel_loop3A_111 = tpu.vector_load %arg8[%parallel_loop3A_109, %parallel_loop3A_110] {strides = array<i32>} : memref<32x768xf32, #tpu.memory_space<vmem>>, vector<1x16xf32>,
        %parallel_loop3A_112 = vector.shape_cast %parallel_loop3A_111 : vector<1x16xf32> to vector<16xf32>
        %parallel_loop3A_113 = vector.shape_cast %parallel_loop3A_108 : vector<16xf32> to vector<1x16xf32>
        tpu.vector_store %arg8[%parallel_loop3A_109, %parallel_loop3A_110], %parallel_loop3A_113 {strides = array<i32>} : memref<32x768xf32, #tpu.memory_space<vmem>>, vector<1x16xf32>,
        %parallel_loop3A_114 = arith.index_cast %parallel_loop3A_99 : i32 to index
        %parallel_loop3A_115 = arith.constant 16 : index
        %parallel_loop3A_116 = tpu.vector_load %arg6[%parallel_loop3A_114, %parallel_loop3A_115] {strides = array<i32>} : memref<32x768xf32, #tpu.memory_space<vmem>>, vector<1x16xf32>,
        %parallel_loop3A_117 = vector.shape_cast %parallel_loop3A_116 : vector<1x16xf32> to vector<16xf32>
        %parallel_loop3A_118 = arith.index_cast %parallel_loop3A_99 : i32 to index
        %parallel_loop3A_119 = arith.constant 16 : index
        %parallel_loop3A_120 = tpu.vector_load %arg5[%parallel_loop3A_118, %parallel_loop3A_119] {strides = array<i32>} : memref<32x768xf32, #tpu.memory_space<vmem>>, vector<1x16xf32>,
        %parallel_loop3A_121 = vector.shape_cast %parallel_loop3A_120 : vector<1x16xf32> to vector<16xf32>
        %parallel_loop3A_122 = arith.addf %parallel_loop3A_117, %parallel_loop3A_121 : vector<16xf32>
        %parallel_loop3A_123 = arith.index_cast %parallel_loop3A_99 : i32 to index
        %parallel_loop3A_124 = arith.constant 16 : index
        %parallel_loop3A_125 = tpu.vector_load %arg8[%parallel_loop3A_123, %parallel_loop3A_124] {strides = array<i32>} : memref<32x768xf32, #tpu.memory_space<vmem>>, vector<1x16xf32>,
        %parallel_loop3A_126 = vector.shape_cast %parallel_loop3A_125 : vector<1x16xf32> to vector<16xf32>
        %parallel_loop3A_127 = vector.shape_cast %parallel_loop3A_122 : vector<16xf32> to vector<1x16xf32>
        tpu.vector_store %arg8[%parallel_loop3A_123, %parallel_loop3A_124], %parallel_loop3A_127 {strides = array<i32>} : memref<32x768xf32, #tpu.memory_space<vmem>>, vector<1x16xf32>,
        %parallel_loop3A_128 = arith.index_cast %parallel_loop3A_99 : i32 to index
        %parallel_loop3A_129 = arith.constant 32 : index
        %parallel_loop3A_130 = tpu.vector_load %arg6[%parallel_loop3A_128, %parallel_loop3A_129] {strides = array<i32>} : memref<32x768xf32, #tpu.memory_space<vmem>>, vector<1x16xf32>,
        %parallel_loop3A_131 = vector.shape_cast %parallel_loop3A_130 : vector<1x16xf32> to vector<16xf32>
        %parallel_loop3A_132 = arith.index_cast %parallel_loop3A_99 : i32 to index
        %parallel_loop3A_133 = arith.constant 32 : index
        %parallel_loop3A_134 = tpu.vector_load %arg5[%parallel_loop3A_132, %parallel_loop3A_133] {strides = array<i32>} : memref<32x768xf32, #tpu.memory_space<vmem>>, vector<1x16xf32>,
        %parallel_loop3A_135 = vector.shape_cast %parallel_loop3A_134 : vector<1x16xf32> to vector<16xf32>
        %parallel_loop3A_136 = arith.addf %parallel_loop3A_131, %parallel_loop3A_135 : vector<16xf32>
        %parallel_loop3A_137 = arith.index_cast %parallel_loop3A_99 : i32 to index
        %parallel_loop3A_138 = arith.constant 32 : index
        %parallel_loop3A_139 = tpu.vector_load %arg8[%parallel_loop3A_137, %parallel_loop3A_138] {strides = array<i32>} : memref<32x768xf32, #tpu.memory_space<vmem>>, vector<1x16xf32>,
        %parallel_loop3A_140 = vector.shape_cast %parallel_loop3A_139 : vector<1x16xf32> to vector<16xf32>
        %parallel_loop3A_141 = vector.shape_cast %parallel_loop3A_136 : vector<16xf32> to vector<1x16xf32>
        tpu.vector_store %arg8[%parallel_loop3A_137, %parallel_loop3A_138], %parallel_loop3A_141 {strides = array<i32>} : memref<32x768xf32, #tpu.memory_space<vmem>>, vector<1x16xf32>,
        %parallel_loop3A_142 = arith.index_cast %parallel_loop3A_99 : i32 to index
        %parallel_loop3A_143 = arith.constant 48 : index
        %parallel_loop3A_144 = tpu.vector_load %arg6[%parallel_loop3A_142, %parallel_loop3A_143] {strides = array<i32>} : memref<32x768xf32, #tpu.memory_space<vmem>>, vector<1x16xf32>,
        %parallel_loop3A_145 = vector.shape_cast %parallel_loop3A_144 : vector<1x16xf32> to vector<16xf32>
        %parallel_loop3A_146 = arith.index_cast %parallel_loop3A_99 : i32 to index
        %parallel_loop3A_147 = arith.constant 48 : index
        %parallel_loop3A_148 = tpu.vector_load %arg5[%parallel_loop3A_146, %parallel_loop3A_147] {strides = array<i32>} : memref<32x768xf32, #tpu.memory_space<vmem>>, vector<1x16xf32>,
        %parallel_loop3A_149 = vector.shape_cast %parallel_loop3A_148 : vector<1x16xf32> to vector<16xf32>
        %parallel_loop3A_150 = arith.addf %parallel_loop3A_145, %parallel_loop3A_149 : vector<16xf32>
        %parallel_loop3A_151 = arith.index_cast %parallel_loop3A_99 : i32 to index
        %parallel_loop3A_152 = arith.constant 48 : index
        %parallel_loop3A_153 = tpu.vector_load %arg8[%parallel_loop3A_151, %parallel_loop3A_152] {strides = array<i32>} : memref<32x768xf32, #tpu.memory_space<vmem>>, vector<1x16xf32>,
        %parallel_loop3A_154 = vector.shape_cast %parallel_loop3A_153 : vector<1x16xf32> to vector<16xf32>
        %parallel_loop3A_155 = vector.shape_cast %parallel_loop3A_150 : vector<16xf32> to vector<1x16xf32>
        tpu.vector_store %arg8[%parallel_loop3A_151, %parallel_loop3A_152], %parallel_loop3A_155 {strides = array<i32>} : memref<32x768xf32, #tpu.memory_space<vmem>>, vector<1x16xf32>,
        %parallel_loop3A_156 = arith.index_cast %parallel_loop3A_99 : i32 to index
        %parallel_loop3A_157 = arith.constant 64 : index
        %parallel_loop3A_158 = tpu.vector_load %arg6[%parallel_loop3A_156, %parallel_loop3A_157] {strides = array<i32>} : memref<32x768xf32, #tpu.memory_space<vmem>>, vector<1x16xf32>,
        %parallel_loop3A_159 = vector.shape_cast %parallel_loop3A_158 : vector<1x16xf32> to vector<16xf32>
        %parallel_loop3A_160 = arith.index_cast %parallel_loop3A_99 : i32 to index
        %parallel_loop3A_161 = arith.constant 64 : index
        %parallel_loop3A_162 = tpu.vector_load %arg5[%parallel_loop3A_160, %parallel_loop3A_161] {strides = array<i32>} : memref<32x768xf32, #tpu.memory_space<vmem>>, vector<1x16xf32>,
        %parallel_loop3A_163 = vector.shape_cast %parallel_loop3A_162 : vector<1x16xf32> to vector<16xf32>
        %parallel_loop3A_164 = arith.addf %parallel_loop3A_159, %parallel_loop3A_163 : vector<16xf32>
        %parallel_loop3A_165 = arith.index_cast %parallel_loop3A_99 : i32 to index
        %parallel_loop3A_166 = arith.constant 64 : index
        %parallel_loop3A_167 = tpu.vector_load %arg8[%parallel_loop3A_165, %parallel_loop3A_166] {strides = array<i32>} : memref<32x768xf32, #tpu.memory_space<vmem>>, vector<1x16xf32>,
        %parallel_loop3A_168 = vector.shape_cast %parallel_loop3A_167 : vector<1x16xf32> to vector<16xf32>
        %parallel_loop3A_169 = vector.shape_cast %parallel_loop3A_164 : vector<16xf32> to vector<1x16xf32>
        tpu.vector_store %arg8[%parallel_loop3A_165, %parallel_loop3A_166], %parallel_loop3A_169 {strides = array<i32>} : memref<32x768xf32, #tpu.memory_space<vmem>>, vector<1x16xf32>,
        %parallel_loop3A_170 = arith.index_cast %parallel_loop3A_99 : i32 to index
        %parallel_loop3A_171 = arith.constant 80 : index
        %parallel_loop3A_172 = tpu.vector_load %arg6[%parallel_loop3A_170, %parallel_loop3A_171] {strides = array<i32>} : memref<32x768xf32, #tpu.memory_space<vmem>>, vector<1x16xf32>,
        %parallel_loop3A_173 = vector.shape_cast %parallel_loop3A_172 : vector<1x16xf32> to vector<16xf32>
        %parallel_loop3A_174 = arith.index_cast %parallel_loop3A_99 : i32 to index
        %parallel_loop3A_175 = arith.constant 80 : index
        %parallel_loop3A_176 = tpu.vector_load %arg5[%parallel_loop3A_174, %parallel_loop3A_175] {strides = array<i32>} : memref<32x768xf32, #tpu.memory_space<vmem>>, vector<1x16xf32>,
        %parallel_loop3A_177 = vector.shape_cast %parallel_loop3A_176 : vector<1x16xf32> to vector<16xf32>
        %parallel_loop3A_178 = arith.addf %parallel_loop3A_173, %parallel_loop3A_177 : vector<16xf32>
        %parallel_loop3A_179 = arith.index_cast %parallel_loop3A_99 : i32 to index
        %parallel_loop3A_180 = arith.constant 80 : index
        %parallel_loop3A_181 = tpu.vector_load %arg8[%parallel_loop3A_179, %parallel_loop3A_180] {strides = array<i32>} : memref<32x768xf32, #tpu.memory_space<vmem>>, vector<1x16xf32>,
        %parallel_loop3A_182 = vector.shape_cast %parallel_loop3A_181 : vector<1x16xf32> to vector<16xf32>
        %parallel_loop3A_183 = vector.shape_cast %parallel_loop3A_178 : vector<16xf32> to vector<1x16xf32>
        tpu.vector_store %arg8[%parallel_loop3A_179, %parallel_loop3A_180], %parallel_loop3A_183 {strides = array<i32>} : memref<32x768xf32, #tpu.memory_space<vmem>>, vector<1x16xf32>,
        %parallel_loop3A_184 = arith.index_cast %parallel_loop3A_99 : i32 to index
        %parallel_loop3A_185 = arith.constant 96 : index
        %parallel_loop3A_186 = tpu.vector_load %arg6[%parallel_loop3A_184, %parallel_loop3A_185] {strides = array<i32>} : memref<32x768xf32, #tpu.memory_space<vmem>>, vector<1x16xf32>,
        %parallel_loop3A_187 = vector.shape_cast %parallel_loop3A_186 : vector<1x16xf32> to vector<16xf32>
        %parallel_loop3A_188 = arith.index_cast %parallel_loop3A_99 : i32 to index
        %parallel_loop3A_189 = arith.constant 96 : index
        %parallel_loop3A_190 = tpu.vector_load %arg5[%parallel_loop3A_188, %parallel_loop3A_189] {strides = array<i32>} : memref<32x768xf32, #tpu.memory_space<vmem>>, vector<1x16xf32>,
        %parallel_loop3A_191 = vector.shape_cast %parallel_loop3A_190 : vector<1x16xf32> to vector<16xf32>
        %parallel_loop3A_192 = arith.addf %parallel_loop3A_187, %parallel_loop3A_191 : vector<16xf32>
        %parallel_loop3A_193 = arith.index_cast %parallel_loop3A_99 : i32 to index
        %parallel_loop3A_194 = arith.constant 96 : index
        %parallel_loop3A_195 = tpu.vector_load %arg8[%parallel_loop3A_193, %parallel_loop3A_194] {strides = array<i32>} : memref<32x768xf32, #tpu.memory_space<vmem>>, vector<1x16xf32>,
        %parallel_loop3A_196 = vector.shape_cast %parallel_loop3A_195 : vector<1x16xf32> to vector<16xf32>
        %parallel_loop3A_197 = vector.shape_cast %parallel_loop3A_192 : vector<16xf32> to vector<1x16xf32>
        tpu.vector_store %arg8[%parallel_loop3A_193, %parallel_loop3A_194], %parallel_loop3A_197 {strides = array<i32>} : memref<32x768xf32, #tpu.memory_space<vmem>>, vector<1x16xf32>,
        %parallel_loop3A_198 = arith.index_cast %parallel_loop3A_99 : i32 to index
        %parallel_loop3A_199 = arith.constant 112 : index
        %parallel_loop3A_200 = tpu.vector_load %arg6[%parallel_loop3A_198, %parallel_loop3A_199] {strides = array<i32>} : memref<32x768xf32, #tpu.memory_space<vmem>>, vector<1x16xf32>,
        %parallel_loop3A_201 = vector.shape_cast %parallel_loop3A_200 : vector<1x16xf32> to vector<16xf32>
        %parallel_loop3A_202 = arith.index_cast %parallel_loop3A_99 : i32 to index
        %parallel_loop3A_203 = arith.constant 112 : index
        %parallel_loop3A_204 = tpu.vector_load %arg5[%parallel_loop3A_202, %parallel_loop3A_203] {strides = array<i32>} : memref<32x768xf32, #tpu.memory_space<vmem>>, vector<1x16xf32>,
        %parallel_loop3A_205 = vector.shape_cast %parallel_loop3A_204 : vector<1x16xf32> to vector<16xf32>
        %parallel_loop3A_206 = arith.addf %parallel_loop3A_201, %parallel_loop3A_205 : vector<16xf32>
        %parallel_loop3A_207 = arith.index_cast %parallel_loop3A_99 : i32 to index
        %parallel_loop3A_208 = arith.constant 112 : index
        %parallel_loop3A_209 = tpu.vector_load %arg8[%parallel_loop3A_207, %parallel_loop3A_208] {strides = array<i32>} : memref<32x768xf32, #tpu.memory_space<vmem>>, vector<1x16xf32>,
        %parallel_loop3A_210 = vector.shape_cast %parallel_loop3A_209 : vector<1x16xf32> to vector<16xf32>
        %parallel_loop3A_211 = vector.shape_cast %parallel_loop3A_206 : vector<16xf32> to vector<1x16xf32>
        tpu.vector_store %arg8[%parallel_loop3A_207, %parallel_loop3A_208], %parallel_loop3A_211 {strides = array<i32>} : memref<32x768xf32, #tpu.memory_space<vmem>>, vector<1x16xf32>,
        %parallel_loop3A_212 = arith.index_cast %parallel_loop3A_99 : i32 to index
        %parallel_loop3A_213 = arith.constant 128 : index
        %parallel_loop3A_214 = tpu.vector_load %arg6[%parallel_loop3A_212, %parallel_loop3A_213] {strides = array<i32>} : memref<32x768xf32, #tpu.memory_space<vmem>>, vector<1x16xf32>,
        %parallel_loop3A_215 = vector.shape_cast %parallel_loop3A_214 : vector<1x16xf32> to vector<16xf32>
        %parallel_loop3A_216 = arith.index_cast %parallel_loop3A_99 : i32 to index
        %parallel_loop3A_217 = arith.constant 128 : index
        %parallel_loop3A_218 = tpu.vector_load %arg5[%parallel_loop3A_216, %parallel_loop3A_217] {strides = array<i32>} : memref<32x768xf32, #tpu.memory_space<vmem>>, vector<1x16xf32>,
        %parallel_loop3A_219 = vector.shape_cast %parallel_loop3A_218 : vector<1x16xf32> to vector<16xf32>
        %parallel_loop3A_220 = arith.addf %parallel_loop3A_215, %parallel_loop3A_219 : vector<16xf32>
        %parallel_loop3A_221 = arith.index_cast %parallel_loop3A_99 : i32 to index
        %parallel_loop3A_222 = arith.constant 128 : index
        %parallel_loop3A_223 = tpu.vector_load %arg8[%parallel_loop3A_221, %parallel_loop3A_222] {strides = array<i32>} : memref<32x768xf32, #tpu.memory_space<vmem>>, vector<1x16xf32>,
        %parallel_loop3A_224 = vector.shape_cast %parallel_loop3A_223 : vector<1x16xf32> to vector<16xf32>
        %parallel_loop3A_225 = vector.shape_cast %parallel_loop3A_220 : vector<16xf32> to vector<1x16xf32>
        tpu.vector_store %arg8[%parallel_loop3A_221, %parallel_loop3A_222], %parallel_loop3A_225 {strides = array<i32>} : memref<32x768xf32, #tpu.memory_space<vmem>>, vector<1x16xf32>,
        %parallel_loop3A_226 = arith.index_cast %parallel_loop3A_99 : i32 to index
        %parallel_loop3A_227 = arith.constant 144 : index
        %parallel_loop3A_228 = tpu.vector_load %arg6[%parallel_loop3A_226, %parallel_loop3A_227] {strides = array<i32>} : memref<32x768xf32, #tpu.memory_space<vmem>>, vector<1x16xf32>,
        %parallel_loop3A_229 = vector.shape_cast %parallel_loop3A_228 : vector<1x16xf32> to vector<16xf32>
        %parallel_loop3A_230 = arith.index_cast %parallel_loop3A_99 : i32 to index
        %parallel_loop3A_231 = arith.constant 144 : index
        %parallel_loop3A_232 = tpu.vector_load %arg5[%parallel_loop3A_230, %parallel_loop3A_231] {strides = array<i32>} : memref<32x768xf32, #tpu.memory_space<vmem>>, vector<1x16xf32>,
        %parallel_loop3A_233 = vector.shape_cast %parallel_loop3A_232 : vector<1x16xf32> to vector<16xf32>
        %parallel_loop3A_234 = arith.addf %parallel_loop3A_229, %parallel_loop3A_233 : vector<16xf32>
        %parallel_loop3A_235 = arith.index_cast %parallel_loop3A_99 : i32 to index
        %parallel_loop3A_236 = arith.constant 144 : index
        %parallel_loop3A_237 = tpu.vector_load %arg8[%parallel_loop3A_235, %parallel_loop3A_236] {strides = array<i32>} : memref<32x768xf32, #tpu.memory_space<vmem>>, vector<1x16xf32>,
        %parallel_loop3A_238 = vector.shape_cast %parallel_loop3A_237 : vector<1x16xf32> to vector<16xf32>
        %parallel_loop3A_239 = vector.shape_cast %parallel_loop3A_234 : vector<16xf32> to vector<1x16xf32>
        tpu.vector_store %arg8[%parallel_loop3A_235, %parallel_loop3A_236], %parallel_loop3A_239 {strides = array<i32>} : memref<32x768xf32, #tpu.memory_space<vmem>>, vector<1x16xf32>,
        %parallel_loop3A_240 = arith.index_cast %parallel_loop3A_99 : i32 to index
        %parallel_loop3A_241 = arith.constant 160 : index
        %parallel_loop3A_242 = tpu.vector_load %arg6[%parallel_loop3A_240, %parallel_loop3A_241] {strides = array<i32>} : memref<32x768xf32, #tpu.memory_space<vmem>>, vector<1x16xf32>,
        %parallel_loop3A_243 = vector.shape_cast %parallel_loop3A_242 : vector<1x16xf32> to vector<16xf32>
        %parallel_loop3A_244 = arith.index_cast %parallel_loop3A_99 : i32 to index
        %parallel_loop3A_245 = arith.constant 160 : index
        %parallel_loop3A_246 = tpu.vector_load %arg5[%parallel_loop3A_244, %parallel_loop3A_245] {strides = array<i32>} : memref<32x768xf32, #tpu.memory_space<vmem>>, vector<1x16xf32>,
        %parallel_loop3A_247 = vector.shape_cast %parallel_loop3A_246 : vector<1x16xf32> to vector<16xf32>
        %parallel_loop3A_248 = arith.addf %parallel_loop3A_243, %parallel_loop3A_247 : vector<16xf32>
        %parallel_loop3A_249 = arith.index_cast %parallel_loop3A_99 : i32 to index
        %parallel_loop3A_250 = arith.constant 160 : index
        %parallel_loop3A_251 = tpu.vector_load %arg8[%parallel_loop3A_249, %parallel_loop3A_250] {strides = array<i32>} : memref<32x768xf32, #tpu.memory_space<vmem>>, vector<1x16xf32>,
        %parallel_loop3A_252 = vector.shape_cast %parallel_loop3A_251 : vector<1x16xf32> to vector<16xf32>
        %parallel_loop3A_253 = vector.shape_cast %parallel_loop3A_248 : vector<16xf32> to vector<1x16xf32>
        tpu.vector_store %arg8[%parallel_loop3A_249, %parallel_loop3A_250], %parallel_loop3A_253 {strides = array<i32>} : memref<32x768xf32, #tpu.memory_space<vmem>>, vector<1x16xf32>,
        %parallel_loop3A_254 = arith.index_cast %parallel_loop3A_99 : i32 to index
        %parallel_loop3A_255 = arith.constant 176 : index
        %parallel_loop3A_256 = tpu.vector_load %arg6[%parallel_loop3A_254, %parallel_loop3A_255] {strides = array<i32>} : memref<32x768xf32, #tpu.memory_space<vmem>>, vector<1x16xf32>,
        %parallel_loop3A_257 = vector.shape_cast %parallel_loop3A_256 : vector<1x16xf32> to vector<16xf32>
        %parallel_loop3A_258 = arith.index_cast %parallel_loop3A_99 : i32 to index
        %parallel_loop3A_259 = arith.constant 176 : index
        %parallel_loop3A_260 = tpu.vector_load %arg5[%parallel_loop3A_258, %parallel_loop3A_259] {strides = array<i32>} : memref<32x768xf32, #tpu.memory_space<vmem>>, vector<1x16xf32>,
        %parallel_loop3A_261 = vector.shape_cast %parallel_loop3A_260 : vector<1x16xf32> to vector<16xf32>
        %parallel_loop3A_262 = arith.addf %parallel_loop3A_257, %parallel_loop3A_261 : vector<16xf32>
        %parallel_loop3A_263 = arith.index_cast %parallel_loop3A_99 : i32 to index
        %parallel_loop3A_264 = arith.constant 176 : index
        %parallel_loop3A_265 = tpu.vector_load %arg8[%parallel_loop3A_263, %parallel_loop3A_264] {strides = array<i32>} : memref<32x768xf32, #tpu.memory_space<vmem>>, vector<1x16xf32>,
        %parallel_loop3A_266 = vector.shape_cast %parallel_loop3A_265 : vector<1x16xf32> to vector<16xf32>
        %parallel_loop3A_267 = vector.shape_cast %parallel_loop3A_262 : vector<16xf32> to vector<1x16xf32>
        tpu.vector_store %arg8[%parallel_loop3A_263, %parallel_loop3A_264], %parallel_loop3A_267 {strides = array<i32>} : memref<32x768xf32, #tpu.memory_space<vmem>>, vector<1x16xf32>,
        %parallel_loop3A_268 = arith.index_cast %parallel_loop3A_99 : i32 to index
        %parallel_loop3A_269 = arith.constant 192 : index
        %parallel_loop3A_270 = tpu.vector_load %arg6[%parallel_loop3A_268, %parallel_loop3A_269] {strides = array<i32>} : memref<32x768xf32, #tpu.memory_space<vmem>>, vector<1x16xf32>,
        %parallel_loop3A_271 = vector.shape_cast %parallel_loop3A_270 : vector<1x16xf32> to vector<16xf32>
        %parallel_loop3A_272 = arith.index_cast %parallel_loop3A_99 : i32 to index
        %parallel_loop3A_273 = arith.constant 192 : index
        %parallel_loop3A_274 = tpu.vector_load %arg5[%parallel_loop3A_272, %parallel_loop3A_273] {strides = array<i32>} : memref<32x768xf32, #tpu.memory_space<vmem>>, vector<1x16xf32>,
        %parallel_loop3A_275 = vector.shape_cast %parallel_loop3A_274 : vector<1x16xf32> to vector<16xf32>
        %parallel_loop3A_276 = arith.addf %parallel_loop3A_271, %parallel_loop3A_275 : vector<16xf32>
        %parallel_loop3A_277 = arith.index_cast %parallel_loop3A_99 : i32 to index
        %parallel_loop3A_278 = arith.constant 192 : index
        %parallel_loop3A_279 = tpu.vector_load %arg8[%parallel_loop3A_277, %parallel_loop3A_278] {strides = array<i32>} : memref<32x768xf32, #tpu.memory_space<vmem>>, vector<1x16xf32>,
        %parallel_loop3A_280 = vector.shape_cast %parallel_loop3A_279 : vector<1x16xf32> to vector<16xf32>
        %parallel_loop3A_281 = vector.shape_cast %parallel_loop3A_276 : vector<16xf32> to vector<1x16xf32>
        tpu.vector_store %arg8[%parallel_loop3A_277, %parallel_loop3A_278], %parallel_loop3A_281 {strides = array<i32>} : memref<32x768xf32, #tpu.memory_space<vmem>>, vector<1x16xf32>,
        %parallel_loop3A_282 = arith.index_cast %parallel_loop3A_99 : i32 to index
        %parallel_loop3A_283 = arith.constant 208 : index
        %parallel_loop3A_284 = tpu.vector_load %arg6[%parallel_loop3A_282, %parallel_loop3A_283] {strides = array<i32>} : memref<32x768xf32, #tpu.memory_space<vmem>>, vector<1x16xf32>,
        %parallel_loop3A_285 = vector.shape_cast %parallel_loop3A_284 : vector<1x16xf32> to vector<16xf32>
        %parallel_loop3A_286 = arith.index_cast %parallel_loop3A_99 : i32 to index
        %parallel_loop3A_287 = arith.constant 208 : index
        %parallel_loop3A_288 = tpu.vector_load %arg5[%parallel_loop3A_286, %parallel_loop3A_287] {strides = array<i32>} : memref<32x768xf32, #tpu.memory_space<vmem>>, vector<1x16xf32>,
        %parallel_loop3A_289 = vector.shape_cast %parallel_loop3A_288 : vector<1x16xf32> to vector<16xf32>
        %parallel_loop3A_290 = arith.addf %parallel_loop3A_285, %parallel_loop3A_289 : vector<16xf32>
        %parallel_loop3A_291 = arith.index_cast %parallel_loop3A_99 : i32 to index
        %parallel_loop3A_292 = arith.constant 208 : index
        %parallel_loop3A_293 = tpu.vector_load %arg8[%parallel_loop3A_291, %parallel_loop3A_292] {strides = array<i32>} : memref<32x768xf32, #tpu.memory_space<vmem>>, vector<1x16xf32>,
        %parallel_loop3A_294 = vector.shape_cast %parallel_loop3A_293 : vector<1x16xf32> to vector<16xf32>
        %parallel_loop3A_295 = vector.shape_cast %parallel_loop3A_290 : vector<16xf32> to vector<1x16xf32>
        tpu.vector_store %arg8[%parallel_loop3A_291, %parallel_loop3A_292], %parallel_loop3A_295 {strides = array<i32>} : memref<32x768xf32, #tpu.memory_space<vmem>>, vector<1x16xf32>,
        %parallel_loop3A_296 = arith.index_cast %parallel_loop3A_99 : i32 to index
        %parallel_loop3A_297 = arith.constant 224 : index
        %parallel_loop3A_298 = tpu.vector_load %arg6[%parallel_loop3A_296, %parallel_loop3A_297] {strides = array<i32>} : memref<32x768xf32, #tpu.memory_space<vmem>>, vector<1x16xf32>,
        %parallel_loop3A_299 = vector.shape_cast %parallel_loop3A_298 : vector<1x16xf32> to vector<16xf32>
        %parallel_loop3A_300 = arith.index_cast %parallel_loop3A_99 : i32 to index
        %parallel_loop3A_301 = arith.constant 224 : index
        %parallel_loop3A_302 = tpu.vector_load %arg5[%parallel_loop3A_300, %parallel_loop3A_301] {strides = array<i32>} : memref<32x768xf32, #tpu.memory_space<vmem>>, vector<1x16xf32>,
        %parallel_loop3A_303 = vector.shape_cast %parallel_loop3A_302 : vector<1x16xf32> to vector<16xf32>
        %parallel_loop3A_304 = arith.addf %parallel_loop3A_299, %parallel_loop3A_303 : vector<16xf32>
        %parallel_loop3A_305 = arith.index_cast %parallel_loop3A_99 : i32 to index
        %parallel_loop3A_306 = arith.constant 224 : index
        %parallel_loop3A_307 = tpu.vector_load %arg8[%parallel_loop3A_305, %parallel_loop3A_306] {strides = array<i32>} : memref<32x768xf32, #tpu.memory_space<vmem>>, vector<1x16xf32>,
        %parallel_loop3A_308 = vector.shape_cast %parallel_loop3A_307 : vector<1x16xf32> to vector<16xf32>
        %parallel_loop3A_309 = vector.shape_cast %parallel_loop3A_304 : vector<16xf32> to vector<1x16xf32>
        tpu.vector_store %arg8[%parallel_loop3A_305, %parallel_loop3A_306], %parallel_loop3A_309 {strides = array<i32>} : memref<32x768xf32, #tpu.memory_space<vmem>>, vector<1x16xf32>,
        %parallel_loop3A_310 = arith.index_cast %parallel_loop3A_99 : i32 to index
        %parallel_loop3A_311 = arith.constant 240 : index
        %parallel_loop3A_312 = tpu.vector_load %arg6[%parallel_loop3A_310, %parallel_loop3A_311] {strides = array<i32>} : memref<32x768xf32, #tpu.memory_space<vmem>>, vector<1x16xf32>,
        %parallel_loop3A_313 = vector.shape_cast %parallel_loop3A_312 : vector<1x16xf32> to vector<16xf32>
        %parallel_loop3A_314 = arith.index_cast %parallel_loop3A_99 : i32 to index
        %parallel_loop3A_315 = arith.constant 240 : index
        %parallel_loop3A_316 = tpu.vector_load %arg5[%parallel_loop3A_314, %parallel_loop3A_315] {strides = array<i32>} : memref<32x768xf32, #tpu.memory_space<vmem>>, vector<1x16xf32>,
        %parallel_loop3A_317 = vector.shape_cast %parallel_loop3A_316 : vector<1x16xf32> to vector<16xf32>
        %parallel_loop3A_318 = arith.addf %parallel_loop3A_313, %parallel_loop3A_317 : vector<16xf32>
        %parallel_loop3A_319 = arith.index_cast %parallel_loop3A_99 : i32 to index
        %parallel_loop3A_320 = arith.constant 240 : index
        %parallel_loop3A_321 = tpu.vector_load %arg8[%parallel_loop3A_319, %parallel_loop3A_320] {strides = array<i32>} : memref<32x768xf32, #tpu.memory_space<vmem>>, vector<1x16xf32>,
        %parallel_loop3A_322 = vector.shape_cast %parallel_loop3A_321 : vector<1x16xf32> to vector<16xf32>
        %parallel_loop3A_323 = vector.shape_cast %parallel_loop3A_318 : vector<16xf32> to vector<1x16xf32>
        tpu.vector_store %arg8[%parallel_loop3A_319, %parallel_loop3A_320], %parallel_loop3A_323 {strides = array<i32>} : memref<32x768xf32, #tpu.memory_space<vmem>>, vector<1x16xf32>,
        %parallel_loop3A_324 = arith.index_cast %parallel_loop3A_99 : i32 to index
        %parallel_loop3A_325 = arith.constant 256 : index
        %parallel_loop3A_326 = tpu.vector_load %arg6[%parallel_loop3A_324, %parallel_loop3A_325] {strides = array<i32>} : memref<32x768xf32, #tpu.memory_space<vmem>>, vector<1x16xf32>,
        %parallel_loop3A_327 = vector.shape_cast %parallel_loop3A_326 : vector<1x16xf32> to vector<16xf32>
        %parallel_loop3A_328 = arith.index_cast %parallel_loop3A_99 : i32 to index
        %parallel_loop3A_329 = arith.constant 256 : index
        %parallel_loop3A_330 = tpu.vector_load %arg5[%parallel_loop3A_328, %parallel_loop3A_329] {strides = array<i32>} : memref<32x768xf32, #tpu.memory_space<vmem>>, vector<1x16xf32>,
        %parallel_loop3A_331 = vector.shape_cast %parallel_loop3A_330 : vector<1x16xf32> to vector<16xf32>
        %parallel_loop3A_332 = arith.addf %parallel_loop3A_327, %parallel_loop3A_331 : vector<16xf32>
        %parallel_loop3A_333 = arith.index_cast %parallel_loop3A_99 : i32 to index
        %parallel_loop3A_334 = arith.constant 256 : index
        %parallel_loop3A_335 = tpu.vector_load %arg8[%parallel_loop3A_333, %parallel_loop3A_334] {strides = array<i32>} : memref<32x768xf32, #tpu.memory_space<vmem>>, vector<1x16xf32>,
        %parallel_loop3A_336 = vector.shape_cast %parallel_loop3A_335 : vector<1x16xf32> to vector<16xf32>
        %parallel_loop3A_337 = vector.shape_cast %parallel_loop3A_332 : vector<16xf32> to vector<1x16xf32>
        tpu.vector_store %arg8[%parallel_loop3A_333, %parallel_loop3A_334], %parallel_loop3A_337 {strides = array<i32>} : memref<32x768xf32, #tpu.memory_space<vmem>>, vector<1x16xf32>,
        %parallel_loop3A_338 = arith.index_cast %parallel_loop3A_99 : i32 to index
        %parallel_loop3A_339 = arith.constant 272 : index
        %parallel_loop3A_340 = tpu.vector_load %arg6[%parallel_loop3A_338, %parallel_loop3A_339] {strides = array<i32>} : memref<32x768xf32, #tpu.memory_space<vmem>>, vector<1x16xf32>,
        %parallel_loop3A_341 = vector.shape_cast %parallel_loop3A_340 : vector<1x16xf32> to vector<16xf32>
        %parallel_loop3A_342 = arith.index_cast %parallel_loop3A_99 : i32 to index
        %parallel_loop3A_343 = arith.constant 272 : index
        %parallel_loop3A_344 = tpu.vector_load %arg5[%parallel_loop3A_342, %parallel_loop3A_343] {strides = array<i32>} : memref<32x768xf32, #tpu.memory_space<vmem>>, vector<1x16xf32>,
        %parallel_loop3A_345 = vector.shape_cast %parallel_loop3A_344 : vector<1x16xf32> to vector<16xf32>
        %parallel_loop3A_346 = arith.addf %parallel_loop3A_341, %parallel_loop3A_345 : vector<16xf32>
        %parallel_loop3A_347 = arith.index_cast %parallel_loop3A_99 : i32 to index
        %parallel_loop3A_348 = arith.constant 272 : index
        %parallel_loop3A_349 = tpu.vector_load %arg8[%parallel_loop3A_347, %parallel_loop3A_348] {strides = array<i32>} : memref<32x768xf32, #tpu.memory_space<vmem>>, vector<1x16xf32>,
        %parallel_loop3A_350 = vector.shape_cast %parallel_loop3A_349 : vector<1x16xf32> to vector<16xf32>
        %parallel_loop3A_351 = vector.shape_cast %parallel_loop3A_346 : vector<16xf32> to vector<1x16xf32>
        tpu.vector_store %arg8[%parallel_loop3A_347, %parallel_loop3A_348], %parallel_loop3A_351 {strides = array<i32>} : memref<32x768xf32, #tpu.memory_space<vmem>>, vector<1x16xf32>,
        %parallel_loop3A_352 = arith.index_cast %parallel_loop3A_99 : i32 to index
        %parallel_loop3A_353 = arith.constant 288 : index
        %parallel_loop3A_354 = tpu.vector_load %arg6[%parallel_loop3A_352, %parallel_loop3A_353] {strides = array<i32>} : memref<32x768xf32, #tpu.memory_space<vmem>>, vector<1x16xf32>,
        %parallel_loop3A_355 = vector.shape_cast %parallel_loop3A_354 : vector<1x16xf32> to vector<16xf32>
        %parallel_loop3A_356 = arith.index_cast %parallel_loop3A_99 : i32 to index
        %parallel_loop3A_357 = arith.constant 288 : index
        %parallel_loop3A_358 = tpu.vector_load %arg5[%parallel_loop3A_356, %parallel_loop3A_357] {strides = array<i32>} : memref<32x768xf32, #tpu.memory_space<vmem>>, vector<1x16xf32>,
        %parallel_loop3A_359 = vector.shape_cast %parallel_loop3A_358 : vector<1x16xf32> to vector<16xf32>
        %parallel_loop3A_360 = arith.addf %parallel_loop3A_355, %parallel_loop3A_359 : vector<16xf32>
        %parallel_loop3A_361 = arith.index_cast %parallel_loop3A_99 : i32 to index
        %parallel_loop3A_362 = arith.constant 288 : index
        %parallel_loop3A_363 = tpu.vector_load %arg8[%parallel_loop3A_361, %parallel_loop3A_362] {strides = array<i32>} : memref<32x768xf32, #tpu.memory_space<vmem>>, vector<1x16xf32>,
        %parallel_loop3A_364 = vector.shape_cast %parallel_loop3A_363 : vector<1x16xf32> to vector<16xf32>
        %parallel_loop3A_365 = vector.shape_cast %parallel_loop3A_360 : vector<16xf32> to vector<1x16xf32>
        tpu.vector_store %arg8[%parallel_loop3A_361, %parallel_loop3A_362], %parallel_loop3A_365 {strides = array<i32>} : memref<32x768xf32, #tpu.memory_space<vmem>>, vector<1x16xf32>,
        %parallel_loop3A_366 = arith.index_cast %parallel_loop3A_99 : i32 to index
        %parallel_loop3A_367 = arith.constant 304 : index
        %parallel_loop3A_368 = tpu.vector_load %arg6[%parallel_loop3A_366, %parallel_loop3A_367] {strides = array<i32>} : memref<32x768xf32, #tpu.memory_space<vmem>>, vector<1x16xf32>,
        %parallel_loop3A_369 = vector.shape_cast %parallel_loop3A_368 : vector<1x16xf32> to vector<16xf32>
        %parallel_loop3A_370 = arith.index_cast %parallel_loop3A_99 : i32 to index
        %parallel_loop3A_371 = arith.constant 304 : index
        %parallel_loop3A_372 = tpu.vector_load %arg5[%parallel_loop3A_370, %parallel_loop3A_371] {strides = array<i32>} : memref<32x768xf32, #tpu.memory_space<vmem>>, vector<1x16xf32>,
        %parallel_loop3A_373 = vector.shape_cast %parallel_loop3A_372 : vector<1x16xf32> to vector<16xf32>
        %parallel_loop3A_374 = arith.addf %parallel_loop3A_369, %parallel_loop3A_373 : vector<16xf32>
        %parallel_loop3A_375 = arith.index_cast %parallel_loop3A_99 : i32 to index
        %parallel_loop3A_376 = arith.constant 304 : index
        %parallel_loop3A_377 = tpu.vector_load %arg8[%parallel_loop3A_375, %parallel_loop3A_376] {strides = array<i32>} : memref<32x768xf32, #tpu.memory_space<vmem>>, vector<1x16xf32>,
        %parallel_loop3A_378 = vector.shape_cast %parallel_loop3A_377 : vector<1x16xf32> to vector<16xf32>
        %parallel_loop3A_379 = vector.shape_cast %parallel_loop3A_374 : vector<16xf32> to vector<1x16xf32>
        tpu.vector_store %arg8[%parallel_loop3A_375, %parallel_loop3A_376], %parallel_loop3A_379 {strides = array<i32>} : memref<32x768xf32, #tpu.memory_space<vmem>>, vector<1x16xf32>,
        %parallel_loop3A_380 = arith.index_cast %parallel_loop3A_99 : i32 to index
        %parallel_loop3A_381 = arith.constant 320 : index
        %parallel_loop3A_382 = tpu.vector_load %arg6[%parallel_loop3A_380, %parallel_loop3A_381] {strides = array<i32>} : memref<32x768xf32, #tpu.memory_space<vmem>>, vector<1x16xf32>,
        %parallel_loop3A_383 = vector.shape_cast %parallel_loop3A_382 : vector<1x16xf32> to vector<16xf32>
        %parallel_loop3A_384 = arith.index_cast %parallel_loop3A_99 : i32 to index
        %parallel_loop3A_385 = arith.constant 320 : index
        %parallel_loop3A_386 = tpu.vector_load %arg5[%parallel_loop3A_384, %parallel_loop3A_385] {strides = array<i32>} : memref<32x768xf32, #tpu.memory_space<vmem>>, vector<1x16xf32>,
        %parallel_loop3A_387 = vector.shape_cast %parallel_loop3A_386 : vector<1x16xf32> to vector<16xf32>
        %parallel_loop3A_388 = arith.addf %parallel_loop3A_383, %parallel_loop3A_387 : vector<16xf32>
        %parallel_loop3A_389 = arith.index_cast %parallel_loop3A_99 : i32 to index
        %parallel_loop3A_390 = arith.constant 320 : index
        %parallel_loop3A_391 = tpu.vector_load %arg8[%parallel_loop3A_389, %parallel_loop3A_390] {strides = array<i32>} : memref<32x768xf32, #tpu.memory_space<vmem>>, vector<1x16xf32>,
        %parallel_loop3A_392 = vector.shape_cast %parallel_loop3A_391 : vector<1x16xf32> to vector<16xf32>
        %parallel_loop3A_393 = vector.shape_cast %parallel_loop3A_388 : vector<16xf32> to vector<1x16xf32>
        tpu.vector_store %arg8[%parallel_loop3A_389, %parallel_loop3A_390], %parallel_loop3A_393 {strides = array<i32>} : memref<32x768xf32, #tpu.memory_space<vmem>>, vector<1x16xf32>,
        %parallel_loop3A_394 = arith.index_cast %parallel_loop3A_99 : i32 to index
        %parallel_loop3A_395 = arith.constant 336 : index
        %parallel_loop3A_396 = tpu.vector_load %arg6[%parallel_loop3A_394, %parallel_loop3A_395] {strides = array<i32>} : memref<32x768xf32, #tpu.memory_space<vmem>>, vector<1x16xf32>,
        %parallel_loop3A_397 = vector.shape_cast %parallel_loop3A_396 : vector<1x16xf32> to vector<16xf32>
        %parallel_loop3A_398 = arith.index_cast %parallel_loop3A_99 : i32 to index
        %parallel_loop3A_399 = arith.constant 336 : index
        %parallel_loop3A_400 = tpu.vector_load %arg5[%parallel_loop3A_398, %parallel_loop3A_399] {strides = array<i32>} : memref<32x768xf32, #tpu.memory_space<vmem>>, vector<1x16xf32>,
        %parallel_loop3A_401 = vector.shape_cast %parallel_loop3A_400 : vector<1x16xf32> to vector<16xf32>
        %parallel_loop3A_402 = arith.addf %parallel_loop3A_397, %parallel_loop3A_401 : vector<16xf32>
        %parallel_loop3A_403 = arith.index_cast %parallel_loop3A_99 : i32 to index
        %parallel_loop3A_404 = arith.constant 336 : index
        %parallel_loop3A_405 = tpu.vector_load %arg8[%parallel_loop3A_403, %parallel_loop3A_404] {strides = array<i32>} : memref<32x768xf32, #tpu.memory_space<vmem>>, vector<1x16xf32>,
        %parallel_loop3A_406 = vector.shape_cast %parallel_loop3A_405 : vector<1x16xf32> to vector<16xf32>
        %parallel_loop3A_407 = vector.shape_cast %parallel_loop3A_402 : vector<16xf32> to vector<1x16xf32>
        tpu.vector_store %arg8[%parallel_loop3A_403, %parallel_loop3A_404], %parallel_loop3A_407 {strides = array<i32>} : memref<32x768xf32, #tpu.memory_space<vmem>>, vector<1x16xf32>,
        %parallel_loop3A_408 = arith.index_cast %parallel_loop3A_99 : i32 to index
        %parallel_loop3A_409 = arith.constant 352 : index
        %parallel_loop3A_410 = tpu.vector_load %arg6[%parallel_loop3A_408, %parallel_loop3A_409] {strides = array<i32>} : memref<32x768xf32, #tpu.memory_space<vmem>>, vector<1x16xf32>,
        %parallel_loop3A_411 = vector.shape_cast %parallel_loop3A_410 : vector<1x16xf32> to vector<16xf32>
        %parallel_loop3A_412 = arith.index_cast %parallel_loop3A_99 : i32 to index
        %parallel_loop3A_413 = arith.constant 352 : index
        %parallel_loop3A_414 = tpu.vector_load %arg5[%parallel_loop3A_412, %parallel_loop3A_413] {strides = array<i32>} : memref<32x768xf32, #tpu.memory_space<vmem>>, vector<1x16xf32>,
        %parallel_loop3A_415 = vector.shape_cast %parallel_loop3A_414 : vector<1x16xf32> to vector<16xf32>
        %parallel_loop3A_416 = arith.addf %parallel_loop3A_411, %parallel_loop3A_415 : vector<16xf32>
        %parallel_loop3A_417 = arith.index_cast %parallel_loop3A_99 : i32 to index
        %parallel_loop3A_418 = arith.constant 352 : index
        %parallel_loop3A_419 = tpu.vector_load %arg8[%parallel_loop3A_417, %parallel_loop3A_418] {strides = array<i32>} : memref<32x768xf32, #tpu.memory_space<vmem>>, vector<1x16xf32>,
        %parallel_loop3A_420 = vector.shape_cast %parallel_loop3A_419 : vector<1x16xf32> to vector<16xf32>
        %parallel_loop3A_421 = vector.shape_cast %parallel_loop3A_416 : vector<16xf32> to vector<1x16xf32>
        tpu.vector_store %arg8[%parallel_loop3A_417, %parallel_loop3A_418], %parallel_loop3A_421 {strides = array<i32>} : memref<32x768xf32, #tpu.memory_space<vmem>>, vector<1x16xf32>,
        %parallel_loop3A_422 = arith.index_cast %parallel_loop3A_99 : i32 to index
        %parallel_loop3A_423 = arith.constant 368 : index
        %parallel_loop3A_424 = tpu.vector_load %arg6[%parallel_loop3A_422, %parallel_loop3A_423] {strides = array<i32>} : memref<32x768xf32, #tpu.memory_space<vmem>>, vector<1x16xf32>,
        %parallel_loop3A_425 = vector.shape_cast %parallel_loop3A_424 : vector<1x16xf32> to vector<16xf32>
        %parallel_loop3A_426 = arith.index_cast %parallel_loop3A_99 : i32 to index
        %parallel_loop3A_427 = arith.constant 368 : index
        %parallel_loop3A_428 = tpu.vector_load %arg5[%parallel_loop3A_426, %parallel_loop3A_427] {strides = array<i32>} : memref<32x768xf32, #tpu.memory_space<vmem>>, vector<1x16xf32>,
        %parallel_loop3A_429 = vector.shape_cast %parallel_loop3A_428 : vector<1x16xf32> to vector<16xf32>
        %parallel_loop3A_430 = arith.addf %parallel_loop3A_425, %parallel_loop3A_429 : vector<16xf32>
        %parallel_loop3A_431 = arith.index_cast %parallel_loop3A_99 : i32 to index
        %parallel_loop3A_432 = arith.constant 368 : index
        %parallel_loop3A_433 = tpu.vector_load %arg8[%parallel_loop3A_431, %parallel_loop3A_432] {strides = array<i32>} : memref<32x768xf32, #tpu.memory_space<vmem>>, vector<1x16xf32>,
        %parallel_loop3A_434 = vector.shape_cast %parallel_loop3A_433 : vector<1x16xf32> to vector<16xf32>
        %parallel_loop3A_435 = vector.shape_cast %parallel_loop3A_430 : vector<16xf32> to vector<1x16xf32>
        tpu.vector_store %arg8[%parallel_loop3A_431, %parallel_loop3A_432], %parallel_loop3A_435 {strides = array<i32>} : memref<32x768xf32, #tpu.memory_space<vmem>>, vector<1x16xf32>,
        %parallel_loop3A_436 = arith.index_cast %parallel_loop3A_99 : i32 to index
        %parallel_loop3A_437 = arith.constant 384 : index
        %parallel_loop3A_438 = tpu.vector_load %arg6[%parallel_loop3A_436, %parallel_loop3A_437] {strides = array<i32>} : memref<32x768xf32, #tpu.memory_space<vmem>>, vector<1x16xf32>,
        %parallel_loop3A_439 = vector.shape_cast %parallel_loop3A_438 : vector<1x16xf32> to vector<16xf32>
        %parallel_loop3A_440 = arith.index_cast %parallel_loop3A_99 : i32 to index
        %parallel_loop3A_441 = arith.constant 384 : index
        %parallel_loop3A_442 = tpu.vector_load %arg5[%parallel_loop3A_440, %parallel_loop3A_441] {strides = array<i32>} : memref<32x768xf32, #tpu.memory_space<vmem>>, vector<1x16xf32>,
        %parallel_loop3A_443 = vector.shape_cast %parallel_loop3A_442 : vector<1x16xf32> to vector<16xf32>
        %parallel_loop3A_444 = arith.addf %parallel_loop3A_439, %parallel_loop3A_443 : vector<16xf32>
        %parallel_loop3A_445 = arith.index_cast %parallel_loop3A_99 : i32 to index
        %parallel_loop3A_446 = arith.constant 384 : index
        %parallel_loop3A_447 = tpu.vector_load %arg8[%parallel_loop3A_445, %parallel_loop3A_446] {strides = array<i32>} : memref<32x768xf32, #tpu.memory_space<vmem>>, vector<1x16xf32>,
        %parallel_loop3A_448 = vector.shape_cast %parallel_loop3A_447 : vector<1x16xf32> to vector<16xf32>
        %parallel_loop3A_449 = vector.shape_cast %parallel_loop3A_444 : vector<16xf32> to vector<1x16xf32>
        tpu.vector_store %arg8[%parallel_loop3A_445, %parallel_loop3A_446], %parallel_loop3A_449 {strides = array<i32>} : memref<32x768xf32, #tpu.memory_space<vmem>>, vector<1x16xf32>,
        %parallel_loop3A_450 = arith.index_cast %parallel_loop3A_99 : i32 to index
        %parallel_loop3A_451 = arith.constant 400 : index
        %parallel_loop3A_452 = tpu.vector_load %arg6[%parallel_loop3A_450, %parallel_loop3A_451] {strides = array<i32>} : memref<32x768xf32, #tpu.memory_space<vmem>>, vector<1x16xf32>,
        %parallel_loop3A_453 = vector.shape_cast %parallel_loop3A_452 : vector<1x16xf32> to vector<16xf32>
        %parallel_loop3A_454 = arith.index_cast %parallel_loop3A_99 : i32 to index
        %parallel_loop3A_455 = arith.constant 400 : index
        %parallel_loop3A_456 = tpu.vector_load %arg5[%parallel_loop3A_454, %parallel_loop3A_455] {strides = array<i32>} : memref<32x768xf32, #tpu.memory_space<vmem>>, vector<1x16xf32>,
        %parallel_loop3A_457 = vector.shape_cast %parallel_loop3A_456 : vector<1x16xf32> to vector<16xf32>
        %parallel_loop3A_458 = arith.addf %parallel_loop3A_453, %parallel_loop3A_457 : vector<16xf32>
        %parallel_loop3A_459 = arith.index_cast %parallel_loop3A_99 : i32 to index
        %parallel_loop3A_460 = arith.constant 400 : index
        %parallel_loop3A_461 = tpu.vector_load %arg8[%parallel_loop3A_459, %parallel_loop3A_460] {strides = array<i32>} : memref<32x768xf32, #tpu.memory_space<vmem>>, vector<1x16xf32>,
        %parallel_loop3A_462 = vector.shape_cast %parallel_loop3A_461 : vector<1x16xf32> to vector<16xf32>
        %parallel_loop3A_463 = vector.shape_cast %parallel_loop3A_458 : vector<16xf32> to vector<1x16xf32>
        tpu.vector_store %arg8[%parallel_loop3A_459, %parallel_loop3A_460], %parallel_loop3A_463 {strides = array<i32>} : memref<32x768xf32, #tpu.memory_space<vmem>>, vector<1x16xf32>,
        %parallel_loop3A_464 = arith.index_cast %parallel_loop3A_99 : i32 to index
        %parallel_loop3A_465 = arith.constant 416 : index
        %parallel_loop3A_466 = tpu.vector_load %arg6[%parallel_loop3A_464, %parallel_loop3A_465] {strides = array<i32>} : memref<32x768xf32, #tpu.memory_space<vmem>>, vector<1x16xf32>,
        %parallel_loop3A_467 = vector.shape_cast %parallel_loop3A_466 : vector<1x16xf32> to vector<16xf32>
        %parallel_loop3A_468 = arith.index_cast %parallel_loop3A_99 : i32 to index
        %parallel_loop3A_469 = arith.constant 416 : index
        %parallel_loop3A_470 = tpu.vector_load %arg5[%parallel_loop3A_468, %parallel_loop3A_469] {strides = array<i32>} : memref<32x768xf32, #tpu.memory_space<vmem>>, vector<1x16xf32>,
        %parallel_loop3A_471 = vector.shape_cast %parallel_loop3A_470 : vector<1x16xf32> to vector<16xf32>
        %parallel_loop3A_472 = arith.addf %parallel_loop3A_467, %parallel_loop3A_471 : vector<16xf32>
        %parallel_loop3A_473 = arith.index_cast %parallel_loop3A_99 : i32 to index
        %parallel_loop3A_474 = arith.constant 416 : index
        %parallel_loop3A_475 = tpu.vector_load %arg8[%parallel_loop3A_473, %parallel_loop3A_474] {strides = array<i32>} : memref<32x768xf32, #tpu.memory_space<vmem>>, vector<1x16xf32>,
        %parallel_loop3A_476 = vector.shape_cast %parallel_loop3A_475 : vector<1x16xf32> to vector<16xf32>
        %parallel_loop3A_477 = vector.shape_cast %parallel_loop3A_472 : vector<16xf32> to vector<1x16xf32>
        tpu.vector_store %arg8[%parallel_loop3A_473, %parallel_loop3A_474], %parallel_loop3A_477 {strides = array<i32>} : memref<32x768xf32, #tpu.memory_space<vmem>>, vector<1x16xf32>,
        %parallel_loop3A_478 = arith.index_cast %parallel_loop3A_99 : i32 to index
        %parallel_loop3A_479 = arith.constant 432 : index
        %parallel_loop3A_480 = tpu.vector_load %arg6[%parallel_loop3A_478, %parallel_loop3A_479] {strides = array<i32>} : memref<32x768xf32, #tpu.memory_space<vmem>>, vector<1x16xf32>,
        %parallel_loop3A_481 = vector.shape_cast %parallel_loop3A_480 : vector<1x16xf32> to vector<16xf32>
        %parallel_loop3A_482 = arith.index_cast %parallel_loop3A_99 : i32 to index
        %parallel_loop3A_483 = arith.constant 432 : index
        %parallel_loop3A_484 = tpu.vector_load %arg5[%parallel_loop3A_482, %parallel_loop3A_483] {strides = array<i32>} : memref<32x768xf32, #tpu.memory_space<vmem>>, vector<1x16xf32>,
        %parallel_loop3A_485 = vector.shape_cast %parallel_loop3A_484 : vector<1x16xf32> to vector<16xf32>
        %parallel_loop3A_486 = arith.addf %parallel_loop3A_481, %parallel_loop3A_485 : vector<16xf32>
        %parallel_loop3A_487 = arith.index_cast %parallel_loop3A_99 : i32 to index
        %parallel_loop3A_488 = arith.constant 432 : index
        %parallel_loop3A_489 = tpu.vector_load %arg8[%parallel_loop3A_487, %parallel_loop3A_488] {strides = array<i32>} : memref<32x768xf32, #tpu.memory_space<vmem>>, vector<1x16xf32>,
        %parallel_loop3A_490 = vector.shape_cast %parallel_loop3A_489 : vector<1x16xf32> to vector<16xf32>
        %parallel_loop3A_491 = vector.shape_cast %parallel_loop3A_486 : vector<16xf32> to vector<1x16xf32>
        tpu.vector_store %arg8[%parallel_loop3A_487, %parallel_loop3A_488], %parallel_loop3A_491 {strides = array<i32>} : memref<32x768xf32, #tpu.memory_space<vmem>>, vector<1x16xf32>,
        %parallel_loop3A_492 = arith.index_cast %parallel_loop3A_99 : i32 to index
        %parallel_loop3A_493 = arith.constant 448 : index
        %parallel_loop3A_494 = tpu.vector_load %arg6[%parallel_loop3A_492, %parallel_loop3A_493] {strides = array<i32>} : memref<32x768xf32, #tpu.memory_space<vmem>>, vector<1x16xf32>,
        %parallel_loop3A_495 = vector.shape_cast %parallel_loop3A_494 : vector<1x16xf32> to vector<16xf32>
        %parallel_loop3A_496 = arith.index_cast %parallel_loop3A_99 : i32 to index
        %parallel_loop3A_497 = arith.constant 448 : index
        %parallel_loop3A_498 = tpu.vector_load %arg5[%parallel_loop3A_496, %parallel_loop3A_497] {strides = array<i32>} : memref<32x768xf32, #tpu.memory_space<vmem>>, vector<1x16xf32>,
        %parallel_loop3A_499 = vector.shape_cast %parallel_loop3A_498 : vector<1x16xf32> to vector<16xf32>
        %parallel_loop3A_500 = arith.addf %parallel_loop3A_495, %parallel_loop3A_499 : vector<16xf32>
        %parallel_loop3A_501 = arith.index_cast %parallel_loop3A_99 : i32 to index
        %parallel_loop3A_502 = arith.constant 448 : index
        %parallel_loop3A_503 = tpu.vector_load %arg8[%parallel_loop3A_501, %parallel_loop3A_502] {strides = array<i32>} : memref<32x768xf32, #tpu.memory_space<vmem>>, vector<1x16xf32>,
        %parallel_loop3A_504 = vector.shape_cast %parallel_loop3A_503 : vector<1x16xf32> to vector<16xf32>
        %parallel_loop3A_505 = vector.shape_cast %parallel_loop3A_500 : vector<16xf32> to vector<1x16xf32>
        tpu.vector_store %arg8[%parallel_loop3A_501, %parallel_loop3A_502], %parallel_loop3A_505 {strides = array<i32>} : memref<32x768xf32, #tpu.memory_space<vmem>>, vector<1x16xf32>,
        %parallel_loop3A_506 = arith.index_cast %parallel_loop3A_99 : i32 to index
        %parallel_loop3A_507 = arith.constant 464 : index
        %parallel_loop3A_508 = tpu.vector_load %arg6[%parallel_loop3A_506, %parallel_loop3A_507] {strides = array<i32>} : memref<32x768xf32, #tpu.memory_space<vmem>>, vector<1x16xf32>,
        %parallel_loop3A_509 = vector.shape_cast %parallel_loop3A_508 : vector<1x16xf32> to vector<16xf32>
        %parallel_loop3A_510 = arith.index_cast %parallel_loop3A_99 : i32 to index
        %parallel_loop3A_511 = arith.constant 464 : index
        %parallel_loop3A_512 = tpu.vector_load %arg5[%parallel_loop3A_510, %parallel_loop3A_511] {strides = array<i32>} : memref<32x768xf32, #tpu.memory_space<vmem>>, vector<1x16xf32>,
        %parallel_loop3A_513 = vector.shape_cast %parallel_loop3A_512 : vector<1x16xf32> to vector<16xf32>
        %parallel_loop3A_514 = arith.addf %parallel_loop3A_509, %parallel_loop3A_513 : vector<16xf32>
        %parallel_loop3A_515 = arith.index_cast %parallel_loop3A_99 : i32 to index
        %parallel_loop3A_516 = arith.constant 464 : index
        %parallel_loop3A_517 = tpu.vector_load %arg8[%parallel_loop3A_515, %parallel_loop3A_516] {strides = array<i32>} : memref<32x768xf32, #tpu.memory_space<vmem>>, vector<1x16xf32>,
        %parallel_loop3A_518 = vector.shape_cast %parallel_loop3A_517 : vector<1x16xf32> to vector<16xf32>
        %parallel_loop3A_519 = vector.shape_cast %parallel_loop3A_514 : vector<16xf32> to vector<1x16xf32>
        tpu.vector_store %arg8[%parallel_loop3A_515, %parallel_loop3A_516], %parallel_loop3A_519 {strides = array<i32>} : memref<32x768xf32, #tpu.memory_space<vmem>>, vector<1x16xf32>,
        %parallel_loop3A_520 = arith.index_cast %parallel_loop3A_99 : i32 to index
        %parallel_loop3A_521 = arith.constant 480 : index
        %parallel_loop3A_522 = tpu.vector_load %arg6[%parallel_loop3A_520, %parallel_loop3A_521] {strides = array<i32>} : memref<32x768xf32, #tpu.memory_space<vmem>>, vector<1x16xf32>,
        %parallel_loop3A_523 = vector.shape_cast %parallel_loop3A_522 : vector<1x16xf32> to vector<16xf32>
        %parallel_loop3A_524 = arith.index_cast %parallel_loop3A_99 : i32 to index
        %parallel_loop3A_525 = arith.constant 480 : index
        %parallel_loop3A_526 = tpu.vector_load %arg5[%parallel_loop3A_524, %parallel_loop3A_525] {strides = array<i32>} : memref<32x768xf32, #tpu.memory_space<vmem>>, vector<1x16xf32>,
        %parallel_loop3A_527 = vector.shape_cast %parallel_loop3A_526 : vector<1x16xf32> to vector<16xf32>
        %parallel_loop3A_528 = arith.addf %parallel_loop3A_523, %parallel_loop3A_527 : vector<16xf32>
        %parallel_loop3A_529 = arith.index_cast %parallel_loop3A_99 : i32 to index
        %parallel_loop3A_530 = arith.constant 480 : index
        %parallel_loop3A_531 = tpu.vector_load %arg8[%parallel_loop3A_529, %parallel_loop3A_530] {strides = array<i32>} : memref<32x768xf32, #tpu.memory_space<vmem>>, vector<1x16xf32>,
        %parallel_loop3A_532 = vector.shape_cast %parallel_loop3A_531 : vector<1x16xf32> to vector<16xf32>
        %parallel_loop3A_533 = vector.shape_cast %parallel_loop3A_528 : vector<16xf32> to vector<1x16xf32>
        tpu.vector_store %arg8[%parallel_loop3A_529, %parallel_loop3A_530], %parallel_loop3A_533 {strides = array<i32>} : memref<32x768xf32, #tpu.memory_space<vmem>>, vector<1x16xf32>,
        %parallel_loop3A_534 = arith.index_cast %parallel_loop3A_99 : i32 to index
        %parallel_loop3A_535 = arith.constant 496 : index
        %parallel_loop3A_536 = tpu.vector_load %arg6[%parallel_loop3A_534, %parallel_loop3A_535] {strides = array<i32>} : memref<32x768xf32, #tpu.memory_space<vmem>>, vector<1x16xf32>,
        %parallel_loop3A_537 = vector.shape_cast %parallel_loop3A_536 : vector<1x16xf32> to vector<16xf32>
        %parallel_loop3A_538 = arith.index_cast %parallel_loop3A_99 : i32 to index
        %parallel_loop3A_539 = arith.constant 496 : index
        %parallel_loop3A_540 = tpu.vector_load %arg5[%parallel_loop3A_538, %parallel_loop3A_539] {strides = array<i32>} : memref<32x768xf32, #tpu.memory_space<vmem>>, vector<1x16xf32>,
        %parallel_loop3A_541 = vector.shape_cast %parallel_loop3A_540 : vector<1x16xf32> to vector<16xf32>
        %parallel_loop3A_542 = arith.addf %parallel_loop3A_537, %parallel_loop3A_541 : vector<16xf32>
        %parallel_loop3A_543 = arith.index_cast %parallel_loop3A_99 : i32 to index
        %parallel_loop3A_544 = arith.constant 496 : index
        %parallel_loop3A_545 = tpu.vector_load %arg8[%parallel_loop3A_543, %parallel_loop3A_544] {strides = array<i32>} : memref<32x768xf32, #tpu.memory_space<vmem>>, vector<1x16xf32>,
        %parallel_loop3A_546 = vector.shape_cast %parallel_loop3A_545 : vector<1x16xf32> to vector<16xf32>
        %parallel_loop3A_547 = vector.shape_cast %parallel_loop3A_542 : vector<16xf32> to vector<1x16xf32>
        tpu.vector_store %arg8[%parallel_loop3A_543, %parallel_loop3A_544], %parallel_loop3A_547 {strides = array<i32>} : memref<32x768xf32, #tpu.memory_space<vmem>>, vector<1x16xf32>,
        %parallel_loop3A_548 = arith.index_cast %parallel_loop3A_99 : i32 to index
        %parallel_loop3A_549 = arith.constant 512 : index
        %parallel_loop3A_550 = tpu.vector_load %arg6[%parallel_loop3A_548, %parallel_loop3A_549] {strides = array<i32>} : memref<32x768xf32, #tpu.memory_space<vmem>>, vector<1x16xf32>,
        %parallel_loop3A_551 = vector.shape_cast %parallel_loop3A_550 : vector<1x16xf32> to vector<16xf32>
        %parallel_loop3A_552 = arith.index_cast %parallel_loop3A_99 : i32 to index
        %parallel_loop3A_553 = arith.constant 512 : index
        %parallel_loop3A_554 = tpu.vector_load %arg5[%parallel_loop3A_552, %parallel_loop3A_553] {strides = array<i32>} : memref<32x768xf32, #tpu.memory_space<vmem>>, vector<1x16xf32>,
        %parallel_loop3A_555 = vector.shape_cast %parallel_loop3A_554 : vector<1x16xf32> to vector<16xf32>
        %parallel_loop3A_556 = arith.addf %parallel_loop3A_551, %parallel_loop3A_555 : vector<16xf32>
        %parallel_loop3A_557 = arith.index_cast %parallel_loop3A_99 : i32 to index
        %parallel_loop3A_558 = arith.constant 512 : index
        %parallel_loop3A_559 = tpu.vector_load %arg8[%parallel_loop3A_557, %parallel_loop3A_558] {strides = array<i32>} : memref<32x768xf32, #tpu.memory_space<vmem>>, vector<1x16xf32>,
        %parallel_loop3A_560 = vector.shape_cast %parallel_loop3A_559 : vector<1x16xf32> to vector<16xf32>
        %parallel_loop3A_561 = vector.shape_cast %parallel_loop3A_556 : vector<16xf32> to vector<1x16xf32>
        tpu.vector_store %arg8[%parallel_loop3A_557, %parallel_loop3A_558], %parallel_loop3A_561 {strides = array<i32>} : memref<32x768xf32, #tpu.memory_space<vmem>>, vector<1x16xf32>,
        %parallel_loop3A_562 = arith.index_cast %parallel_loop3A_99 : i32 to index
        %parallel_loop3A_563 = arith.constant 528 : index
        %parallel_loop3A_564 = tpu.vector_load %arg6[%parallel_loop3A_562, %parallel_loop3A_563] {strides = array<i32>} : memref<32x768xf32, #tpu.memory_space<vmem>>, vector<1x16xf32>,
        %parallel_loop3A_565 = vector.shape_cast %parallel_loop3A_564 : vector<1x16xf32> to vector<16xf32>
        %parallel_loop3A_566 = arith.index_cast %parallel_loop3A_99 : i32 to index
        %parallel_loop3A_567 = arith.constant 528 : index
        %parallel_loop3A_568 = tpu.vector_load %arg5[%parallel_loop3A_566, %parallel_loop3A_567] {strides = array<i32>} : memref<32x768xf32, #tpu.memory_space<vmem>>, vector<1x16xf32>,
        %parallel_loop3A_569 = vector.shape_cast %parallel_loop3A_568 : vector<1x16xf32> to vector<16xf32>
        %parallel_loop3A_570 = arith.addf %parallel_loop3A_565, %parallel_loop3A_569 : vector<16xf32>
        %parallel_loop3A_571 = arith.index_cast %parallel_loop3A_99 : i32 to index
        %parallel_loop3A_572 = arith.constant 528 : index
        %parallel_loop3A_573 = tpu.vector_load %arg8[%parallel_loop3A_571, %parallel_loop3A_572] {strides = array<i32>} : memref<32x768xf32, #tpu.memory_space<vmem>>, vector<1x16xf32>,
        %parallel_loop3A_574 = vector.shape_cast %parallel_loop3A_573 : vector<1x16xf32> to vector<16xf32>
        %parallel_loop3A_575 = vector.shape_cast %parallel_loop3A_570 : vector<16xf32> to vector<1x16xf32>
        tpu.vector_store %arg8[%parallel_loop3A_571, %parallel_loop3A_572], %parallel_loop3A_575 {strides = array<i32>} : memref<32x768xf32, #tpu.memory_space<vmem>>, vector<1x16xf32>,
        %parallel_loop3A_576 = arith.index_cast %parallel_loop3A_99 : i32 to index
        %parallel_loop3A_577 = arith.constant 544 : index
        %parallel_loop3A_578 = tpu.vector_load %arg6[%parallel_loop3A_576, %parallel_loop3A_577] {strides = array<i32>} : memref<32x768xf32, #tpu.memory_space<vmem>>, vector<1x16xf32>,
        %parallel_loop3A_579 = vector.shape_cast %parallel_loop3A_578 : vector<1x16xf32> to vector<16xf32>
        %parallel_loop3A_580 = arith.index_cast %parallel_loop3A_99 : i32 to index
        %parallel_loop3A_581 = arith.constant 544 : index
        %parallel_loop3A_582 = tpu.vector_load %arg5[%parallel_loop3A_580, %parallel_loop3A_581] {strides = array<i32>} : memref<32x768xf32, #tpu.memory_space<vmem>>, vector<1x16xf32>,
        %parallel_loop3A_583 = vector.shape_cast %parallel_loop3A_582 : vector<1x16xf32> to vector<16xf32>
        %parallel_loop3A_584 = arith.addf %parallel_loop3A_579, %parallel_loop3A_583 : vector<16xf32>
        %parallel_loop3A_585 = arith.index_cast %parallel_loop3A_99 : i32 to index
        %parallel_loop3A_586 = arith.constant 544 : index
        %parallel_loop3A_587 = tpu.vector_load %arg8[%parallel_loop3A_585, %parallel_loop3A_586] {strides = array<i32>} : memref<32x768xf32, #tpu.memory_space<vmem>>, vector<1x16xf32>,
        %parallel_loop3A_588 = vector.shape_cast %parallel_loop3A_587 : vector<1x16xf32> to vector<16xf32>
        %parallel_loop3A_589 = vector.shape_cast %parallel_loop3A_584 : vector<16xf32> to vector<1x16xf32>
        tpu.vector_store %arg8[%parallel_loop3A_585, %parallel_loop3A_586], %parallel_loop3A_589 {strides = array<i32>} : memref<32x768xf32, #tpu.memory_space<vmem>>, vector<1x16xf32>,
        %parallel_loop3A_590 = arith.index_cast %parallel_loop3A_99 : i32 to index
        %parallel_loop3A_591 = arith.constant 560 : index
        %parallel_loop3A_592 = tpu.vector_load %arg6[%parallel_loop3A_590, %parallel_loop3A_591] {strides = array<i32>} : memref<32x768xf32, #tpu.memory_space<vmem>>, vector<1x16xf32>,
        %parallel_loop3A_593 = vector.shape_cast %parallel_loop3A_592 : vector<1x16xf32> to vector<16xf32>
        %parallel_loop3A_594 = arith.index_cast %parallel_loop3A_99 : i32 to index
        %parallel_loop3A_595 = arith.constant 560 : index
        %parallel_loop3A_596 = tpu.vector_load %arg5[%parallel_loop3A_594, %parallel_loop3A_595] {strides = array<i32>} : memref<32x768xf32, #tpu.memory_space<vmem>>, vector<1x16xf32>,
        %parallel_loop3A_597 = vector.shape_cast %parallel_loop3A_596 : vector<1x16xf32> to vector<16xf32>
        %parallel_loop3A_598 = arith.addf %parallel_loop3A_593, %parallel_loop3A_597 : vector<16xf32>
        %parallel_loop3A_599 = arith.index_cast %parallel_loop3A_99 : i32 to index
        %parallel_loop3A_600 = arith.constant 560 : index
        %parallel_loop3A_601 = tpu.vector_load %arg8[%parallel_loop3A_599, %parallel_loop3A_600] {strides = array<i32>} : memref<32x768xf32, #tpu.memory_space<vmem>>, vector<1x16xf32>,
        %parallel_loop3A_602 = vector.shape_cast %parallel_loop3A_601 : vector<1x16xf32> to vector<16xf32>
        %parallel_loop3A_603 = vector.shape_cast %parallel_loop3A_598 : vector<16xf32> to vector<1x16xf32>
        tpu.vector_store %arg8[%parallel_loop3A_599, %parallel_loop3A_600], %parallel_loop3A_603 {strides = array<i32>} : memref<32x768xf32, #tpu.memory_space<vmem>>, vector<1x16xf32>,
        %parallel_loop3A_604 = arith.index_cast %parallel_loop3A_99 : i32 to index
        %parallel_loop3A_605 = arith.constant 576 : index
        %parallel_loop3A_606 = tpu.vector_load %arg6[%parallel_loop3A_604, %parallel_loop3A_605] {strides = array<i32>} : memref<32x768xf32, #tpu.memory_space<vmem>>, vector<1x16xf32>,
        %parallel_loop3A_607 = vector.shape_cast %parallel_loop3A_606 : vector<1x16xf32> to vector<16xf32>
        %parallel_loop3A_608 = arith.index_cast %parallel_loop3A_99 : i32 to index
        %parallel_loop3A_609 = arith.constant 576 : index
        %parallel_loop3A_610 = tpu.vector_load %arg5[%parallel_loop3A_608, %parallel_loop3A_609] {strides = array<i32>} : memref<32x768xf32, #tpu.memory_space<vmem>>, vector<1x16xf32>,
        %parallel_loop3A_611 = vector.shape_cast %parallel_loop3A_610 : vector<1x16xf32> to vector<16xf32>
        %parallel_loop3A_612 = arith.addf %parallel_loop3A_607, %parallel_loop3A_611 : vector<16xf32>
        %parallel_loop3A_613 = arith.index_cast %parallel_loop3A_99 : i32 to index
        %parallel_loop3A_614 = arith.constant 576 : index
        %parallel_loop3A_615 = tpu.vector_load %arg8[%parallel_loop3A_613, %parallel_loop3A_614] {strides = array<i32>} : memref<32x768xf32, #tpu.memory_space<vmem>>, vector<1x16xf32>,
        %parallel_loop3A_616 = vector.shape_cast %parallel_loop3A_615 : vector<1x16xf32> to vector<16xf32>
        %parallel_loop3A_617 = vector.shape_cast %parallel_loop3A_612 : vector<16xf32> to vector<1x16xf32>
        tpu.vector_store %arg8[%parallel_loop3A_613, %parallel_loop3A_614], %parallel_loop3A_617 {strides = array<i32>} : memref<32x768xf32, #tpu.memory_space<vmem>>, vector<1x16xf32>,
        %parallel_loop3A_618 = arith.index_cast %parallel_loop3A_99 : i32 to index
        %parallel_loop3A_619 = arith.constant 592 : index
        %parallel_loop3A_620 = tpu.vector_load %arg6[%parallel_loop3A_618, %parallel_loop3A_619] {strides = array<i32>} : memref<32x768xf32, #tpu.memory_space<vmem>>, vector<1x16xf32>,
        %parallel_loop3A_621 = vector.shape_cast %parallel_loop3A_620 : vector<1x16xf32> to vector<16xf32>
        %parallel_loop3A_622 = arith.index_cast %parallel_loop3A_99 : i32 to index
        %parallel_loop3A_623 = arith.constant 592 : index
        %parallel_loop3A_624 = tpu.vector_load %arg5[%parallel_loop3A_622, %parallel_loop3A_623] {strides = array<i32>} : memref<32x768xf32, #tpu.memory_space<vmem>>, vector<1x16xf32>,
        %parallel_loop3A_625 = vector.shape_cast %parallel_loop3A_624 : vector<1x16xf32> to vector<16xf32>
        %parallel_loop3A_626 = arith.addf %parallel_loop3A_621, %parallel_loop3A_625 : vector<16xf32>
        %parallel_loop3A_627 = arith.index_cast %parallel_loop3A_99 : i32 to index
        %parallel_loop3A_628 = arith.constant 592 : index
        %parallel_loop3A_629 = tpu.vector_load %arg8[%parallel_loop3A_627, %parallel_loop3A_628] {strides = array<i32>} : memref<32x768xf32, #tpu.memory_space<vmem>>, vector<1x16xf32>,
        %parallel_loop3A_630 = vector.shape_cast %parallel_loop3A_629 : vector<1x16xf32> to vector<16xf32>
        %parallel_loop3A_631 = vector.shape_cast %parallel_loop3A_626 : vector<16xf32> to vector<1x16xf32>
        tpu.vector_store %arg8[%parallel_loop3A_627, %parallel_loop3A_628], %parallel_loop3A_631 {strides = array<i32>} : memref<32x768xf32, #tpu.memory_space<vmem>>, vector<1x16xf32>,
        %parallel_loop3A_632 = arith.index_cast %parallel_loop3A_99 : i32 to index
        %parallel_loop3A_633 = arith.constant 608 : index
        %parallel_loop3A_634 = tpu.vector_load %arg6[%parallel_loop3A_632, %parallel_loop3A_633] {strides = array<i32>} : memref<32x768xf32, #tpu.memory_space<vmem>>, vector<1x16xf32>,
        %parallel_loop3A_635 = vector.shape_cast %parallel_loop3A_634 : vector<1x16xf32> to vector<16xf32>
        %parallel_loop3A_636 = arith.index_cast %parallel_loop3A_99 : i32 to index
        %parallel_loop3A_637 = arith.constant 608 : index
        %parallel_loop3A_638 = tpu.vector_load %arg5[%parallel_loop3A_636, %parallel_loop3A_637] {strides = array<i32>} : memref<32x768xf32, #tpu.memory_space<vmem>>, vector<1x16xf32>,
        %parallel_loop3A_639 = vector.shape_cast %parallel_loop3A_638 : vector<1x16xf32> to vector<16xf32>
        %parallel_loop3A_640 = arith.addf %parallel_loop3A_635, %parallel_loop3A_639 : vector<16xf32>
        %parallel_loop3A_641 = arith.index_cast %parallel_loop3A_99 : i32 to index
        %parallel_loop3A_642 = arith.constant 608 : index
        %parallel_loop3A_643 = tpu.vector_load %arg8[%parallel_loop3A_641, %parallel_loop3A_642] {strides = array<i32>} : memref<32x768xf32, #tpu.memory_space<vmem>>, vector<1x16xf32>,
        %parallel_loop3A_644 = vector.shape_cast %parallel_loop3A_643 : vector<1x16xf32> to vector<16xf32>
        %parallel_loop3A_645 = vector.shape_cast %parallel_loop3A_640 : vector<16xf32> to vector<1x16xf32>
        tpu.vector_store %arg8[%parallel_loop3A_641, %parallel_loop3A_642], %parallel_loop3A_645 {strides = array<i32>} : memref<32x768xf32, #tpu.memory_space<vmem>>, vector<1x16xf32>,
        %parallel_loop3A_646 = arith.index_cast %parallel_loop3A_99 : i32 to index
        %parallel_loop3A_647 = arith.constant 624 : index
        %parallel_loop3A_648 = tpu.vector_load %arg6[%parallel_loop3A_646, %parallel_loop3A_647] {strides = array<i32>} : memref<32x768xf32, #tpu.memory_space<vmem>>, vector<1x16xf32>,
        %parallel_loop3A_649 = vector.shape_cast %parallel_loop3A_648 : vector<1x16xf32> to vector<16xf32>
        %parallel_loop3A_650 = arith.index_cast %parallel_loop3A_99 : i32 to index
        %parallel_loop3A_651 = arith.constant 624 : index
        %parallel_loop3A_652 = tpu.vector_load %arg5[%parallel_loop3A_650, %parallel_loop3A_651] {strides = array<i32>} : memref<32x768xf32, #tpu.memory_space<vmem>>, vector<1x16xf32>,
        %parallel_loop3A_653 = vector.shape_cast %parallel_loop3A_652 : vector<1x16xf32> to vector<16xf32>
        %parallel_loop3A_654 = arith.addf %parallel_loop3A_649, %parallel_loop3A_653 : vector<16xf32>
        %parallel_loop3A_655 = arith.index_cast %parallel_loop3A_99 : i32 to index
        %parallel_loop3A_656 = arith.constant 624 : index
        %parallel_loop3A_657 = tpu.vector_load %arg8[%parallel_loop3A_655, %parallel_loop3A_656] {strides = array<i32>} : memref<32x768xf32, #tpu.memory_space<vmem>>, vector<1x16xf32>,
        %parallel_loop3A_658 = vector.shape_cast %parallel_loop3A_657 : vector<1x16xf32> to vector<16xf32>
        %parallel_loop3A_659 = vector.shape_cast %parallel_loop3A_654 : vector<16xf32> to vector<1x16xf32>
        tpu.vector_store %arg8[%parallel_loop3A_655, %parallel_loop3A_656], %parallel_loop3A_659 {strides = array<i32>} : memref<32x768xf32, #tpu.memory_space<vmem>>, vector<1x16xf32>,
        %parallel_loop3A_660 = arith.index_cast %parallel_loop3A_99 : i32 to index
        %parallel_loop3A_661 = arith.constant 640 : index
        %parallel_loop3A_662 = tpu.vector_load %arg6[%parallel_loop3A_660, %parallel_loop3A_661] {strides = array<i32>} : memref<32x768xf32, #tpu.memory_space<vmem>>, vector<1x16xf32>,
        %parallel_loop3A_663 = vector.shape_cast %parallel_loop3A_662 : vector<1x16xf32> to vector<16xf32>
        %parallel_loop3A_664 = arith.index_cast %parallel_loop3A_99 : i32 to index
        %parallel_loop3A_665 = arith.constant 640 : index
        %parallel_loop3A_666 = tpu.vector_load %arg5[%parallel_loop3A_664, %parallel_loop3A_665] {strides = array<i32>} : memref<32x768xf32, #tpu.memory_space<vmem>>, vector<1x16xf32>,
        %parallel_loop3A_667 = vector.shape_cast %parallel_loop3A_666 : vector<1x16xf32> to vector<16xf32>
        %parallel_loop3A_668 = arith.addf %parallel_loop3A_663, %parallel_loop3A_667 : vector<16xf32>
        %parallel_loop3A_669 = arith.index_cast %parallel_loop3A_99 : i32 to index
        %parallel_loop3A_670 = arith.constant 640 : index
        %parallel_loop3A_671 = tpu.vector_load %arg8[%parallel_loop3A_669, %parallel_loop3A_670] {strides = array<i32>} : memref<32x768xf32, #tpu.memory_space<vmem>>, vector<1x16xf32>,
        %parallel_loop3A_672 = vector.shape_cast %parallel_loop3A_671 : vector<1x16xf32> to vector<16xf32>
        %parallel_loop3A_673 = vector.shape_cast %parallel_loop3A_668 : vector<16xf32> to vector<1x16xf32>
        tpu.vector_store %arg8[%parallel_loop3A_669, %parallel_loop3A_670], %parallel_loop3A_673 {strides = array<i32>} : memref<32x768xf32, #tpu.memory_space<vmem>>, vector<1x16xf32>,
        %parallel_loop3A_674 = arith.index_cast %parallel_loop3A_99 : i32 to index
        %parallel_loop3A_675 = arith.constant 656 : index
        %parallel_loop3A_676 = tpu.vector_load %arg6[%parallel_loop3A_674, %parallel_loop3A_675] {strides = array<i32>} : memref<32x768xf32, #tpu.memory_space<vmem>>, vector<1x16xf32>,
        %parallel_loop3A_677 = vector.shape_cast %parallel_loop3A_676 : vector<1x16xf32> to vector<16xf32>
        %parallel_loop3A_678 = arith.index_cast %parallel_loop3A_99 : i32 to index
        %parallel_loop3A_679 = arith.constant 656 : index
        %parallel_loop3A_680 = tpu.vector_load %arg5[%parallel_loop3A_678, %parallel_loop3A_679] {strides = array<i32>} : memref<32x768xf32, #tpu.memory_space<vmem>>, vector<1x16xf32>,
        %parallel_loop3A_681 = vector.shape_cast %parallel_loop3A_680 : vector<1x16xf32> to vector<16xf32>
        %parallel_loop3A_682 = arith.addf %parallel_loop3A_677, %parallel_loop3A_681 : vector<16xf32>
        %parallel_loop3A_683 = arith.index_cast %parallel_loop3A_99 : i32 to index
        %parallel_loop3A_684 = arith.constant 656 : index
        %parallel_loop3A_685 = tpu.vector_load %arg8[%parallel_loop3A_683, %parallel_loop3A_684] {strides = array<i32>} : memref<32x768xf32, #tpu.memory_space<vmem>>, vector<1x16xf32>,
        %parallel_loop3A_686 = vector.shape_cast %parallel_loop3A_685 : vector<1x16xf32> to vector<16xf32>
        %parallel_loop3A_687 = vector.shape_cast %parallel_loop3A_682 : vector<16xf32> to vector<1x16xf32>
        tpu.vector_store %arg8[%parallel_loop3A_683, %parallel_loop3A_684], %parallel_loop3A_687 {strides = array<i32>} : memref<32x768xf32, #tpu.memory_space<vmem>>, vector<1x16xf32>,
        %parallel_loop3A_688 = arith.index_cast %parallel_loop3A_99 : i32 to index
        %parallel_loop3A_689 = arith.constant 672 : index
        %parallel_loop3A_690 = tpu.vector_load %arg6[%parallel_loop3A_688, %parallel_loop3A_689] {strides = array<i32>} : memref<32x768xf32, #tpu.memory_space<vmem>>, vector<1x16xf32>,
        %parallel_loop3A_691 = vector.shape_cast %parallel_loop3A_690 : vector<1x16xf32> to vector<16xf32>
        %parallel_loop3A_692 = arith.index_cast %parallel_loop3A_99 : i32 to index
        %parallel_loop3A_693 = arith.constant 672 : index
        %parallel_loop3A_694 = tpu.vector_load %arg5[%parallel_loop3A_692, %parallel_loop3A_693] {strides = array<i32>} : memref<32x768xf32, #tpu.memory_space<vmem>>, vector<1x16xf32>,
        %parallel_loop3A_695 = vector.shape_cast %parallel_loop3A_694 : vector<1x16xf32> to vector<16xf32>
        %parallel_loop3A_696 = arith.addf %parallel_loop3A_691, %parallel_loop3A_695 : vector<16xf32>
        %parallel_loop3A_697 = arith.index_cast %parallel_loop3A_99 : i32 to index
        %parallel_loop3A_698 = arith.constant 672 : index
        %parallel_loop3A_699 = tpu.vector_load %arg8[%parallel_loop3A_697, %parallel_loop3A_698] {strides = array<i32>} : memref<32x768xf32, #tpu.memory_space<vmem>>, vector<1x16xf32>,
        %parallel_loop3A_700 = vector.shape_cast %parallel_loop3A_699 : vector<1x16xf32> to vector<16xf32>
        %parallel_loop3A_701 = vector.shape_cast %parallel_loop3A_696 : vector<16xf32> to vector<1x16xf32>
        tpu.vector_store %arg8[%parallel_loop3A_697, %parallel_loop3A_698], %parallel_loop3A_701 {strides = array<i32>} : memref<32x768xf32, #tpu.memory_space<vmem>>, vector<1x16xf32>,
        %parallel_loop3A_702 = arith.index_cast %parallel_loop3A_99 : i32 to index
        %parallel_loop3A_703 = arith.constant 688 : index
        %parallel_loop3A_704 = tpu.vector_load %arg6[%parallel_loop3A_702, %parallel_loop3A_703] {strides = array<i32>} : memref<32x768xf32, #tpu.memory_space<vmem>>, vector<1x16xf32>,
        %parallel_loop3A_705 = vector.shape_cast %parallel_loop3A_704 : vector<1x16xf32> to vector<16xf32>
        %parallel_loop3A_706 = arith.index_cast %parallel_loop3A_99 : i32 to index
        %parallel_loop3A_707 = arith.constant 688 : index
        %parallel_loop3A_708 = tpu.vector_load %arg5[%parallel_loop3A_706, %parallel_loop3A_707] {strides = array<i32>} : memref<32x768xf32, #tpu.memory_space<vmem>>, vector<1x16xf32>,
        %parallel_loop3A_709 = vector.shape_cast %parallel_loop3A_708 : vector<1x16xf32> to vector<16xf32>
        %parallel_loop3A_710 = arith.addf %parallel_loop3A_705, %parallel_loop3A_709 : vector<16xf32>
        %parallel_loop3A_711 = arith.index_cast %parallel_loop3A_99 : i32 to index
        %parallel_loop3A_712 = arith.constant 688 : index
        %parallel_loop3A_713 = tpu.vector_load %arg8[%parallel_loop3A_711, %parallel_loop3A_712] {strides = array<i32>} : memref<32x768xf32, #tpu.memory_space<vmem>>, vector<1x16xf32>,
        %parallel_loop3A_714 = vector.shape_cast %parallel_loop3A_713 : vector<1x16xf32> to vector<16xf32>
        %parallel_loop3A_715 = vector.shape_cast %parallel_loop3A_710 : vector<16xf32> to vector<1x16xf32>
        tpu.vector_store %arg8[%parallel_loop3A_711, %parallel_loop3A_712], %parallel_loop3A_715 {strides = array<i32>} : memref<32x768xf32, #tpu.memory_space<vmem>>, vector<1x16xf32>,
        %parallel_loop3A_716 = arith.index_cast %parallel_loop3A_99 : i32 to index
        %parallel_loop3A_717 = arith.constant 704 : index
        %parallel_loop3A_718 = tpu.vector_load %arg6[%parallel_loop3A_716, %parallel_loop3A_717] {strides = array<i32>} : memref<32x768xf32, #tpu.memory_space<vmem>>, vector<1x16xf32>,
        %parallel_loop3A_719 = vector.shape_cast %parallel_loop3A_718 : vector<1x16xf32> to vector<16xf32>
        %parallel_loop3A_720 = arith.index_cast %parallel_loop3A_99 : i32 to index
        %parallel_loop3A_721 = arith.constant 704 : index
        %parallel_loop3A_722 = tpu.vector_load %arg5[%parallel_loop3A_720, %parallel_loop3A_721] {strides = array<i32>} : memref<32x768xf32, #tpu.memory_space<vmem>>, vector<1x16xf32>,
        %parallel_loop3A_723 = vector.shape_cast %parallel_loop3A_722 : vector<1x16xf32> to vector<16xf32>
        %parallel_loop3A_724 = arith.addf %parallel_loop3A_719, %parallel_loop3A_723 : vector<16xf32>
        %parallel_loop3A_725 = arith.index_cast %parallel_loop3A_99 : i32 to index
        %parallel_loop3A_726 = arith.constant 704 : index
        %parallel_loop3A_727 = tpu.vector_load %arg8[%parallel_loop3A_725, %parallel_loop3A_726] {strides = array<i32>} : memref<32x768xf32, #tpu.memory_space<vmem>>, vector<1x16xf32>,
        %parallel_loop3A_728 = vector.shape_cast %parallel_loop3A_727 : vector<1x16xf32> to vector<16xf32>
        %parallel_loop3A_729 = vector.shape_cast %parallel_loop3A_724 : vector<16xf32> to vector<1x16xf32>
        tpu.vector_store %arg8[%parallel_loop3A_725, %parallel_loop3A_726], %parallel_loop3A_729 {strides = array<i32>} : memref<32x768xf32, #tpu.memory_space<vmem>>, vector<1x16xf32>,
        %parallel_loop3A_730 = arith.index_cast %parallel_loop3A_99 : i32 to index
        %parallel_loop3A_731 = arith.constant 720 : index
        %parallel_loop3A_732 = tpu.vector_load %arg6[%parallel_loop3A_730, %parallel_loop3A_731] {strides = array<i32>} : memref<32x768xf32, #tpu.memory_space<vmem>>, vector<1x16xf32>,
        %parallel_loop3A_733 = vector.shape_cast %parallel_loop3A_732 : vector<1x16xf32> to vector<16xf32>
        %parallel_loop3A_734 = arith.index_cast %parallel_loop3A_99 : i32 to index
        %parallel_loop3A_735 = arith.constant 720 : index
        %parallel_loop3A_736 = tpu.vector_load %arg5[%parallel_loop3A_734, %parallel_loop3A_735] {strides = array<i32>} : memref<32x768xf32, #tpu.memory_space<vmem>>, vector<1x16xf32>,
        %parallel_loop3A_737 = vector.shape_cast %parallel_loop3A_736 : vector<1x16xf32> to vector<16xf32>
        %parallel_loop3A_738 = arith.addf %parallel_loop3A_733, %parallel_loop3A_737 : vector<16xf32>
        %parallel_loop3A_739 = arith.index_cast %parallel_loop3A_99 : i32 to index
        %parallel_loop3A_740 = arith.constant 720 : index
        %parallel_loop3A_741 = tpu.vector_load %arg8[%parallel_loop3A_739, %parallel_loop3A_740] {strides = array<i32>} : memref<32x768xf32, #tpu.memory_space<vmem>>, vector<1x16xf32>,
        %parallel_loop3A_742 = vector.shape_cast %parallel_loop3A_741 : vector<1x16xf32> to vector<16xf32>
        %parallel_loop3A_743 = vector.shape_cast %parallel_loop3A_738 : vector<16xf32> to vector<1x16xf32>
        tpu.vector_store %arg8[%parallel_loop3A_739, %parallel_loop3A_740], %parallel_loop3A_743 {strides = array<i32>} : memref<32x768xf32, #tpu.memory_space<vmem>>, vector<1x16xf32>,
        %parallel_loop3A_744 = arith.index_cast %parallel_loop3A_99 : i32 to index
        %parallel_loop3A_745 = arith.constant 736 : index
        %parallel_loop3A_746 = tpu.vector_load %arg6[%parallel_loop3A_744, %parallel_loop3A_745] {strides = array<i32>} : memref<32x768xf32, #tpu.memory_space<vmem>>, vector<1x16xf32>,
        %parallel_loop3A_747 = vector.shape_cast %parallel_loop3A_746 : vector<1x16xf32> to vector<16xf32>
        %parallel_loop3A_748 = arith.index_cast %parallel_loop3A_99 : i32 to index
        %parallel_loop3A_749 = arith.constant 736 : index
        %parallel_loop3A_750 = tpu.vector_load %arg5[%parallel_loop3A_748, %parallel_loop3A_749] {strides = array<i32>} : memref<32x768xf32, #tpu.memory_space<vmem>>, vector<1x16xf32>,
        %parallel_loop3A_751 = vector.shape_cast %parallel_loop3A_750 : vector<1x16xf32> to vector<16xf32>
        %parallel_loop3A_752 = arith.addf %parallel_loop3A_747, %parallel_loop3A_751 : vector<16xf32>
        %parallel_loop3A_753 = arith.index_cast %parallel_loop3A_99 : i32 to index
        %parallel_loop3A_754 = arith.constant 736 : index
        %parallel_loop3A_755 = tpu.vector_load %arg8[%parallel_loop3A_753, %parallel_loop3A_754] {strides = array<i32>} : memref<32x768xf32, #tpu.memory_space<vmem>>, vector<1x16xf32>,
        %parallel_loop3A_756 = vector.shape_cast %parallel_loop3A_755 : vector<1x16xf32> to vector<16xf32>
        %parallel_loop3A_757 = vector.shape_cast %parallel_loop3A_752 : vector<16xf32> to vector<1x16xf32>
        tpu.vector_store %arg8[%parallel_loop3A_753, %parallel_loop3A_754], %parallel_loop3A_757 {strides = array<i32>} : memref<32x768xf32, #tpu.memory_space<vmem>>, vector<1x16xf32>,
        %parallel_loop3A_758 = arith.index_cast %parallel_loop3A_99 : i32 to index
        %parallel_loop3A_759 = arith.constant 752 : index
        %parallel_loop3A_760 = tpu.vector_load %arg6[%parallel_loop3A_758, %parallel_loop3A_759] {strides = array<i32>} : memref<32x768xf32, #tpu.memory_space<vmem>>, vector<1x16xf32>,
        %parallel_loop3A_761 = vector.shape_cast %parallel_loop3A_760 : vector<1x16xf32> to vector<16xf32>
        %parallel_loop3A_762 = arith.index_cast %parallel_loop3A_99 : i32 to index
        %parallel_loop3A_763 = arith.constant 752 : index
        %parallel_loop3A_764 = tpu.vector_load %arg5[%parallel_loop3A_762, %parallel_loop3A_763] {strides = array<i32>} : memref<32x768xf32, #tpu.memory_space<vmem>>, vector<1x16xf32>,
        %parallel_loop3A_765 = vector.shape_cast %parallel_loop3A_764 : vector<1x16xf32> to vector<16xf32>
        %parallel_loop3A_766 = arith.addf %parallel_loop3A_761, %parallel_loop3A_765 : vector<16xf32>
        %parallel_loop3A_767 = arith.index_cast %parallel_loop3A_99 : i32 to index
        %parallel_loop3A_768 = arith.constant 752 : index
        %parallel_loop3A_769 = tpu.vector_load %arg8[%parallel_loop3A_767, %parallel_loop3A_768] {strides = array<i32>} : memref<32x768xf32, #tpu.memory_space<vmem>>, vector<1x16xf32>,
        %parallel_loop3A_770 = vector.shape_cast %parallel_loop3A_769 : vector<1x16xf32> to vector<16xf32>
        %parallel_loop3A_771 = vector.shape_cast %parallel_loop3A_766 : vector<16xf32> to vector<1x16xf32>
        tpu.vector_store %arg8[%parallel_loop3A_767, %parallel_loop3A_768], %parallel_loop3A_771 {strides = array<i32>} : memref<32x768xf32, #tpu.memory_space<vmem>>, vector<1x16xf32>,
      } {sc.loop_unroll_factor = 1 : i64, sc.parallel_access}
      %dma_start3A_53 = arith.constant 0 : i32
      %dma_start3A_54 = tpu.memref_slice %arg4[%add3A_40, %mul3A_2, %dma_start3A_53] : memref<28x1024x768xf32, #tpu.memory_space<hbm>> -> memref<1x32x768xf32, #tpu.memory_space<hbm>>
      %dma_start3A_55 = tpu.memref_squeeze %dma_start3A_54 : memref<1x32x768xf32, #tpu.memory_space<hbm>> -> memref<32x768xf32, #tpu.memory_space<hbm>>
      %dma_start3A_56 = arith.constant 0 : i32
      %dma_start3A_57 = tpu.memref_slice %arg4[%add3A_40, %mul3A_2, %dma_start3A_56] : memref<28x1024x768xf32, #tpu.memory_space<hbm>> -> memref<1x32x768xf32, #tpu.memory_space<hbm>>
      %dma_start3A_58 = tpu.memref_squeeze %dma_start3A_57 : memref<1x32x768xf32, #tpu.memory_space<hbm>> -> memref<32x768xf32, #tpu.memory_space<hbm>>
      tpu.enqueue_dma source(%arg8 : memref<32x768xf32, #tpu.memory_space<vmem>>) target(%dma_start3A_58 : memref<32x768xf32, #tpu.memory_space<hbm>>) target_semaphore(%arg12 : memref<!tpu.dma_semaphore, #tpu.memory_space<semaphore_mem>>)
      %add3A_59 = arith.constant 2 : i32
      %add3A_60 = arith.addi %add3A_40, %add3A_59 : i32
      %lt3A = arith.constant 28 : i32
      %lt3A_61 = arith.cmpi slt, %add3A_60, %lt3A : i32
      %convert_element_type3A_62 = arith.extui %lt3A_61 : i1 to i32
      %cond3A_63 = arith.constant 0 : i32
      %cond3A_64 = arith.cmpi ne, %convert_element_type3A_62, %cond3A_63 : i32
      scf.if %cond3A_64 {
        %add3A_99 = arith.constant 36 : i32
        %add3A_100 = arith.addi %add3A_99, %add3A_40 : i32
        %add3A_101 = arith.constant 2 : i32
        %add3A_102 = arith.addi %add3A_100, %add3A_101 : i32
        %dma_start3A_103 = arith.constant 0 : i32
        %dma_start3A_104 = tpu.memref_slice %arg2[%add3A_102, %mul3A_2, %dma_start3A_103] : memref<64x1024x768xf32, #tpu.memory_space<hbm>> -> memref<1x32x768xf32, #tpu.memory_space<hbm>>
        %dma_start3A_105 = tpu.memref_squeeze %dma_start3A_104 : memref<1x32x768xf32, #tpu.memory_space<hbm>> -> memref<32x768xf32, #tpu.memory_space<hbm>>
        %dma_start3A_106 = arith.constant 0 : i32
        %dma_start3A_107 = tpu.memref_slice %arg2[%add3A_102, %mul3A_2, %dma_start3A_106] : memref<64x1024x768xf32, #tpu.memory_space<hbm>> -> memref<1x32x768xf32, #tpu.memory_space<hbm>>
        %dma_start3A_108 = tpu.memref_squeeze %dma_start3A_107 : memref<1x32x768xf32, #tpu.memory_space<hbm>> -> memref<32x768xf32, #tpu.memory_space<hbm>>
        tpu.enqueue_dma source(%dma_start3A_108 : memref<32x768xf32, #tpu.memory_space<hbm>>) target(%arg6 : memref<32x768xf32, #tpu.memory_space<vmem>>) target_semaphore(%arg10 : memref<!tpu.dma_semaphore, #tpu.memory_space<semaphore_mem>>)
      } else {
      }
      %mul3A_65 = arith.constant 2 : i32
      %mul3A_66 = arith.muli %mul3A_65, %scan3A_35 : i32
      %add3A_67 = arith.constant 1 : i32
      %add3A_68 = arith.addi %mul3A_66, %add3A_67 : i32
      %add3A_69 = arith.constant 36 : i32
      %add3A_70 = arith.addi %add3A_69, %add3A_68 : i32
      %dma_wait3A_71 = arith.constant 0 : i32
      %dma_wait3A_72 = tpu.memref_slice %arg2[%add3A_70, %mul3A_2, %dma_wait3A_71] : memref<64x1024x768xf32, #tpu.memory_space<hbm>> -> memref<1x32x768xf32, #tpu.memory_space<hbm>>
      %dma_wait3A_73 = tpu.memref_squeeze %dma_wait3A_72 : memref<1x32x768xf32, #tpu.memory_space<hbm>> -> memref<32x768xf32, #tpu.memory_space<hbm>>
      %dma_wait3A_74 = arith.constant 0 : i32
      %dma_wait3A_75 = tpu.memref_slice %arg2[%add3A_70, %mul3A_2, %dma_wait3A_74] : memref<64x1024x768xf32, #tpu.memory_space<hbm>> -> memref<1x32x768xf32, #tpu.memory_space<hbm>>
      %dma_wait3A_76 = tpu.memref_squeeze %dma_wait3A_75 : memref<1x32x768xf32, #tpu.memory_space<hbm>> -> memref<32x768xf32, #tpu.memory_space<hbm>>
      tpu.wait_dma2 semaphore(%arg11 : memref<!tpu.dma_semaphore, #tpu.memory_space<semaphore_mem>>) src(%dma_wait3A_76 : memref<32x768xf32, #tpu.memory_space<hbm>>) dst(%arg7 : memref<32x768xf32, #tpu.memory_space<vmem>>)
      %gt3A_77 = arith.constant 0 : i32
      %gt3A_78 = arith.cmpi sgt, %scan3A_35, %gt3A_77 : i32
      %convert_element_type3A_79 = arith.extui %gt3A_78 : i1 to i32
      %cond3A_80 = arith.constant 0 : i32
      %cond3A_81 = arith.cmpi ne, %convert_element_type3A_79, %cond3A_80 : i32
      scf.if %cond3A_81 {
        %dma_wait3A_99 = arith.constant 0 : i32
        %dma_wait3A_100 = tpu.memref_slice %arg4[%add3A_68, %mul3A_2, %dma_wait3A_99] : memref<28x1024x768xf32, #tpu.memory_space<hbm>> -> memref<1x32x768xf32, #tpu.memory_space<hbm>>
        %dma_wait3A_101 = tpu.memref_squeeze %dma_wait3A_100 : memref<1x32x768xf32, #tpu.memory_space<hbm>> -> memref<32x768xf32, #tpu.memory_space<hbm>>
        %dma_wait3A_102 = arith.constant 0 : i32
        %dma_wait3A_103 = tpu.memref_slice %arg4[%add3A_68, %mul3A_2, %dma_wait3A_102] : memref<28x1024x768xf32, #tpu.memory_space<hbm>> -> memref<1x32x768xf32, #tpu.memory_space<hbm>>
        %dma_wait3A_104 = tpu.memref_squeeze %dma_wait3A_103 : memref<1x32x768xf32, #tpu.memory_space<hbm>> -> memref<32x768xf32, #tpu.memory_space<hbm>>
        tpu.wait_dma2 semaphore(%arg13 : memref<!tpu.dma_semaphore, #tpu.memory_space<semaphore_mem>>) src(%arg9 : memref<32x768xf32, #tpu.memory_space<vmem>>) dst(%dma_wait3A_104 : memref<32x768xf32, #tpu.memory_space<hbm>>)
      } else {
      }
      %parallel_loop3A_82 = arith.constant 0 : i32
      %parallel_loop3A_83 = arith.constant 32 : i32
      %parallel_loop3A_84 = arith.constant 1 : i32
      scf.for %parallel_loop3A_99 = %parallel_loop3A_82 to %parallel_loop3A_83 step %parallel_loop3A_84  : i32 {
        %parallel_loop3A_100 = arith.index_cast %parallel_loop3A_99 : i32 to index
        %parallel_loop3A_101 = arith.constant 0 : index
        %parallel_loop3A_102 = tpu.vector_load %arg7[%parallel_loop3A_100, %parallel_loop3A_101] {strides = array<i32>} : memref<32x768xf32, #tpu.memory_space<vmem>>, vector<1x16xf32>,
        %parallel_loop3A_103 = vector.shape_cast %parallel_loop3A_102 : vector<1x16xf32> to vector<16xf32>
        %parallel_loop3A_104 = arith.index_cast %parallel_loop3A_99 : i32 to index
        %parallel_loop3A_105 = arith.constant 0 : index
        %parallel_loop3A_106 = tpu.vector_load %arg5[%parallel_loop3A_104, %parallel_loop3A_105] {strides = array<i32>} : memref<32x768xf32, #tpu.memory_space<vmem>>, vector<1x16xf32>,
        %parallel_loop3A_107 = vector.shape_cast %parallel_loop3A_106 : vector<1x16xf32> to vector<16xf32>
        %parallel_loop3A_108 = arith.addf %parallel_loop3A_103, %parallel_loop3A_107 : vector<16xf32>
        %parallel_loop3A_109 = arith.index_cast %parallel_loop3A_99 : i32 to index
        %parallel_loop3A_110 = arith.constant 0 : index
        %parallel_loop3A_111 = tpu.vector_load %arg9[%parallel_loop3A_109, %parallel_loop3A_110] {strides = array<i32>} : memref<32x768xf32, #tpu.memory_space<vmem>>, vector<1x16xf32>,
        %parallel_loop3A_112 = vector.shape_cast %parallel_loop3A_111 : vector<1x16xf32> to vector<16xf32>
        %parallel_loop3A_113 = vector.shape_cast %parallel_loop3A_108 : vector<16xf32> to vector<1x16xf32>
        tpu.vector_store %arg9[%parallel_loop3A_109, %parallel_loop3A_110], %parallel_loop3A_113 {strides = array<i32>} : memref<32x768xf32, #tpu.memory_space<vmem>>, vector<1x16xf32>,
        %parallel_loop3A_114 = arith.index_cast %parallel_loop3A_99 : i32 to index
        %parallel_loop3A_115 = arith.constant 16 : index
        %parallel_loop3A_116 = tpu.vector_load %arg7[%parallel_loop3A_114, %parallel_loop3A_115] {strides = array<i32>} : memref<32x768xf32, #tpu.memory_space<vmem>>, vector<1x16xf32>,
        %parallel_loop3A_117 = vector.shape_cast %parallel_loop3A_116 : vector<1x16xf32> to vector<16xf32>
        %parallel_loop3A_118 = arith.index_cast %parallel_loop3A_99 : i32 to index
        %parallel_loop3A_119 = arith.constant 16 : index
        %parallel_loop3A_120 = tpu.vector_load %arg5[%parallel_loop3A_118, %parallel_loop3A_119] {strides = array<i32>} : memref<32x768xf32, #tpu.memory_space<vmem>>, vector<1x16xf32>,
        %parallel_loop3A_121 = vector.shape_cast %parallel_loop3A_120 : vector<1x16xf32> to vector<16xf32>
        %parallel_loop3A_122 = arith.addf %parallel_loop3A_117, %parallel_loop3A_121 : vector<16xf32>
        %parallel_loop3A_123 = arith.index_cast %parallel_loop3A_99 : i32 to index
        %parallel_loop3A_124 = arith.constant 16 : index
        %parallel_loop3A_125 = tpu.vector_load %arg9[%parallel_loop3A_123, %parallel_loop3A_124] {strides = array<i32>} : memref<32x768xf32, #tpu.memory_space<vmem>>, vector<1x16xf32>,
        %parallel_loop3A_126 = vector.shape_cast %parallel_loop3A_125 : vector<1x16xf32> to vector<16xf32>
        %parallel_loop3A_127 = vector.shape_cast %parallel_loop3A_122 : vector<16xf32> to vector<1x16xf32>
        tpu.vector_store %arg9[%parallel_loop3A_123, %parallel_loop3A_124], %parallel_loop3A_127 {strides = array<i32>} : memref<32x768xf32, #tpu.memory_space<vmem>>, vector<1x16xf32>,
        %parallel_loop3A_128 = arith.index_cast %parallel_loop3A_99 : i32 to index
        %parallel_loop3A_129 = arith.constant 32 : index
        %parallel_loop3A_130 = tpu.vector_load %arg7[%parallel_loop3A_128, %parallel_loop3A_129] {strides = array<i32>} : memref<32x768xf32, #tpu.memory_space<vmem>>, vector<1x16xf32>,
        %parallel_loop3A_131 = vector.shape_cast %parallel_loop3A_130 : vector<1x16xf32> to vector<16xf32>
        %parallel_loop3A_132 = arith.index_cast %parallel_loop3A_99 : i32 to index
        %parallel_loop3A_133 = arith.constant 32 : index
        %parallel_loop3A_134 = tpu.vector_load %arg5[%parallel_loop3A_132, %parallel_loop3A_133] {strides = array<i32>} : memref<32x768xf32, #tpu.memory_space<vmem>>, vector<1x16xf32>,
        %parallel_loop3A_135 = vector.shape_cast %parallel_loop3A_134 : vector<1x16xf32> to vector<16xf32>
        %parallel_loop3A_136 = arith.addf %parallel_loop3A_131, %parallel_loop3A_135 : vector<16xf32>
        %parallel_loop3A_137 = arith.index_cast %parallel_loop3A_99 : i32 to index
        %parallel_loop3A_138 = arith.constant 32 : index
        %parallel_loop3A_139 = tpu.vector_load %arg9[%parallel_loop3A_137, %parallel_loop3A_138] {strides = array<i32>} : memref<32x768xf32, #tpu.memory_space<vmem>>, vector<1x16xf32>,
        %parallel_loop3A_140 = vector.shape_cast %parallel_loop3A_139 : vector<1x16xf32> to vector<16xf32>
        %parallel_loop3A_141 = vector.shape_cast %parallel_loop3A_136 : vector<16xf32> to vector<1x16xf32>
        tpu.vector_store %arg9[%parallel_loop3A_137, %parallel_loop3A_138], %parallel_loop3A_141 {strides = array<i32>} : memref<32x768xf32, #tpu.memory_space<vmem>>, vector<1x16xf32>,
        %parallel_loop3A_142 = arith.index_cast %parallel_loop3A_99 : i32 to index
        %parallel_loop3A_143 = arith.constant 48 : index
        %parallel_loop3A_144 = tpu.vector_load %arg7[%parallel_loop3A_142, %parallel_loop3A_143] {strides = array<i32>} : memref<32x768xf32, #tpu.memory_space<vmem>>, vector<1x16xf32>,
        %parallel_loop3A_145 = vector.shape_cast %parallel_loop3A_144 : vector<1x16xf32> to vector<16xf32>
        %parallel_loop3A_146 = arith.index_cast %parallel_loop3A_99 : i32 to index
        %parallel_loop3A_147 = arith.constant 48 : index
        %parallel_loop3A_148 = tpu.vector_load %arg5[%parallel_loop3A_146, %parallel_loop3A_147] {strides = array<i32>} : memref<32x768xf32, #tpu.memory_space<vmem>>, vector<1x16xf32>,
        %parallel_loop3A_149 = vector.shape_cast %parallel_loop3A_148 : vector<1x16xf32> to vector<16xf32>
        %parallel_loop3A_150 = arith.addf %parallel_loop3A_145, %parallel_loop3A_149 : vector<16xf32>
        %parallel_loop3A_151 = arith.index_cast %parallel_loop3A_99 : i32 to index
        %parallel_loop3A_152 = arith.constant 48 : index
        %parallel_loop3A_153 = tpu.vector_load %arg9[%parallel_loop3A_151, %parallel_loop3A_152] {strides = array<i32>} : memref<32x768xf32, #tpu.memory_space<vmem>>, vector<1x16xf32>,
        %parallel_loop3A_154 = vector.shape_cast %parallel_loop3A_153 : vector<1x16xf32> to vector<16xf32>
        %parallel_loop3A_155 = vector.shape_cast %parallel_loop3A_150 : vector<16xf32> to vector<1x16xf32>
        tpu.vector_store %arg9[%parallel_loop3A_151, %parallel_loop3A_152], %parallel_loop3A_155 {strides = array<i32>} : memref<32x768xf32, #tpu.memory_space<vmem>>, vector<1x16xf32>,
        %parallel_loop3A_156 = arith.index_cast %parallel_loop3A_99 : i32 to index
        %parallel_loop3A_157 = arith.constant 64 : index
        %parallel_loop3A_158 = tpu.vector_load %arg7[%parallel_loop3A_156, %parallel_loop3A_157] {strides = array<i32>} : memref<32x768xf32, #tpu.memory_space<vmem>>, vector<1x16xf32>,
        %parallel_loop3A_159 = vector.shape_cast %parallel_loop3A_158 : vector<1x16xf32> to vector<16xf32>
        %parallel_loop3A_160 = arith.index_cast %parallel_loop3A_99 : i32 to index
        %parallel_loop3A_161 = arith.constant 64 : index
        %parallel_loop3A_162 = tpu.vector_load %arg5[%parallel_loop3A_160, %parallel_loop3A_161] {strides = array<i32>} : memref<32x768xf32, #tpu.memory_space<vmem>>, vector<1x16xf32>,
        %parallel_loop3A_163 = vector.shape_cast %parallel_loop3A_162 : vector<1x16xf32> to vector<16xf32>
        %parallel_loop3A_164 = arith.addf %parallel_loop3A_159, %parallel_loop3A_163 : vector<16xf32>
        %parallel_loop3A_165 = arith.index_cast %parallel_loop3A_99 : i32 to index
        %parallel_loop3A_166 = arith.constant 64 : index
        %parallel_loop3A_167 = tpu.vector_load %arg9[%parallel_loop3A_165, %parallel_loop3A_166] {strides = array<i32>} : memref<32x768xf32, #tpu.memory_space<vmem>>, vector<1x16xf32>,
        %parallel_loop3A_168 = vector.shape_cast %parallel_loop3A_167 : vector<1x16xf32> to vector<16xf32>
        %parallel_loop3A_169 = vector.shape_cast %parallel_loop3A_164 : vector<16xf32> to vector<1x16xf32>
        tpu.vector_store %arg9[%parallel_loop3A_165, %parallel_loop3A_166], %parallel_loop3A_169 {strides = array<i32>} : memref<32x768xf32, #tpu.memory_space<vmem>>, vector<1x16xf32>,
        %parallel_loop3A_170 = arith.index_cast %parallel_loop3A_99 : i32 to index
        %parallel_loop3A_171 = arith.constant 80 : index
        %parallel_loop3A_172 = tpu.vector_load %arg7[%parallel_loop3A_170, %parallel_loop3A_171] {strides = array<i32>} : memref<32x768xf32, #tpu.memory_space<vmem>>, vector<1x16xf32>,
        %parallel_loop3A_173 = vector.shape_cast %parallel_loop3A_172 : vector<1x16xf32> to vector<16xf32>
        %parallel_loop3A_174 = arith.index_cast %parallel_loop3A_99 : i32 to index
        %parallel_loop3A_175 = arith.constant 80 : index
        %parallel_loop3A_176 = tpu.vector_load %arg5[%parallel_loop3A_174, %parallel_loop3A_175] {strides = array<i32>} : memref<32x768xf32, #tpu.memory_space<vmem>>, vector<1x16xf32>,
        %parallel_loop3A_177 = vector.shape_cast %parallel_loop3A_176 : vector<1x16xf32> to vector<16xf32>
        %parallel_loop3A_178 = arith.addf %parallel_loop3A_173, %parallel_loop3A_177 : vector<16xf32>
        %parallel_loop3A_179 = arith.index_cast %parallel_loop3A_99 : i32 to index
        %parallel_loop3A_180 = arith.constant 80 : index
        %parallel_loop3A_181 = tpu.vector_load %arg9[%parallel_loop3A_179, %parallel_loop3A_180] {strides = array<i32>} : memref<32x768xf32, #tpu.memory_space<vmem>>, vector<1x16xf32>,
        %parallel_loop3A_182 = vector.shape_cast %parallel_loop3A_181 : vector<1x16xf32> to vector<16xf32>
        %parallel_loop3A_183 = vector.shape_cast %parallel_loop3A_178 : vector<16xf32> to vector<1x16xf32>
        tpu.vector_store %arg9[%parallel_loop3A_179, %parallel_loop3A_180], %parallel_loop3A_183 {strides = array<i32>} : memref<32x768xf32, #tpu.memory_space<vmem>>, vector<1x16xf32>,
        %parallel_loop3A_184 = arith.index_cast %parallel_loop3A_99 : i32 to index
        %parallel_loop3A_185 = arith.constant 96 : index
        %parallel_loop3A_186 = tpu.vector_load %arg7[%parallel_loop3A_184, %parallel_loop3A_185] {strides = array<i32>} : memref<32x768xf32, #tpu.memory_space<vmem>>, vector<1x16xf32>,
        %parallel_loop3A_187 = vector.shape_cast %parallel_loop3A_186 : vector<1x16xf32> to vector<16xf32>
        %parallel_loop3A_188 = arith.index_cast %parallel_loop3A_99 : i32 to index
        %parallel_loop3A_189 = arith.constant 96 : index
        %parallel_loop3A_190 = tpu.vector_load %arg5[%parallel_loop3A_188, %parallel_loop3A_189] {strides = array<i32>} : memref<32x768xf32, #tpu.memory_space<vmem>>, vector<1x16xf32>,
        %parallel_loop3A_191 = vector.shape_cast %parallel_loop3A_190 : vector<1x16xf32> to vector<16xf32>
        %parallel_loop3A_192 = arith.addf %parallel_loop3A_187, %parallel_loop3A_191 : vector<16xf32>
        %parallel_loop3A_193 = arith.index_cast %parallel_loop3A_99 : i32 to index
        %parallel_loop3A_194 = arith.constant 96 : index
        %parallel_loop3A_195 = tpu.vector_load %arg9[%parallel_loop3A_193, %parallel_loop3A_194] {strides = array<i32>} : memref<32x768xf32, #tpu.memory_space<vmem>>, vector<1x16xf32>,
        %parallel_loop3A_196 = vector.shape_cast %parallel_loop3A_195 : vector<1x16xf32> to vector<16xf32>
        %parallel_loop3A_197 = vector.shape_cast %parallel_loop3A_192 : vector<16xf32> to vector<1x16xf32>
        tpu.vector_store %arg9[%parallel_loop3A_193, %parallel_loop3A_194], %parallel_loop3A_197 {strides = array<i32>} : memref<32x768xf32, #tpu.memory_space<vmem>>, vector<1x16xf32>,
        %parallel_loop3A_198 = arith.index_cast %parallel_loop3A_99 : i32 to index
        %parallel_loop3A_199 = arith.constant 112 : index
        %parallel_loop3A_200 = tpu.vector_load %arg7[%parallel_loop3A_198, %parallel_loop3A_199] {strides = array<i32>} : memref<32x768xf32, #tpu.memory_space<vmem>>, vector<1x16xf32>,
        %parallel_loop3A_201 = vector.shape_cast %parallel_loop3A_200 : vector<1x16xf32> to vector<16xf32>
        %parallel_loop3A_202 = arith.index_cast %parallel_loop3A_99 : i32 to index
        %parallel_loop3A_203 = arith.constant 112 : index
        %parallel_loop3A_204 = tpu.vector_load %arg5[%parallel_loop3A_202, %parallel_loop3A_203] {strides = array<i32>} : memref<32x768xf32, #tpu.memory_space<vmem>>, vector<1x16xf32>,
        %parallel_loop3A_205 = vector.shape_cast %parallel_loop3A_204 : vector<1x16xf32> to vector<16xf32>
        %parallel_loop3A_206 = arith.addf %parallel_loop3A_201, %parallel_loop3A_205 : vector<16xf32>
        %parallel_loop3A_207 = arith.index_cast %parallel_loop3A_99 : i32 to index
        %parallel_loop3A_208 = arith.constant 112 : index
        %parallel_loop3A_209 = tpu.vector_load %arg9[%parallel_loop3A_207, %parallel_loop3A_208] {strides = array<i32>} : memref<32x768xf32, #tpu.memory_space<vmem>>, vector<1x16xf32>,
        %parallel_loop3A_210 = vector.shape_cast %parallel_loop3A_209 : vector<1x16xf32> to vector<16xf32>
        %parallel_loop3A_211 = vector.shape_cast %parallel_loop3A_206 : vector<16xf32> to vector<1x16xf32>
        tpu.vector_store %arg9[%parallel_loop3A_207, %parallel_loop3A_208], %parallel_loop3A_211 {strides = array<i32>} : memref<32x768xf32, #tpu.memory_space<vmem>>, vector<1x16xf32>,
        %parallel_loop3A_212 = arith.index_cast %parallel_loop3A_99 : i32 to index
        %parallel_loop3A_213 = arith.constant 128 : index
        %parallel_loop3A_214 = tpu.vector_load %arg7[%parallel_loop3A_212, %parallel_loop3A_213] {strides = array<i32>} : memref<32x768xf32, #tpu.memory_space<vmem>>, vector<1x16xf32>,
        %parallel_loop3A_215 = vector.shape_cast %parallel_loop3A_214 : vector<1x16xf32> to vector<16xf32>
        %parallel_loop3A_216 = arith.index_cast %parallel_loop3A_99 : i32 to index
        %parallel_loop3A_217 = arith.constant 128 : index
        %parallel_loop3A_218 = tpu.vector_load %arg5[%parallel_loop3A_216, %parallel_loop3A_217] {strides = array<i32>} : memref<32x768xf32, #tpu.memory_space<vmem>>, vector<1x16xf32>,
        %parallel_loop3A_219 = vector.shape_cast %parallel_loop3A_218 : vector<1x16xf32> to vector<16xf32>
        %parallel_loop3A_220 = arith.addf %parallel_loop3A_215, %parallel_loop3A_219 : vector<16xf32>
        %parallel_loop3A_221 = arith.index_cast %parallel_loop3A_99 : i32 to index
        %parallel_loop3A_222 = arith.constant 128 : index
        %parallel_loop3A_223 = tpu.vector_load %arg9[%parallel_loop3A_221, %parallel_loop3A_222] {strides = array<i32>} : memref<32x768xf32, #tpu.memory_space<vmem>>, vector<1x16xf32>,
        %parallel_loop3A_224 = vector.shape_cast %parallel_loop3A_223 : vector<1x16xf32> to vector<16xf32>
        %parallel_loop3A_225 = vector.shape_cast %parallel_loop3A_220 : vector<16xf32> to vector<1x16xf32>
        tpu.vector_store %arg9[%parallel_loop3A_221, %parallel_loop3A_222], %parallel_loop3A_225 {strides = array<i32>} : memref<32x768xf32, #tpu.memory_space<vmem>>, vector<1x16xf32>,
        %parallel_loop3A_226 = arith.index_cast %parallel_loop3A_99 : i32 to index
        %parallel_loop3A_227 = arith.constant 144 : index
        %parallel_loop3A_228 = tpu.vector_load %arg7[%parallel_loop3A_226, %parallel_loop3A_227] {strides = array<i32>} : memref<32x768xf32, #tpu.memory_space<vmem>>, vector<1x16xf32>,
        %parallel_loop3A_229 = vector.shape_cast %parallel_loop3A_228 : vector<1x16xf32> to vector<16xf32>
        %parallel_loop3A_230 = arith.index_cast %parallel_loop3A_99 : i32 to index
        %parallel_loop3A_231 = arith.constant 144 : index
        %parallel_loop3A_232 = tpu.vector_load %arg5[%parallel_loop3A_230, %parallel_loop3A_231] {strides = array<i32>} : memref<32x768xf32, #tpu.memory_space<vmem>>, vector<1x16xf32>,
        %parallel_loop3A_233 = vector.shape_cast %parallel_loop3A_232 : vector<1x16xf32> to vector<16xf32>
        %parallel_loop3A_234 = arith.addf %parallel_loop3A_229, %parallel_loop3A_233 : vector<16xf32>
        %parallel_loop3A_235 = arith.index_cast %parallel_loop3A_99 : i32 to index
        %parallel_loop3A_236 = arith.constant 144 : index
        %parallel_loop3A_237 = tpu.vector_load %arg9[%parallel_loop3A_235, %parallel_loop3A_236] {strides = array<i32>} : memref<32x768xf32, #tpu.memory_space<vmem>>, vector<1x16xf32>,
        %parallel_loop3A_238 = vector.shape_cast %parallel_loop3A_237 : vector<1x16xf32> to vector<16xf32>
        %parallel_loop3A_239 = vector.shape_cast %parallel_loop3A_234 : vector<16xf32> to vector<1x16xf32>
        tpu.vector_store %arg9[%parallel_loop3A_235, %parallel_loop3A_236], %parallel_loop3A_239 {strides = array<i32>} : memref<32x768xf32, #tpu.memory_space<vmem>>, vector<1x16xf32>,
        %parallel_loop3A_240 = arith.index_cast %parallel_loop3A_99 : i32 to index
        %parallel_loop3A_241 = arith.constant 160 : index
        %parallel_loop3A_242 = tpu.vector_load %arg7[%parallel_loop3A_240, %parallel_loop3A_241] {strides = array<i32>} : memref<32x768xf32, #tpu.memory_space<vmem>>, vector<1x16xf32>,
        %parallel_loop3A_243 = vector.shape_cast %parallel_loop3A_242 : vector<1x16xf32> to vector<16xf32>
        %parallel_loop3A_244 = arith.index_cast %parallel_loop3A_99 : i32 to index
        %parallel_loop3A_245 = arith.constant 160 : index
        %parallel_loop3A_246 = tpu.vector_load %arg5[%parallel_loop3A_244, %parallel_loop3A_245] {strides = array<i32>} : memref<32x768xf32, #tpu.memory_space<vmem>>, vector<1x16xf32>,
        %parallel_loop3A_247 = vector.shape_cast %parallel_loop3A_246 : vector<1x16xf32> to vector<16xf32>
        %parallel_loop3A_248 = arith.addf %parallel_loop3A_243, %parallel_loop3A_247 : vector<16xf32>
        %parallel_loop3A_249 = arith.index_cast %parallel_loop3A_99 : i32 to index
        %parallel_loop3A_250 = arith.constant 160 : index
        %parallel_loop3A_251 = tpu.vector_load %arg9[%parallel_loop3A_249, %parallel_loop3A_250] {strides = array<i32>} : memref<32x768xf32, #tpu.memory_space<vmem>>, vector<1x16xf32>,
        %parallel_loop3A_252 = vector.shape_cast %parallel_loop3A_251 : vector<1x16xf32> to vector<16xf32>
        %parallel_loop3A_253 = vector.shape_cast %parallel_loop3A_248 : vector<16xf32> to vector<1x16xf32>
        tpu.vector_store %arg9[%parallel_loop3A_249, %parallel_loop3A_250], %parallel_loop3A_253 {strides = array<i32>} : memref<32x768xf32, #tpu.memory_space<vmem>>, vector<1x16xf32>,
        %parallel_loop3A_254 = arith.index_cast %parallel_loop3A_99 : i32 to index
        %parallel_loop3A_255 = arith.constant 176 : index
        %parallel_loop3A_256 = tpu.vector_load %arg7[%parallel_loop3A_254, %parallel_loop3A_255] {strides = array<i32>} : memref<32x768xf32, #tpu.memory_space<vmem>>, vector<1x16xf32>,
        %parallel_loop3A_257 = vector.shape_cast %parallel_loop3A_256 : vector<1x16xf32> to vector<16xf32>
        %parallel_loop3A_258 = arith.index_cast %parallel_loop3A_99 : i32 to index
        %parallel_loop3A_259 = arith.constant 176 : index
        %parallel_loop3A_260 = tpu.vector_load %arg5[%parallel_loop3A_258, %parallel_loop3A_259] {strides = array<i32>} : memref<32x768xf32, #tpu.memory_space<vmem>>, vector<1x16xf32>,
        %parallel_loop3A_261 = vector.shape_cast %parallel_loop3A_260 : vector<1x16xf32> to vector<16xf32>
        %parallel_loop3A_262 = arith.addf %parallel_loop3A_257, %parallel_loop3A_261 : vector<16xf32>
        %parallel_loop3A_263 = arith.index_cast %parallel_loop3A_99 : i32 to index
        %parallel_loop3A_264 = arith.constant 176 : index
        %parallel_loop3A_265 = tpu.vector_load %arg9[%parallel_loop3A_263, %parallel_loop3A_264] {strides = array<i32>} : memref<32x768xf32, #tpu.memory_space<vmem>>, vector<1x16xf32>,
        %parallel_loop3A_266 = vector.shape_cast %parallel_loop3A_265 : vector<1x16xf32> to vector<16xf32>
        %parallel_loop3A_267 = vector.shape_cast %parallel_loop3A_262 : vector<16xf32> to vector<1x16xf32>
        tpu.vector_store %arg9[%parallel_loop3A_263, %parallel_loop3A_264], %parallel_loop3A_267 {strides = array<i32>} : memref<32x768xf32, #tpu.memory_space<vmem>>, vector<1x16xf32>,
        %parallel_loop3A_268 = arith.index_cast %parallel_loop3A_99 : i32 to index
        %parallel_loop3A_269 = arith.constant 192 : index
        %parallel_loop3A_270 = tpu.vector_load %arg7[%parallel_loop3A_268, %parallel_loop3A_269] {strides = array<i32>} : memref<32x768xf32, #tpu.memory_space<vmem>>, vector<1x16xf32>,
        %parallel_loop3A_271 = vector.shape_cast %parallel_loop3A_270 : vector<1x16xf32> to vector<16xf32>
        %parallel_loop3A_272 = arith.index_cast %parallel_loop3A_99 : i32 to index
        %parallel_loop3A_273 = arith.constant 192 : index
        %parallel_loop3A_274 = tpu.vector_load %arg5[%parallel_loop3A_272, %parallel_loop3A_273] {strides = array<i32>} : memref<32x768xf32, #tpu.memory_space<vmem>>, vector<1x16xf32>,
        %parallel_loop3A_275 = vector.shape_cast %parallel_loop3A_274 : vector<1x16xf32> to vector<16xf32>
        %parallel_loop3A_276 = arith.addf %parallel_loop3A_271, %parallel_loop3A_275 : vector<16xf32>
        %parallel_loop3A_277 = arith.index_cast %parallel_loop3A_99 : i32 to index
        %parallel_loop3A_278 = arith.constant 192 : index
        %parallel_loop3A_279 = tpu.vector_load %arg9[%parallel_loop3A_277, %parallel_loop3A_278] {strides = array<i32>} : memref<32x768xf32, #tpu.memory_space<vmem>>, vector<1x16xf32>,
        %parallel_loop3A_280 = vector.shape_cast %parallel_loop3A_279 : vector<1x16xf32> to vector<16xf32>
        %parallel_loop3A_281 = vector.shape_cast %parallel_loop3A_276 : vector<16xf32> to vector<1x16xf32>
        tpu.vector_store %arg9[%parallel_loop3A_277, %parallel_loop3A_278], %parallel_loop3A_281 {strides = array<i32>} : memref<32x768xf32, #tpu.memory_space<vmem>>, vector<1x16xf32>,
        %parallel_loop3A_282 = arith.index_cast %parallel_loop3A_99 : i32 to index
        %parallel_loop3A_283 = arith.constant 208 : index
        %parallel_loop3A_284 = tpu.vector_load %arg7[%parallel_loop3A_282, %parallel_loop3A_283] {strides = array<i32>} : memref<32x768xf32, #tpu.memory_space<vmem>>, vector<1x16xf32>,
        %parallel_loop3A_285 = vector.shape_cast %parallel_loop3A_284 : vector<1x16xf32> to vector<16xf32>
        %parallel_loop3A_286 = arith.index_cast %parallel_loop3A_99 : i32 to index
        %parallel_loop3A_287 = arith.constant 208 : index
        %parallel_loop3A_288 = tpu.vector_load %arg5[%parallel_loop3A_286, %parallel_loop3A_287] {strides = array<i32>} : memref<32x768xf32, #tpu.memory_space<vmem>>, vector<1x16xf32>,
        %parallel_loop3A_289 = vector.shape_cast %parallel_loop3A_288 : vector<1x16xf32> to vector<16xf32>
        %parallel_loop3A_290 = arith.addf %parallel_loop3A_285, %parallel_loop3A_289 : vector<16xf32>
        %parallel_loop3A_291 = arith.index_cast %parallel_loop3A_99 : i32 to index
        %parallel_loop3A_292 = arith.constant 208 : index
        %parallel_loop3A_293 = tpu.vector_load %arg9[%parallel_loop3A_291, %parallel_loop3A_292] {strides = array<i32>} : memref<32x768xf32, #tpu.memory_space<vmem>>, vector<1x16xf32>,
        %parallel_loop3A_294 = vector.shape_cast %parallel_loop3A_293 : vector<1x16xf32> to vector<16xf32>
        %parallel_loop3A_295 = vector.shape_cast %parallel_loop3A_290 : vector<16xf32> to vector<1x16xf32>
        tpu.vector_store %arg9[%parallel_loop3A_291, %parallel_loop3A_292], %parallel_loop3A_295 {strides = array<i32>} : memref<32x768xf32, #tpu.memory_space<vmem>>, vector<1x16xf32>,
        %parallel_loop3A_296 = arith.index_cast %parallel_loop3A_99 : i32 to index
        %parallel_loop3A_297 = arith.constant 224 : index
        %parallel_loop3A_298 = tpu.vector_load %arg7[%parallel_loop3A_296, %parallel_loop3A_297] {strides = array<i32>} : memref<32x768xf32, #tpu.memory_space<vmem>>, vector<1x16xf32>,
        %parallel_loop3A_299 = vector.shape_cast %parallel_loop3A_298 : vector<1x16xf32> to vector<16xf32>
        %parallel_loop3A_300 = arith.index_cast %parallel_loop3A_99 : i32 to index
        %parallel_loop3A_301 = arith.constant 224 : index
        %parallel_loop3A_302 = tpu.vector_load %arg5[%parallel_loop3A_300, %parallel_loop3A_301] {strides = array<i32>} : memref<32x768xf32, #tpu.memory_space<vmem>>, vector<1x16xf32>,
        %parallel_loop3A_303 = vector.shape_cast %parallel_loop3A_302 : vector<1x16xf32> to vector<16xf32>
        %parallel_loop3A_304 = arith.addf %parallel_loop3A_299, %parallel_loop3A_303 : vector<16xf32>
        %parallel_loop3A_305 = arith.index_cast %parallel_loop3A_99 : i32 to index
        %parallel_loop3A_306 = arith.constant 224 : index
        %parallel_loop3A_307 = tpu.vector_load %arg9[%parallel_loop3A_305, %parallel_loop3A_306] {strides = array<i32>} : memref<32x768xf32, #tpu.memory_space<vmem>>, vector<1x16xf32>,
        %parallel_loop3A_308 = vector.shape_cast %parallel_loop3A_307 : vector<1x16xf32> to vector<16xf32>
        %parallel_loop3A_309 = vector.shape_cast %parallel_loop3A_304 : vector<16xf32> to vector<1x16xf32>
        tpu.vector_store %arg9[%parallel_loop3A_305, %parallel_loop3A_306], %parallel_loop3A_309 {strides = array<i32>} : memref<32x768xf32, #tpu.memory_space<vmem>>, vector<1x16xf32>,
        %parallel_loop3A_310 = arith.index_cast %parallel_loop3A_99 : i32 to index
        %parallel_loop3A_311 = arith.constant 240 : index
        %parallel_loop3A_312 = tpu.vector_load %arg7[%parallel_loop3A_310, %parallel_loop3A_311] {strides = array<i32>} : memref<32x768xf32, #tpu.memory_space<vmem>>, vector<1x16xf32>,
        %parallel_loop3A_313 = vector.shape_cast %parallel_loop3A_312 : vector<1x16xf32> to vector<16xf32>
        %parallel_loop3A_314 = arith.index_cast %parallel_loop3A_99 : i32 to index
        %parallel_loop3A_315 = arith.constant 240 : index
        %parallel_loop3A_316 = tpu.vector_load %arg5[%parallel_loop3A_314, %parallel_loop3A_315] {strides = array<i32>} : memref<32x768xf32, #tpu.memory_space<vmem>>, vector<1x16xf32>,
        %parallel_loop3A_317 = vector.shape_cast %parallel_loop3A_316 : vector<1x16xf32> to vector<16xf32>
        %parallel_loop3A_318 = arith.addf %parallel_loop3A_313, %parallel_loop3A_317 : vector<16xf32>
        %parallel_loop3A_319 = arith.index_cast %parallel_loop3A_99 : i32 to index
        %parallel_loop3A_320 = arith.constant 240 : index
        %parallel_loop3A_321 = tpu.vector_load %arg9[%parallel_loop3A_319, %parallel_loop3A_320] {strides = array<i32>} : memref<32x768xf32, #tpu.memory_space<vmem>>, vector<1x16xf32>,
        %parallel_loop3A_322 = vector.shape_cast %parallel_loop3A_321 : vector<1x16xf32> to vector<16xf32>
        %parallel_loop3A_323 = vector.shape_cast %parallel_loop3A_318 : vector<16xf32> to vector<1x16xf32>
        tpu.vector_store %arg9[%parallel_loop3A_319, %parallel_loop3A_320], %parallel_loop3A_323 {strides = array<i32>} : memref<32x768xf32, #tpu.memory_space<vmem>>, vector<1x16xf32>,
        %parallel_loop3A_324 = arith.index_cast %parallel_loop3A_99 : i32 to index
        %parallel_loop3A_325 = arith.constant 256 : index
        %parallel_loop3A_326 = tpu.vector_load %arg7[%parallel_loop3A_324, %parallel_loop3A_325] {strides = array<i32>} : memref<32x768xf32, #tpu.memory_space<vmem>>, vector<1x16xf32>,
        %parallel_loop3A_327 = vector.shape_cast %parallel_loop3A_326 : vector<1x16xf32> to vector<16xf32>
        %parallel_loop3A_328 = arith.index_cast %parallel_loop3A_99 : i32 to index
        %parallel_loop3A_329 = arith.constant 256 : index
        %parallel_loop3A_330 = tpu.vector_load %arg5[%parallel_loop3A_328, %parallel_loop3A_329] {strides = array<i32>} : memref<32x768xf32, #tpu.memory_space<vmem>>, vector<1x16xf32>,
        %parallel_loop3A_331 = vector.shape_cast %parallel_loop3A_330 : vector<1x16xf32> to vector<16xf32>
        %parallel_loop3A_332 = arith.addf %parallel_loop3A_327, %parallel_loop3A_331 : vector<16xf32>
        %parallel_loop3A_333 = arith.index_cast %parallel_loop3A_99 : i32 to index
        %parallel_loop3A_334 = arith.constant 256 : index
        %parallel_loop3A_335 = tpu.vector_load %arg9[%parallel_loop3A_333, %parallel_loop3A_334] {strides = array<i32>} : memref<32x768xf32, #tpu.memory_space<vmem>>, vector<1x16xf32>,
        %parallel_loop3A_336 = vector.shape_cast %parallel_loop3A_335 : vector<1x16xf32> to vector<16xf32>
        %parallel_loop3A_337 = vector.shape_cast %parallel_loop3A_332 : vector<16xf32> to vector<1x16xf32>
        tpu.vector_store %arg9[%parallel_loop3A_333, %parallel_loop3A_334], %parallel_loop3A_337 {strides = array<i32>} : memref<32x768xf32, #tpu.memory_space<vmem>>, vector<1x16xf32>,
        %parallel_loop3A_338 = arith.index_cast %parallel_loop3A_99 : i32 to index
        %parallel_loop3A_339 = arith.constant 272 : index
        %parallel_loop3A_340 = tpu.vector_load %arg7[%parallel_loop3A_338, %parallel_loop3A_339] {strides = array<i32>} : memref<32x768xf32, #tpu.memory_space<vmem>>, vector<1x16xf32>,
        %parallel_loop3A_341 = vector.shape_cast %parallel_loop3A_340 : vector<1x16xf32> to vector<16xf32>
        %parallel_loop3A_342 = arith.index_cast %parallel_loop3A_99 : i32 to index
        %parallel_loop3A_343 = arith.constant 272 : index
        %parallel_loop3A_344 = tpu.vector_load %arg5[%parallel_loop3A_342, %parallel_loop3A_343] {strides = array<i32>} : memref<32x768xf32, #tpu.memory_space<vmem>>, vector<1x16xf32>,
        %parallel_loop3A_345 = vector.shape_cast %parallel_loop3A_344 : vector<1x16xf32> to vector<16xf32>
        %parallel_loop3A_346 = arith.addf %parallel_loop3A_341, %parallel_loop3A_345 : vector<16xf32>
        %parallel_loop3A_347 = arith.index_cast %parallel_loop3A_99 : i32 to index
        %parallel_loop3A_348 = arith.constant 272 : index
        %parallel_loop3A_349 = tpu.vector_load %arg9[%parallel_loop3A_347, %parallel_loop3A_348] {strides = array<i32>} : memref<32x768xf32, #tpu.memory_space<vmem>>, vector<1x16xf32>,
        %parallel_loop3A_350 = vector.shape_cast %parallel_loop3A_349 : vector<1x16xf32> to vector<16xf32>
        %parallel_loop3A_351 = vector.shape_cast %parallel_loop3A_346 : vector<16xf32> to vector<1x16xf32>
        tpu.vector_store %arg9[%parallel_loop3A_347, %parallel_loop3A_348], %parallel_loop3A_351 {strides = array<i32>} : memref<32x768xf32, #tpu.memory_space<vmem>>, vector<1x16xf32>,
        %parallel_loop3A_352 = arith.index_cast %parallel_loop3A_99 : i32 to index
        %parallel_loop3A_353 = arith.constant 288 : index
        %parallel_loop3A_354 = tpu.vector_load %arg7[%parallel_loop3A_352, %parallel_loop3A_353] {strides = array<i32>} : memref<32x768xf32, #tpu.memory_space<vmem>>, vector<1x16xf32>,
        %parallel_loop3A_355 = vector.shape_cast %parallel_loop3A_354 : vector<1x16xf32> to vector<16xf32>
        %parallel_loop3A_356 = arith.index_cast %parallel_loop3A_99 : i32 to index
        %parallel_loop3A_357 = arith.constant 288 : index
        %parallel_loop3A_358 = tpu.vector_load %arg5[%parallel_loop3A_356, %parallel_loop3A_357] {strides = array<i32>} : memref<32x768xf32, #tpu.memory_space<vmem>>, vector<1x16xf32>,
        %parallel_loop3A_359 = vector.shape_cast %parallel_loop3A_358 : vector<1x16xf32> to vector<16xf32>
        %parallel_loop3A_360 = arith.addf %parallel_loop3A_355, %parallel_loop3A_359 : vector<16xf32>
        %parallel_loop3A_361 = arith.index_cast %parallel_loop3A_99 : i32 to index
        %parallel_loop3A_362 = arith.constant 288 : index
        %parallel_loop3A_363 = tpu.vector_load %arg9[%parallel_loop3A_361, %parallel_loop3A_362] {strides = array<i32>} : memref<32x768xf32, #tpu.memory_space<vmem>>, vector<1x16xf32>,
        %parallel_loop3A_364 = vector.shape_cast %parallel_loop3A_363 : vector<1x16xf32> to vector<16xf32>
        %parallel_loop3A_365 = vector.shape_cast %parallel_loop3A_360 : vector<16xf32> to vector<1x16xf32>
        tpu.vector_store %arg9[%parallel_loop3A_361, %parallel_loop3A_362], %parallel_loop3A_365 {strides = array<i32>} : memref<32x768xf32, #tpu.memory_space<vmem>>, vector<1x16xf32>,
        %parallel_loop3A_366 = arith.index_cast %parallel_loop3A_99 : i32 to index
        %parallel_loop3A_367 = arith.constant 304 : index
        %parallel_loop3A_368 = tpu.vector_load %arg7[%parallel_loop3A_366, %parallel_loop3A_367] {strides = array<i32>} : memref<32x768xf32, #tpu.memory_space<vmem>>, vector<1x16xf32>,
        %parallel_loop3A_369 = vector.shape_cast %parallel_loop3A_368 : vector<1x16xf32> to vector<16xf32>
        %parallel_loop3A_370 = arith.index_cast %parallel_loop3A_99 : i32 to index
        %parallel_loop3A_371 = arith.constant 304 : index
        %parallel_loop3A_372 = tpu.vector_load %arg5[%parallel_loop3A_370, %parallel_loop3A_371] {strides = array<i32>} : memref<32x768xf32, #tpu.memory_space<vmem>>, vector<1x16xf32>,
        %parallel_loop3A_373 = vector.shape_cast %parallel_loop3A_372 : vector<1x16xf32> to vector<16xf32>
        %parallel_loop3A_374 = arith.addf %parallel_loop3A_369, %parallel_loop3A_373 : vector<16xf32>
        %parallel_loop3A_375 = arith.index_cast %parallel_loop3A_99 : i32 to index
        %parallel_loop3A_376 = arith.constant 304 : index
        %parallel_loop3A_377 = tpu.vector_load %arg9[%parallel_loop3A_375, %parallel_loop3A_376] {strides = array<i32>} : memref<32x768xf32, #tpu.memory_space<vmem>>, vector<1x16xf32>,
        %parallel_loop3A_378 = vector.shape_cast %parallel_loop3A_377 : vector<1x16xf32> to vector<16xf32>
        %parallel_loop3A_379 = vector.shape_cast %parallel_loop3A_374 : vector<16xf32> to vector<1x16xf32>
        tpu.vector_store %arg9[%parallel_loop3A_375, %parallel_loop3A_376], %parallel_loop3A_379 {strides = array<i32>} : memref<32x768xf32, #tpu.memory_space<vmem>>, vector<1x16xf32>,
        %parallel_loop3A_380 = arith.index_cast %parallel_loop3A_99 : i32 to index
        %parallel_loop3A_381 = arith.constant 320 : index
        %parallel_loop3A_382 = tpu.vector_load %arg7[%parallel_loop3A_380, %parallel_loop3A_381] {strides = array<i32>} : memref<32x768xf32, #tpu.memory_space<vmem>>, vector<1x16xf32>,
        %parallel_loop3A_383 = vector.shape_cast %parallel_loop3A_382 : vector<1x16xf32> to vector<16xf32>
        %parallel_loop3A_384 = arith.index_cast %parallel_loop3A_99 : i32 to index
        %parallel_loop3A_385 = arith.constant 320 : index
        %parallel_loop3A_386 = tpu.vector_load %arg5[%parallel_loop3A_384, %parallel_loop3A_385] {strides = array<i32>} : memref<32x768xf32, #tpu.memory_space<vmem>>, vector<1x16xf32>,
        %parallel_loop3A_387 = vector.shape_cast %parallel_loop3A_386 : vector<1x16xf32> to vector<16xf32>
        %parallel_loop3A_388 = arith.addf %parallel_loop3A_383, %parallel_loop3A_387 : vector<16xf32>
        %parallel_loop3A_389 = arith.index_cast %parallel_loop3A_99 : i32 to index
        %parallel_loop3A_390 = arith.constant 320 : index
        %parallel_loop3A_391 = tpu.vector_load %arg9[%parallel_loop3A_389, %parallel_loop3A_390] {strides = array<i32>} : memref<32x768xf32, #tpu.memory_space<vmem>>, vector<1x16xf32>,
        %parallel_loop3A_392 = vector.shape_cast %parallel_loop3A_391 : vector<1x16xf32> to vector<16xf32>
        %parallel_loop3A_393 = vector.shape_cast %parallel_loop3A_388 : vector<16xf32> to vector<1x16xf32>
        tpu.vector_store %arg9[%parallel_loop3A_389, %parallel_loop3A_390], %parallel_loop3A_393 {strides = array<i32>} : memref<32x768xf32, #tpu.memory_space<vmem>>, vector<1x16xf32>,
        %parallel_loop3A_394 = arith.index_cast %parallel_loop3A_99 : i32 to index
        %parallel_loop3A_395 = arith.constant 336 : index
        %parallel_loop3A_396 = tpu.vector_load %arg7[%parallel_loop3A_394, %parallel_loop3A_395] {strides = array<i32>} : memref<32x768xf32, #tpu.memory_space<vmem>>, vector<1x16xf32>,
        %parallel_loop3A_397 = vector.shape_cast %parallel_loop3A_396 : vector<1x16xf32> to vector<16xf32>
        %parallel_loop3A_398 = arith.index_cast %parallel_loop3A_99 : i32 to index
        %parallel_loop3A_399 = arith.constant 336 : index
        %parallel_loop3A_400 = tpu.vector_load %arg5[%parallel_loop3A_398, %parallel_loop3A_399] {strides = array<i32>} : memref<32x768xf32, #tpu.memory_space<vmem>>, vector<1x16xf32>,
        %parallel_loop3A_401 = vector.shape_cast %parallel_loop3A_400 : vector<1x16xf32> to vector<16xf32>
        %parallel_loop3A_402 = arith.addf %parallel_loop3A_397, %parallel_loop3A_401 : vector<16xf32>
        %parallel_loop3A_403 = arith.index_cast %parallel_loop3A_99 : i32 to index
        %parallel_loop3A_404 = arith.constant 336 : index
        %parallel_loop3A_405 = tpu.vector_load %arg9[%parallel_loop3A_403, %parallel_loop3A_404] {strides = array<i32>} : memref<32x768xf32, #tpu.memory_space<vmem>>, vector<1x16xf32>,
        %parallel_loop3A_406 = vector.shape_cast %parallel_loop3A_405 : vector<1x16xf32> to vector<16xf32>
        %parallel_loop3A_407 = vector.shape_cast %parallel_loop3A_402 : vector<16xf32> to vector<1x16xf32>
        tpu.vector_store %arg9[%parallel_loop3A_403, %parallel_loop3A_404], %parallel_loop3A_407 {strides = array<i32>} : memref<32x768xf32, #tpu.memory_space<vmem>>, vector<1x16xf32>,
        %parallel_loop3A_408 = arith.index_cast %parallel_loop3A_99 : i32 to index
        %parallel_loop3A_409 = arith.constant 352 : index
        %parallel_loop3A_410 = tpu.vector_load %arg7[%parallel_loop3A_408, %parallel_loop3A_409] {strides = array<i32>} : memref<32x768xf32, #tpu.memory_space<vmem>>, vector<1x16xf32>,
        %parallel_loop3A_411 = vector.shape_cast %parallel_loop3A_410 : vector<1x16xf32> to vector<16xf32>
        %parallel_loop3A_412 = arith.index_cast %parallel_loop3A_99 : i32 to index
        %parallel_loop3A_413 = arith.constant 352 : index
        %parallel_loop3A_414 = tpu.vector_load %arg5[%parallel_loop3A_412, %parallel_loop3A_413] {strides = array<i32>} : memref<32x768xf32, #tpu.memory_space<vmem>>, vector<1x16xf32>,
        %parallel_loop3A_415 = vector.shape_cast %parallel_loop3A_414 : vector<1x16xf32> to vector<16xf32>
        %parallel_loop3A_416 = arith.addf %parallel_loop3A_411, %parallel_loop3A_415 : vector<16xf32>
        %parallel_loop3A_417 = arith.index_cast %parallel_loop3A_99 : i32 to index
        %parallel_loop3A_418 = arith.constant 352 : index
        %parallel_loop3A_419 = tpu.vector_load %arg9[%parallel_loop3A_417, %parallel_loop3A_418] {strides = array<i32>} : memref<32x768xf32, #tpu.memory_space<vmem>>, vector<1x16xf32>,
        %parallel_loop3A_420 = vector.shape_cast %parallel_loop3A_419 : vector<1x16xf32> to vector<16xf32>
        %parallel_loop3A_421 = vector.shape_cast %parallel_loop3A_416 : vector<16xf32> to vector<1x16xf32>
        tpu.vector_store %arg9[%parallel_loop3A_417, %parallel_loop3A_418], %parallel_loop3A_421 {strides = array<i32>} : memref<32x768xf32, #tpu.memory_space<vmem>>, vector<1x16xf32>,
        %parallel_loop3A_422 = arith.index_cast %parallel_loop3A_99 : i32 to index
        %parallel_loop3A_423 = arith.constant 368 : index
        %parallel_loop3A_424 = tpu.vector_load %arg7[%parallel_loop3A_422, %parallel_loop3A_423] {strides = array<i32>} : memref<32x768xf32, #tpu.memory_space<vmem>>, vector<1x16xf32>,
        %parallel_loop3A_425 = vector.shape_cast %parallel_loop3A_424 : vector<1x16xf32> to vector<16xf32>
        %parallel_loop3A_426 = arith.index_cast %parallel_loop3A_99 : i32 to index
        %parallel_loop3A_427 = arith.constant 368 : index
        %parallel_loop3A_428 = tpu.vector_load %arg5[%parallel_loop3A_426, %parallel_loop3A_427] {strides = array<i32>} : memref<32x768xf32, #tpu.memory_space<vmem>>, vector<1x16xf32>,
        %parallel_loop3A_429 = vector.shape_cast %parallel_loop3A_428 : vector<1x16xf32> to vector<16xf32>
        %parallel_loop3A_430 = arith.addf %parallel_loop3A_425, %parallel_loop3A_429 : vector<16xf32>
        %parallel_loop3A_431 = arith.index_cast %parallel_loop3A_99 : i32 to index
        %parallel_loop3A_432 = arith.constant 368 : index
        %parallel_loop3A_433 = tpu.vector_load %arg9[%parallel_loop3A_431, %parallel_loop3A_432] {strides = array<i32>} : memref<32x768xf32, #tpu.memory_space<vmem>>, vector<1x16xf32>,
        %parallel_loop3A_434 = vector.shape_cast %parallel_loop3A_433 : vector<1x16xf32> to vector<16xf32>
        %parallel_loop3A_435 = vector.shape_cast %parallel_loop3A_430 : vector<16xf32> to vector<1x16xf32>
        tpu.vector_store %arg9[%parallel_loop3A_431, %parallel_loop3A_432], %parallel_loop3A_435 {strides = array<i32>} : memref<32x768xf32, #tpu.memory_space<vmem>>, vector<1x16xf32>,
        %parallel_loop3A_436 = arith.index_cast %parallel_loop3A_99 : i32 to index
        %parallel_loop3A_437 = arith.constant 384 : index
        %parallel_loop3A_438 = tpu.vector_load %arg7[%parallel_loop3A_436, %parallel_loop3A_437] {strides = array<i32>} : memref<32x768xf32, #tpu.memory_space<vmem>>, vector<1x16xf32>,
        %parallel_loop3A_439 = vector.shape_cast %parallel_loop3A_438 : vector<1x16xf32> to vector<16xf32>
        %parallel_loop3A_440 = arith.index_cast %parallel_loop3A_99 : i32 to index
        %parallel_loop3A_441 = arith.constant 384 : index
        %parallel_loop3A_442 = tpu.vector_load %arg5[%parallel_loop3A_440, %parallel_loop3A_441] {strides = array<i32>} : memref<32x768xf32, #tpu.memory_space<vmem>>, vector<1x16xf32>,
        %parallel_loop3A_443 = vector.shape_cast %parallel_loop3A_442 : vector<1x16xf32> to vector<16xf32>
        %parallel_loop3A_444 = arith.addf %parallel_loop3A_439, %parallel_loop3A_443 : vector<16xf32>
        %parallel_loop3A_445 = arith.index_cast %parallel_loop3A_99 : i32 to index
        %parallel_loop3A_446 = arith.constant 384 : index
        %parallel_loop3A_447 = tpu.vector_load %arg9[%parallel_loop3A_445, %parallel_loop3A_446] {strides = array<i32>} : memref<32x768xf32, #tpu.memory_space<vmem>>, vector<1x16xf32>,
        %parallel_loop3A_448 = vector.shape_cast %parallel_loop3A_447 : vector<1x16xf32> to vector<16xf32>
        %parallel_loop3A_449 = vector.shape_cast %parallel_loop3A_444 : vector<16xf32> to vector<1x16xf32>
        tpu.vector_store %arg9[%parallel_loop3A_445, %parallel_loop3A_446], %parallel_loop3A_449 {strides = array<i32>} : memref<32x768xf32, #tpu.memory_space<vmem>>, vector<1x16xf32>,
        %parallel_loop3A_450 = arith.index_cast %parallel_loop3A_99 : i32 to index
        %parallel_loop3A_451 = arith.constant 400 : index
        %parallel_loop3A_452 = tpu.vector_load %arg7[%parallel_loop3A_450, %parallel_loop3A_451] {strides = array<i32>} : memref<32x768xf32, #tpu.memory_space<vmem>>, vector<1x16xf32>,
        %parallel_loop3A_453 = vector.shape_cast %parallel_loop3A_452 : vector<1x16xf32> to vector<16xf32>
        %parallel_loop3A_454 = arith.index_cast %parallel_loop3A_99 : i32 to index
        %parallel_loop3A_455 = arith.constant 400 : index
        %parallel_loop3A_456 = tpu.vector_load %arg5[%parallel_loop3A_454, %parallel_loop3A_455] {strides = array<i32>} : memref<32x768xf32, #tpu.memory_space<vmem>>, vector<1x16xf32>,
        %parallel_loop3A_457 = vector.shape_cast %parallel_loop3A_456 : vector<1x16xf32> to vector<16xf32>
        %parallel_loop3A_458 = arith.addf %parallel_loop3A_453, %parallel_loop3A_457 : vector<16xf32>
        %parallel_loop3A_459 = arith.index_cast %parallel_loop3A_99 : i32 to index
        %parallel_loop3A_460 = arith.constant 400 : index
        %parallel_loop3A_461 = tpu.vector_load %arg9[%parallel_loop3A_459, %parallel_loop3A_460] {strides = array<i32>} : memref<32x768xf32, #tpu.memory_space<vmem>>, vector<1x16xf32>,
        %parallel_loop3A_462 = vector.shape_cast %parallel_loop3A_461 : vector<1x16xf32> to vector<16xf32>
        %parallel_loop3A_463 = vector.shape_cast %parallel_loop3A_458 : vector<16xf32> to vector<1x16xf32>
        tpu.vector_store %arg9[%parallel_loop3A_459, %parallel_loop3A_460], %parallel_loop3A_463 {strides = array<i32>} : memref<32x768xf32, #tpu.memory_space<vmem>>, vector<1x16xf32>,
        %parallel_loop3A_464 = arith.index_cast %parallel_loop3A_99 : i32 to index
        %parallel_loop3A_465 = arith.constant 416 : index
        %parallel_loop3A_466 = tpu.vector_load %arg7[%parallel_loop3A_464, %parallel_loop3A_465] {strides = array<i32>} : memref<32x768xf32, #tpu.memory_space<vmem>>, vector<1x16xf32>,
        %parallel_loop3A_467 = vector.shape_cast %parallel_loop3A_466 : vector<1x16xf32> to vector<16xf32>
        %parallel_loop3A_468 = arith.index_cast %parallel_loop3A_99 : i32 to index
        %parallel_loop3A_469 = arith.constant 416 : index
        %parallel_loop3A_470 = tpu.vector_load %arg5[%parallel_loop3A_468, %parallel_loop3A_469] {strides = array<i32>} : memref<32x768xf32, #tpu.memory_space<vmem>>, vector<1x16xf32>,
        %parallel_loop3A_471 = vector.shape_cast %parallel_loop3A_470 : vector<1x16xf32> to vector<16xf32>
        %parallel_loop3A_472 = arith.addf %parallel_loop3A_467, %parallel_loop3A_471 : vector<16xf32>
        %parallel_loop3A_473 = arith.index_cast %parallel_loop3A_99 : i32 to index
        %parallel_loop3A_474 = arith.constant 416 : index
        %parallel_loop3A_475 = tpu.vector_load %arg9[%parallel_loop3A_473, %parallel_loop3A_474] {strides = array<i32>} : memref<32x768xf32, #tpu.memory_space<vmem>>, vector<1x16xf32>,
        %parallel_loop3A_476 = vector.shape_cast %parallel_loop3A_475 : vector<1x16xf32> to vector<16xf32>
        %parallel_loop3A_477 = vector.shape_cast %parallel_loop3A_472 : vector<16xf32> to vector<1x16xf32>
        tpu.vector_store %arg9[%parallel_loop3A_473, %parallel_loop3A_474], %parallel_loop3A_477 {strides = array<i32>} : memref<32x768xf32, #tpu.memory_space<vmem>>, vector<1x16xf32>,
        %parallel_loop3A_478 = arith.index_cast %parallel_loop3A_99 : i32 to index
        %parallel_loop3A_479 = arith.constant 432 : index
        %parallel_loop3A_480 = tpu.vector_load %arg7[%parallel_loop3A_478, %parallel_loop3A_479] {strides = array<i32>} : memref<32x768xf32, #tpu.memory_space<vmem>>, vector<1x16xf32>,
        %parallel_loop3A_481 = vector.shape_cast %parallel_loop3A_480 : vector<1x16xf32> to vector<16xf32>
        %parallel_loop3A_482 = arith.index_cast %parallel_loop3A_99 : i32 to index
        %parallel_loop3A_483 = arith.constant 432 : index
        %parallel_loop3A_484 = tpu.vector_load %arg5[%parallel_loop3A_482, %parallel_loop3A_483] {strides = array<i32>} : memref<32x768xf32, #tpu.memory_space<vmem>>, vector<1x16xf32>,
        %parallel_loop3A_485 = vector.shape_cast %parallel_loop3A_484 : vector<1x16xf32> to vector<16xf32>
        %parallel_loop3A_486 = arith.addf %parallel_loop3A_481, %parallel_loop3A_485 : vector<16xf32>
        %parallel_loop3A_487 = arith.index_cast %parallel_loop3A_99 : i32 to index
        %parallel_loop3A_488 = arith.constant 432 : index
        %parallel_loop3A_489 = tpu.vector_load %arg9[%parallel_loop3A_487, %parallel_loop3A_488] {strides = array<i32>} : memref<32x768xf32, #tpu.memory_space<vmem>>, vector<1x16xf32>,
        %parallel_loop3A_490 = vector.shape_cast %parallel_loop3A_489 : vector<1x16xf32> to vector<16xf32>
        %parallel_loop3A_491 = vector.shape_cast %parallel_loop3A_486 : vector<16xf32> to vector<1x16xf32>
        tpu.vector_store %arg9[%parallel_loop3A_487, %parallel_loop3A_488], %parallel_loop3A_491 {strides = array<i32>} : memref<32x768xf32, #tpu.memory_space<vmem>>, vector<1x16xf32>,
        %parallel_loop3A_492 = arith.index_cast %parallel_loop3A_99 : i32 to index
        %parallel_loop3A_493 = arith.constant 448 : index
        %parallel_loop3A_494 = tpu.vector_load %arg7[%parallel_loop3A_492, %parallel_loop3A_493] {strides = array<i32>} : memref<32x768xf32, #tpu.memory_space<vmem>>, vector<1x16xf32>,
        %parallel_loop3A_495 = vector.shape_cast %parallel_loop3A_494 : vector<1x16xf32> to vector<16xf32>
        %parallel_loop3A_496 = arith.index_cast %parallel_loop3A_99 : i32 to index
        %parallel_loop3A_497 = arith.constant 448 : index
        %parallel_loop3A_498 = tpu.vector_load %arg5[%parallel_loop3A_496, %parallel_loop3A_497] {strides = array<i32>} : memref<32x768xf32, #tpu.memory_space<vmem>>, vector<1x16xf32>,
        %parallel_loop3A_499 = vector.shape_cast %parallel_loop3A_498 : vector<1x16xf32> to vector<16xf32>
        %parallel_loop3A_500 = arith.addf %parallel_loop3A_495, %parallel_loop3A_499 : vector<16xf32>
        %parallel_loop3A_501 = arith.index_cast %parallel_loop3A_99 : i32 to index
        %parallel_loop3A_502 = arith.constant 448 : index
        %parallel_loop3A_503 = tpu.vector_load %arg9[%parallel_loop3A_501, %parallel_loop3A_502] {strides = array<i32>} : memref<32x768xf32, #tpu.memory_space<vmem>>, vector<1x16xf32>,
        %parallel_loop3A_504 = vector.shape_cast %parallel_loop3A_503 : vector<1x16xf32> to vector<16xf32>
        %parallel_loop3A_505 = vector.shape_cast %parallel_loop3A_500 : vector<16xf32> to vector<1x16xf32>
        tpu.vector_store %arg9[%parallel_loop3A_501, %parallel_loop3A_502], %parallel_loop3A_505 {strides = array<i32>} : memref<32x768xf32, #tpu.memory_space<vmem>>, vector<1x16xf32>,
        %parallel_loop3A_506 = arith.index_cast %parallel_loop3A_99 : i32 to index
        %parallel_loop3A_507 = arith.constant 464 : index
        %parallel_loop3A_508 = tpu.vector_load %arg7[%parallel_loop3A_506, %parallel_loop3A_507] {strides = array<i32>} : memref<32x768xf32, #tpu.memory_space<vmem>>, vector<1x16xf32>,
        %parallel_loop3A_509 = vector.shape_cast %parallel_loop3A_508 : vector<1x16xf32> to vector<16xf32>
        %parallel_loop3A_510 = arith.index_cast %parallel_loop3A_99 : i32 to index
        %parallel_loop3A_511 = arith.constant 464 : index
        %parallel_loop3A_512 = tpu.vector_load %arg5[%parallel_loop3A_510, %parallel_loop3A_511] {strides = array<i32>} : memref<32x768xf32, #tpu.memory_space<vmem>>, vector<1x16xf32>,
        %parallel_loop3A_513 = vector.shape_cast %parallel_loop3A_512 : vector<1x16xf32> to vector<16xf32>
        %parallel_loop3A_514 = arith.addf %parallel_loop3A_509, %parallel_loop3A_513 : vector<16xf32>
        %parallel_loop3A_515 = arith.index_cast %parallel_loop3A_99 : i32 to index
        %parallel_loop3A_516 = arith.constant 464 : index
        %parallel_loop3A_517 = tpu.vector_load %arg9[%parallel_loop3A_515, %parallel_loop3A_516] {strides = array<i32>} : memref<32x768xf32, #tpu.memory_space<vmem>>, vector<1x16xf32>,
        %parallel_loop3A_518 = vector.shape_cast %parallel_loop3A_517 : vector<1x16xf32> to vector<16xf32>
        %parallel_loop3A_519 = vector.shape_cast %parallel_loop3A_514 : vector<16xf32> to vector<1x16xf32>
        tpu.vector_store %arg9[%parallel_loop3A_515, %parallel_loop3A_516], %parallel_loop3A_519 {strides = array<i32>} : memref<32x768xf32, #tpu.memory_space<vmem>>, vector<1x16xf32>,
        %parallel_loop3A_520 = arith.index_cast %parallel_loop3A_99 : i32 to index
        %parallel_loop3A_521 = arith.constant 480 : index
        %parallel_loop3A_522 = tpu.vector_load %arg7[%parallel_loop3A_520, %parallel_loop3A_521] {strides = array<i32>} : memref<32x768xf32, #tpu.memory_space<vmem>>, vector<1x16xf32>,
        %parallel_loop3A_523 = vector.shape_cast %parallel_loop3A_522 : vector<1x16xf32> to vector<16xf32>
        %parallel_loop3A_524 = arith.index_cast %parallel_loop3A_99 : i32 to index
        %parallel_loop3A_525 = arith.constant 480 : index
        %parallel_loop3A_526 = tpu.vector_load %arg5[%parallel_loop3A_524, %parallel_loop3A_525] {strides = array<i32>} : memref<32x768xf32, #tpu.memory_space<vmem>>, vector<1x16xf32>,
        %parallel_loop3A_527 = vector.shape_cast %parallel_loop3A_526 : vector<1x16xf32> to vector<16xf32>
        %parallel_loop3A_528 = arith.addf %parallel_loop3A_523, %parallel_loop3A_527 : vector<16xf32>
        %parallel_loop3A_529 = arith.index_cast %parallel_loop3A_99 : i32 to index
        %parallel_loop3A_530 = arith.constant 480 : index
        %parallel_loop3A_531 = tpu.vector_load %arg9[%parallel_loop3A_529, %parallel_loop3A_530] {strides = array<i32>} : memref<32x768xf32, #tpu.memory_space<vmem>>, vector<1x16xf32>,
        %parallel_loop3A_532 = vector.shape_cast %parallel_loop3A_531 : vector<1x16xf32> to vector<16xf32>
        %parallel_loop3A_533 = vector.shape_cast %parallel_loop3A_528 : vector<16xf32> to vector<1x16xf32>
        tpu.vector_store %arg9[%parallel_loop3A_529, %parallel_loop3A_530], %parallel_loop3A_533 {strides = array<i32>} : memref<32x768xf32, #tpu.memory_space<vmem>>, vector<1x16xf32>,
        %parallel_loop3A_534 = arith.index_cast %parallel_loop3A_99 : i32 to index
        %parallel_loop3A_535 = arith.constant 496 : index
        %parallel_loop3A_536 = tpu.vector_load %arg7[%parallel_loop3A_534, %parallel_loop3A_535] {strides = array<i32>} : memref<32x768xf32, #tpu.memory_space<vmem>>, vector<1x16xf32>,
        %parallel_loop3A_537 = vector.shape_cast %parallel_loop3A_536 : vector<1x16xf32> to vector<16xf32>
        %parallel_loop3A_538 = arith.index_cast %parallel_loop3A_99 : i32 to index
        %parallel_loop3A_539 = arith.constant 496 : index
        %parallel_loop3A_540 = tpu.vector_load %arg5[%parallel_loop3A_538, %parallel_loop3A_539] {strides = array<i32>} : memref<32x768xf32, #tpu.memory_space<vmem>>, vector<1x16xf32>,
        %parallel_loop3A_541 = vector.shape_cast %parallel_loop3A_540 : vector<1x16xf32> to vector<16xf32>
        %parallel_loop3A_542 = arith.addf %parallel_loop3A_537, %parallel_loop3A_541 : vector<16xf32>
        %parallel_loop3A_543 = arith.index_cast %parallel_loop3A_99 : i32 to index
        %parallel_loop3A_544 = arith.constant 496 : index
        %parallel_loop3A_545 = tpu.vector_load %arg9[%parallel_loop3A_543, %parallel_loop3A_544] {strides = array<i32>} : memref<32x768xf32, #tpu.memory_space<vmem>>, vector<1x16xf32>,
        %parallel_loop3A_546 = vector.shape_cast %parallel_loop3A_545 : vector<1x16xf32> to vector<16xf32>
        %parallel_loop3A_547 = vector.shape_cast %parallel_loop3A_542 : vector<16xf32> to vector<1x16xf32>
        tpu.vector_store %arg9[%parallel_loop3A_543, %parallel_loop3A_544], %parallel_loop3A_547 {strides = array<i32>} : memref<32x768xf32, #tpu.memory_space<vmem>>, vector<1x16xf32>,
        %parallel_loop3A_548 = arith.index_cast %parallel_loop3A_99 : i32 to index
        %parallel_loop3A_549 = arith.constant 512 : index
        %parallel_loop3A_550 = tpu.vector_load %arg7[%parallel_loop3A_548, %parallel_loop3A_549] {strides = array<i32>} : memref<32x768xf32, #tpu.memory_space<vmem>>, vector<1x16xf32>,
        %parallel_loop3A_551 = vector.shape_cast %parallel_loop3A_550 : vector<1x16xf32> to vector<16xf32>
        %parallel_loop3A_552 = arith.index_cast %parallel_loop3A_99 : i32 to index
        %parallel_loop3A_553 = arith.constant 512 : index
        %parallel_loop3A_554 = tpu.vector_load %arg5[%parallel_loop3A_552, %parallel_loop3A_553] {strides = array<i32>} : memref<32x768xf32, #tpu.memory_space<vmem>>, vector<1x16xf32>,
        %parallel_loop3A_555 = vector.shape_cast %parallel_loop3A_554 : vector<1x16xf32> to vector<16xf32>
        %parallel_loop3A_556 = arith.addf %parallel_loop3A_551, %parallel_loop3A_555 : vector<16xf32>
        %parallel_loop3A_557 = arith.index_cast %parallel_loop3A_99 : i32 to index
        %parallel_loop3A_558 = arith.constant 512 : index
        %parallel_loop3A_559 = tpu.vector_load %arg9[%parallel_loop3A_557, %parallel_loop3A_558] {strides = array<i32>} : memref<32x768xf32, #tpu.memory_space<vmem>>, vector<1x16xf32>,
        %parallel_loop3A_560 = vector.shape_cast %parallel_loop3A_559 : vector<1x16xf32> to vector<16xf32>
        %parallel_loop3A_561 = vector.shape_cast %parallel_loop3A_556 : vector<16xf32> to vector<1x16xf32>
        tpu.vector_store %arg9[%parallel_loop3A_557, %parallel_loop3A_558], %parallel_loop3A_561 {strides = array<i32>} : memref<32x768xf32, #tpu.memory_space<vmem>>, vector<1x16xf32>,
        %parallel_loop3A_562 = arith.index_cast %parallel_loop3A_99 : i32 to index
        %parallel_loop3A_563 = arith.constant 528 : index
        %parallel_loop3A_564 = tpu.vector_load %arg7[%parallel_loop3A_562, %parallel_loop3A_563] {strides = array<i32>} : memref<32x768xf32, #tpu.memory_space<vmem>>, vector<1x16xf32>,
        %parallel_loop3A_565 = vector.shape_cast %parallel_loop3A_564 : vector<1x16xf32> to vector<16xf32>
        %parallel_loop3A_566 = arith.index_cast %parallel_loop3A_99 : i32 to index
        %parallel_loop3A_567 = arith.constant 528 : index
        %parallel_loop3A_568 = tpu.vector_load %arg5[%parallel_loop3A_566, %parallel_loop3A_567] {strides = array<i32>} : memref<32x768xf32, #tpu.memory_space<vmem>>, vector<1x16xf32>,
        %parallel_loop3A_569 = vector.shape_cast %parallel_loop3A_568 : vector<1x16xf32> to vector<16xf32>
        %parallel_loop3A_570 = arith.addf %parallel_loop3A_565, %parallel_loop3A_569 : vector<16xf32>
        %parallel_loop3A_571 = arith.index_cast %parallel_loop3A_99 : i32 to index
        %parallel_loop3A_572 = arith.constant 528 : index
        %parallel_loop3A_573 = tpu.vector_load %arg9[%parallel_loop3A_571, %parallel_loop3A_572] {strides = array<i32>} : memref<32x768xf32, #tpu.memory_space<vmem>>, vector<1x16xf32>,
        %parallel_loop3A_574 = vector.shape_cast %parallel_loop3A_573 : vector<1x16xf32> to vector<16xf32>
        %parallel_loop3A_575 = vector.shape_cast %parallel_loop3A_570 : vector<16xf32> to vector<1x16xf32>
        tpu.vector_store %arg9[%parallel_loop3A_571, %parallel_loop3A_572], %parallel_loop3A_575 {strides = array<i32>} : memref<32x768xf32, #tpu.memory_space<vmem>>, vector<1x16xf32>,
        %parallel_loop3A_576 = arith.index_cast %parallel_loop3A_99 : i32 to index
        %parallel_loop3A_577 = arith.constant 544 : index
        %parallel_loop3A_578 = tpu.vector_load %arg7[%parallel_loop3A_576, %parallel_loop3A_577] {strides = array<i32>} : memref<32x768xf32, #tpu.memory_space<vmem>>, vector<1x16xf32>,
        %parallel_loop3A_579 = vector.shape_cast %parallel_loop3A_578 : vector<1x16xf32> to vector<16xf32>
        %parallel_loop3A_580 = arith.index_cast %parallel_loop3A_99 : i32 to index
        %parallel_loop3A_581 = arith.constant 544 : index
        %parallel_loop3A_582 = tpu.vector_load %arg5[%parallel_loop3A_580, %parallel_loop3A_581] {strides = array<i32>} : memref<32x768xf32, #tpu.memory_space<vmem>>, vector<1x16xf32>,
        %parallel_loop3A_583 = vector.shape_cast %parallel_loop3A_582 : vector<1x16xf32> to vector<16xf32>
        %parallel_loop3A_584 = arith.addf %parallel_loop3A_579, %parallel_loop3A_583 : vector<16xf32>
        %parallel_loop3A_585 = arith.index_cast %parallel_loop3A_99 : i32 to index
        %parallel_loop3A_586 = arith.constant 544 : index
        %parallel_loop3A_587 = tpu.vector_load %arg9[%parallel_loop3A_585, %parallel_loop3A_586] {strides = array<i32>} : memref<32x768xf32, #tpu.memory_space<vmem>>, vector<1x16xf32>,
        %parallel_loop3A_588 = vector.shape_cast %parallel_loop3A_587 : vector<1x16xf32> to vector<16xf32>
        %parallel_loop3A_589 = vector.shape_cast %parallel_loop3A_584 : vector<16xf32> to vector<1x16xf32>
        tpu.vector_store %arg9[%parallel_loop3A_585, %parallel_loop3A_586], %parallel_loop3A_589 {strides = array<i32>} : memref<32x768xf32, #tpu.memory_space<vmem>>, vector<1x16xf32>,
        %parallel_loop3A_590 = arith.index_cast %parallel_loop3A_99 : i32 to index
        %parallel_loop3A_591 = arith.constant 560 : index
        %parallel_loop3A_592 = tpu.vector_load %arg7[%parallel_loop3A_590, %parallel_loop3A_591] {strides = array<i32>} : memref<32x768xf32, #tpu.memory_space<vmem>>, vector<1x16xf32>,
        %parallel_loop3A_593 = vector.shape_cast %parallel_loop3A_592 : vector<1x16xf32> to vector<16xf32>
        %parallel_loop3A_594 = arith.index_cast %parallel_loop3A_99 : i32 to index
        %parallel_loop3A_595 = arith.constant 560 : index
        %parallel_loop3A_596 = tpu.vector_load %arg5[%parallel_loop3A_594, %parallel_loop3A_595] {strides = array<i32>} : memref<32x768xf32, #tpu.memory_space<vmem>>, vector<1x16xf32>,
        %parallel_loop3A_597 = vector.shape_cast %parallel_loop3A_596 : vector<1x16xf32> to vector<16xf32>
        %parallel_loop3A_598 = arith.addf %parallel_loop3A_593, %parallel_loop3A_597 : vector<16xf32>
        %parallel_loop3A_599 = arith.index_cast %parallel_loop3A_99 : i32 to index
        %parallel_loop3A_600 = arith.constant 560 : index
        %parallel_loop3A_601 = tpu.vector_load %arg9[%parallel_loop3A_599, %parallel_loop3A_600] {strides = array<i32>} : memref<32x768xf32, #tpu.memory_space<vmem>>, vector<1x16xf32>,
        %parallel_loop3A_602 = vector.shape_cast %parallel_loop3A_601 : vector<1x16xf32> to vector<16xf32>
        %parallel_loop3A_603 = vector.shape_cast %parallel_loop3A_598 : vector<16xf32> to vector<1x16xf32>
        tpu.vector_store %arg9[%parallel_loop3A_599, %parallel_loop3A_600], %parallel_loop3A_603 {strides = array<i32>} : memref<32x768xf32, #tpu.memory_space<vmem>>, vector<1x16xf32>,
        %parallel_loop3A_604 = arith.index_cast %parallel_loop3A_99 : i32 to index
        %parallel_loop3A_605 = arith.constant 576 : index
        %parallel_loop3A_606 = tpu.vector_load %arg7[%parallel_loop3A_604, %parallel_loop3A_605] {strides = array<i32>} : memref<32x768xf32, #tpu.memory_space<vmem>>, vector<1x16xf32>,
        %parallel_loop3A_607 = vector.shape_cast %parallel_loop3A_606 : vector<1x16xf32> to vector<16xf32>
        %parallel_loop3A_608 = arith.index_cast %parallel_loop3A_99 : i32 to index
        %parallel_loop3A_609 = arith.constant 576 : index
        %parallel_loop3A_610 = tpu.vector_load %arg5[%parallel_loop3A_608, %parallel_loop3A_609] {strides = array<i32>} : memref<32x768xf32, #tpu.memory_space<vmem>>, vector<1x16xf32>,
        %parallel_loop3A_611 = vector.shape_cast %parallel_loop3A_610 : vector<1x16xf32> to vector<16xf32>
        %parallel_loop3A_612 = arith.addf %parallel_loop3A_607, %parallel_loop3A_611 : vector<16xf32>
        %parallel_loop3A_613 = arith.index_cast %parallel_loop3A_99 : i32 to index
        %parallel_loop3A_614 = arith.constant 576 : index
        %parallel_loop3A_615 = tpu.vector_load %arg9[%parallel_loop3A_613, %parallel_loop3A_614] {strides = array<i32>} : memref<32x768xf32, #tpu.memory_space<vmem>>, vector<1x16xf32>,
        %parallel_loop3A_616 = vector.shape_cast %parallel_loop3A_615 : vector<1x16xf32> to vector<16xf32>
        %parallel_loop3A_617 = vector.shape_cast %parallel_loop3A_612 : vector<16xf32> to vector<1x16xf32>
        tpu.vector_store %arg9[%parallel_loop3A_613, %parallel_loop3A_614], %parallel_loop3A_617 {strides = array<i32>} : memref<32x768xf32, #tpu.memory_space<vmem>>, vector<1x16xf32>,
        %parallel_loop3A_618 = arith.index_cast %parallel_loop3A_99 : i32 to index
        %parallel_loop3A_619 = arith.constant 592 : index
        %parallel_loop3A_620 = tpu.vector_load %arg7[%parallel_loop3A_618, %parallel_loop3A_619] {strides = array<i32>} : memref<32x768xf32, #tpu.memory_space<vmem>>, vector<1x16xf32>,
        %parallel_loop3A_621 = vector.shape_cast %parallel_loop3A_620 : vector<1x16xf32> to vector<16xf32>
        %parallel_loop3A_622 = arith.index_cast %parallel_loop3A_99 : i32 to index
        %parallel_loop3A_623 = arith.constant 592 : index
        %parallel_loop3A_624 = tpu.vector_load %arg5[%parallel_loop3A_622, %parallel_loop3A_623] {strides = array<i32>} : memref<32x768xf32, #tpu.memory_space<vmem>>, vector<1x16xf32>,
        %parallel_loop3A_625 = vector.shape_cast %parallel_loop3A_624 : vector<1x16xf32> to vector<16xf32>
        %parallel_loop3A_626 = arith.addf %parallel_loop3A_621, %parallel_loop3A_625 : vector<16xf32>
        %parallel_loop3A_627 = arith.index_cast %parallel_loop3A_99 : i32 to index
        %parallel_loop3A_628 = arith.constant 592 : index
        %parallel_loop3A_629 = tpu.vector_load %arg9[%parallel_loop3A_627, %parallel_loop3A_628] {strides = array<i32>} : memref<32x768xf32, #tpu.memory_space<vmem>>, vector<1x16xf32>,
        %parallel_loop3A_630 = vector.shape_cast %parallel_loop3A_629 : vector<1x16xf32> to vector<16xf32>
        %parallel_loop3A_631 = vector.shape_cast %parallel_loop3A_626 : vector<16xf32> to vector<1x16xf32>
        tpu.vector_store %arg9[%parallel_loop3A_627, %parallel_loop3A_628], %parallel_loop3A_631 {strides = array<i32>} : memref<32x768xf32, #tpu.memory_space<vmem>>, vector<1x16xf32>,
        %parallel_loop3A_632 = arith.index_cast %parallel_loop3A_99 : i32 to index
        %parallel_loop3A_633 = arith.constant 608 : index
        %parallel_loop3A_634 = tpu.vector_load %arg7[%parallel_loop3A_632, %parallel_loop3A_633] {strides = array<i32>} : memref<32x768xf32, #tpu.memory_space<vmem>>, vector<1x16xf32>,
        %parallel_loop3A_635 = vector.shape_cast %parallel_loop3A_634 : vector<1x16xf32> to vector<16xf32>
        %parallel_loop3A_636 = arith.index_cast %parallel_loop3A_99 : i32 to index
        %parallel_loop3A_637 = arith.constant 608 : index
        %parallel_loop3A_638 = tpu.vector_load %arg5[%parallel_loop3A_636, %parallel_loop3A_637] {strides = array<i32>} : memref<32x768xf32, #tpu.memory_space<vmem>>, vector<1x16xf32>,
        %parallel_loop3A_639 = vector.shape_cast %parallel_loop3A_638 : vector<1x16xf32> to vector<16xf32>
        %parallel_loop3A_640 = arith.addf %parallel_loop3A_635, %parallel_loop3A_639 : vector<16xf32>
        %parallel_loop3A_641 = arith.index_cast %parallel_loop3A_99 : i32 to index
        %parallel_loop3A_642 = arith.constant 608 : index
        %parallel_loop3A_643 = tpu.vector_load %arg9[%parallel_loop3A_641, %parallel_loop3A_642] {strides = array<i32>} : memref<32x768xf32, #tpu.memory_space<vmem>>, vector<1x16xf32>,
        %parallel_loop3A_644 = vector.shape_cast %parallel_loop3A_643 : vector<1x16xf32> to vector<16xf32>
        %parallel_loop3A_645 = vector.shape_cast %parallel_loop3A_640 : vector<16xf32> to vector<1x16xf32>
        tpu.vector_store %arg9[%parallel_loop3A_641, %parallel_loop3A_642], %parallel_loop3A_645 {strides = array<i32>} : memref<32x768xf32, #tpu.memory_space<vmem>>, vector<1x16xf32>,
        %parallel_loop3A_646 = arith.index_cast %parallel_loop3A_99 : i32 to index
        %parallel_loop3A_647 = arith.constant 624 : index
        %parallel_loop3A_648 = tpu.vector_load %arg7[%parallel_loop3A_646, %parallel_loop3A_647] {strides = array<i32>} : memref<32x768xf32, #tpu.memory_space<vmem>>, vector<1x16xf32>,
        %parallel_loop3A_649 = vector.shape_cast %parallel_loop3A_648 : vector<1x16xf32> to vector<16xf32>
        %parallel_loop3A_650 = arith.index_cast %parallel_loop3A_99 : i32 to index
        %parallel_loop3A_651 = arith.constant 624 : index
        %parallel_loop3A_652 = tpu.vector_load %arg5[%parallel_loop3A_650, %parallel_loop3A_651] {strides = array<i32>} : memref<32x768xf32, #tpu.memory_space<vmem>>, vector<1x16xf32>,
        %parallel_loop3A_653 = vector.shape_cast %parallel_loop3A_652 : vector<1x16xf32> to vector<16xf32>
        %parallel_loop3A_654 = arith.addf %parallel_loop3A_649, %parallel_loop3A_653 : vector<16xf32>
        %parallel_loop3A_655 = arith.index_cast %parallel_loop3A_99 : i32 to index
        %parallel_loop3A_656 = arith.constant 624 : index
        %parallel_loop3A_657 = tpu.vector_load %arg9[%parallel_loop3A_655, %parallel_loop3A_656] {strides = array<i32>} : memref<32x768xf32, #tpu.memory_space<vmem>>, vector<1x16xf32>,
        %parallel_loop3A_658 = vector.shape_cast %parallel_loop3A_657 : vector<1x16xf32> to vector<16xf32>
        %parallel_loop3A_659 = vector.shape_cast %parallel_loop3A_654 : vector<16xf32> to vector<1x16xf32>
        tpu.vector_store %arg9[%parallel_loop3A_655, %parallel_loop3A_656], %parallel_loop3A_659 {strides = array<i32>} : memref<32x768xf32, #tpu.memory_space<vmem>>, vector<1x16xf32>,
        %parallel_loop3A_660 = arith.index_cast %parallel_loop3A_99 : i32 to index
        %parallel_loop3A_661 = arith.constant 640 : index
        %parallel_loop3A_662 = tpu.vector_load %arg7[%parallel_loop3A_660, %parallel_loop3A_661] {strides = array<i32>} : memref<32x768xf32, #tpu.memory_space<vmem>>, vector<1x16xf32>,
        %parallel_loop3A_663 = vector.shape_cast %parallel_loop3A_662 : vector<1x16xf32> to vector<16xf32>
        %parallel_loop3A_664 = arith.index_cast %parallel_loop3A_99 : i32 to index
        %parallel_loop3A_665 = arith.constant 640 : index
        %parallel_loop3A_666 = tpu.vector_load %arg5[%parallel_loop3A_664, %parallel_loop3A_665] {strides = array<i32>} : memref<32x768xf32, #tpu.memory_space<vmem>>, vector<1x16xf32>,
        %parallel_loop3A_667 = vector.shape_cast %parallel_loop3A_666 : vector<1x16xf32> to vector<16xf32>
        %parallel_loop3A_668 = arith.addf %parallel_loop3A_663, %parallel_loop3A_667 : vector<16xf32>
        %parallel_loop3A_669 = arith.index_cast %parallel_loop3A_99 : i32 to index
        %parallel_loop3A_670 = arith.constant 640 : index
        %parallel_loop3A_671 = tpu.vector_load %arg9[%parallel_loop3A_669, %parallel_loop3A_670] {strides = array<i32>} : memref<32x768xf32, #tpu.memory_space<vmem>>, vector<1x16xf32>,
        %parallel_loop3A_672 = vector.shape_cast %parallel_loop3A_671 : vector<1x16xf32> to vector<16xf32>
        %parallel_loop3A_673 = vector.shape_cast %parallel_loop3A_668 : vector<16xf32> to vector<1x16xf32>
        tpu.vector_store %arg9[%parallel_loop3A_669, %parallel_loop3A_670], %parallel_loop3A_673 {strides = array<i32>} : memref<32x768xf32, #tpu.memory_space<vmem>>, vector<1x16xf32>,
        %parallel_loop3A_674 = arith.index_cast %parallel_loop3A_99 : i32 to index
        %parallel_loop3A_675 = arith.constant 656 : index
        %parallel_loop3A_676 = tpu.vector_load %arg7[%parallel_loop3A_674, %parallel_loop3A_675] {strides = array<i32>} : memref<32x768xf32, #tpu.memory_space<vmem>>, vector<1x16xf32>,
        %parallel_loop3A_677 = vector.shape_cast %parallel_loop3A_676 : vector<1x16xf32> to vector<16xf32>
        %parallel_loop3A_678 = arith.index_cast %parallel_loop3A_99 : i32 to index
        %parallel_loop3A_679 = arith.constant 656 : index
        %parallel_loop3A_680 = tpu.vector_load %arg5[%parallel_loop3A_678, %parallel_loop3A_679] {strides = array<i32>} : memref<32x768xf32, #tpu.memory_space<vmem>>, vector<1x16xf32>,
        %parallel_loop3A_681 = vector.shape_cast %parallel_loop3A_680 : vector<1x16xf32> to vector<16xf32>
        %parallel_loop3A_682 = arith.addf %parallel_loop3A_677, %parallel_loop3A_681 : vector<16xf32>
        %parallel_loop3A_683 = arith.index_cast %parallel_loop3A_99 : i32 to index
        %parallel_loop3A_684 = arith.constant 656 : index
        %parallel_loop3A_685 = tpu.vector_load %arg9[%parallel_loop3A_683, %parallel_loop3A_684] {strides = array<i32>} : memref<32x768xf32, #tpu.memory_space<vmem>>, vector<1x16xf32>,
        %parallel_loop3A_686 = vector.shape_cast %parallel_loop3A_685 : vector<1x16xf32> to vector<16xf32>
        %parallel_loop3A_687 = vector.shape_cast %parallel_loop3A_682 : vector<16xf32> to vector<1x16xf32>
        tpu.vector_store %arg9[%parallel_loop3A_683, %parallel_loop3A_684], %parallel_loop3A_687 {strides = array<i32>} : memref<32x768xf32, #tpu.memory_space<vmem>>, vector<1x16xf32>,
        %parallel_loop3A_688 = arith.index_cast %parallel_loop3A_99 : i32 to index
        %parallel_loop3A_689 = arith.constant 672 : index
        %parallel_loop3A_690 = tpu.vector_load %arg7[%parallel_loop3A_688, %parallel_loop3A_689] {strides = array<i32>} : memref<32x768xf32, #tpu.memory_space<vmem>>, vector<1x16xf32>,
        %parallel_loop3A_691 = vector.shape_cast %parallel_loop3A_690 : vector<1x16xf32> to vector<16xf32>
        %parallel_loop3A_692 = arith.index_cast %parallel_loop3A_99 : i32 to index
        %parallel_loop3A_693 = arith.constant 672 : index
        %parallel_loop3A_694 = tpu.vector_load %arg5[%parallel_loop3A_692, %parallel_loop3A_693] {strides = array<i32>} : memref<32x768xf32, #tpu.memory_space<vmem>>, vector<1x16xf32>,
        %parallel_loop3A_695 = vector.shape_cast %parallel_loop3A_694 : vector<1x16xf32> to vector<16xf32>
        %parallel_loop3A_696 = arith.addf %parallel_loop3A_691, %parallel_loop3A_695 : vector<16xf32>
        %parallel_loop3A_697 = arith.index_cast %parallel_loop3A_99 : i32 to index
        %parallel_loop3A_698 = arith.constant 672 : index
        %parallel_loop3A_699 = tpu.vector_load %arg9[%parallel_loop3A_697, %parallel_loop3A_698] {strides = array<i32>} : memref<32x768xf32, #tpu.memory_space<vmem>>, vector<1x16xf32>,
        %parallel_loop3A_700 = vector.shape_cast %parallel_loop3A_699 : vector<1x16xf32> to vector<16xf32>
        %parallel_loop3A_701 = vector.shape_cast %parallel_loop3A_696 : vector<16xf32> to vector<1x16xf32>
        tpu.vector_store %arg9[%parallel_loop3A_697, %parallel_loop3A_698], %parallel_loop3A_701 {strides = array<i32>} : memref<32x768xf32, #tpu.memory_space<vmem>>, vector<1x16xf32>,
        %parallel_loop3A_702 = arith.index_cast %parallel_loop3A_99 : i32 to index
        %parallel_loop3A_703 = arith.constant 688 : index
        %parallel_loop3A_704 = tpu.vector_load %arg7[%parallel_loop3A_702, %parallel_loop3A_703] {strides = array<i32>} : memref<32x768xf32, #tpu.memory_space<vmem>>, vector<1x16xf32>,
        %parallel_loop3A_705 = vector.shape_cast %parallel_loop3A_704 : vector<1x16xf32> to vector<16xf32>
        %parallel_loop3A_706 = arith.index_cast %parallel_loop3A_99 : i32 to index
        %parallel_loop3A_707 = arith.constant 688 : index
        %parallel_loop3A_708 = tpu.vector_load %arg5[%parallel_loop3A_706, %parallel_loop3A_707] {strides = array<i32>} : memref<32x768xf32, #tpu.memory_space<vmem>>, vector<1x16xf32>,
        %parallel_loop3A_709 = vector.shape_cast %parallel_loop3A_708 : vector<1x16xf32> to vector<16xf32>
        %parallel_loop3A_710 = arith.addf %parallel_loop3A_705, %parallel_loop3A_709 : vector<16xf32>
        %parallel_loop3A_711 = arith.index_cast %parallel_loop3A_99 : i32 to index
        %parallel_loop3A_712 = arith.constant 688 : index
        %parallel_loop3A_713 = tpu.vector_load %arg9[%parallel_loop3A_711, %parallel_loop3A_712] {strides = array<i32>} : memref<32x768xf32, #tpu.memory_space<vmem>>, vector<1x16xf32>,
        %parallel_loop3A_714 = vector.shape_cast %parallel_loop3A_713 : vector<1x16xf32> to vector<16xf32>
        %parallel_loop3A_715 = vector.shape_cast %parallel_loop3A_710 : vector<16xf32> to vector<1x16xf32>
        tpu.vector_store %arg9[%parallel_loop3A_711, %parallel_loop3A_712], %parallel_loop3A_715 {strides = array<i32>} : memref<32x768xf32, #tpu.memory_space<vmem>>, vector<1x16xf32>,
        %parallel_loop3A_716 = arith.index_cast %parallel_loop3A_99 : i32 to index
        %parallel_loop3A_717 = arith.constant 704 : index
        %parallel_loop3A_718 = tpu.vector_load %arg7[%parallel_loop3A_716, %parallel_loop3A_717] {strides = array<i32>} : memref<32x768xf32, #tpu.memory_space<vmem>>, vector<1x16xf32>,
        %parallel_loop3A_719 = vector.shape_cast %parallel_loop3A_718 : vector<1x16xf32> to vector<16xf32>
        %parallel_loop3A_720 = arith.index_cast %parallel_loop3A_99 : i32 to index
        %parallel_loop3A_721 = arith.constant 704 : index
        %parallel_loop3A_722 = tpu.vector_load %arg5[%parallel_loop3A_720, %parallel_loop3A_721] {strides = array<i32>} : memref<32x768xf32, #tpu.memory_space<vmem>>, vector<1x16xf32>,
        %parallel_loop3A_723 = vector.shape_cast %parallel_loop3A_722 : vector<1x16xf32> to vector<16xf32>
        %parallel_loop3A_724 = arith.addf %parallel_loop3A_719, %parallel_loop3A_723 : vector<16xf32>
        %parallel_loop3A_725 = arith.index_cast %parallel_loop3A_99 : i32 to index
        %parallel_loop3A_726 = arith.constant 704 : index
        %parallel_loop3A_727 = tpu.vector_load %arg9[%parallel_loop3A_725, %parallel_loop3A_726] {strides = array<i32>} : memref<32x768xf32, #tpu.memory_space<vmem>>, vector<1x16xf32>,
        %parallel_loop3A_728 = vector.shape_cast %parallel_loop3A_727 : vector<1x16xf32> to vector<16xf32>
        %parallel_loop3A_729 = vector.shape_cast %parallel_loop3A_724 : vector<16xf32> to vector<1x16xf32>
        tpu.vector_store %arg9[%parallel_loop3A_725, %parallel_loop3A_726], %parallel_loop3A_729 {strides = array<i32>} : memref<32x768xf32, #tpu.memory_space<vmem>>, vector<1x16xf32>,
        %parallel_loop3A_730 = arith.index_cast %parallel_loop3A_99 : i32 to index
        %parallel_loop3A_731 = arith.constant 720 : index
        %parallel_loop3A_732 = tpu.vector_load %arg7[%parallel_loop3A_730, %parallel_loop3A_731] {strides = array<i32>} : memref<32x768xf32, #tpu.memory_space<vmem>>, vector<1x16xf32>,
        %parallel_loop3A_733 = vector.shape_cast %parallel_loop3A_732 : vector<1x16xf32> to vector<16xf32>
        %parallel_loop3A_734 = arith.index_cast %parallel_loop3A_99 : i32 to index
        %parallel_loop3A_735 = arith.constant 720 : index
        %parallel_loop3A_736 = tpu.vector_load %arg5[%parallel_loop3A_734, %parallel_loop3A_735] {strides = array<i32>} : memref<32x768xf32, #tpu.memory_space<vmem>>, vector<1x16xf32>,
        %parallel_loop3A_737 = vector.shape_cast %parallel_loop3A_736 : vector<1x16xf32> to vector<16xf32>
        %parallel_loop3A_738 = arith.addf %parallel_loop3A_733, %parallel_loop3A_737 : vector<16xf32>
        %parallel_loop3A_739 = arith.index_cast %parallel_loop3A_99 : i32 to index
        %parallel_loop3A_740 = arith.constant 720 : index
        %parallel_loop3A_741 = tpu.vector_load %arg9[%parallel_loop3A_739, %parallel_loop3A_740] {strides = array<i32>} : memref<32x768xf32, #tpu.memory_space<vmem>>, vector<1x16xf32>,
        %parallel_loop3A_742 = vector.shape_cast %parallel_loop3A_741 : vector<1x16xf32> to vector<16xf32>
        %parallel_loop3A_743 = vector.shape_cast %parallel_loop3A_738 : vector<16xf32> to vector<1x16xf32>
        tpu.vector_store %arg9[%parallel_loop3A_739, %parallel_loop3A_740], %parallel_loop3A_743 {strides = array<i32>} : memref<32x768xf32, #tpu.memory_space<vmem>>, vector<1x16xf32>,
        %parallel_loop3A_744 = arith.index_cast %parallel_loop3A_99 : i32 to index
        %parallel_loop3A_745 = arith.constant 736 : index
        %parallel_loop3A_746 = tpu.vector_load %arg7[%parallel_loop3A_744, %parallel_loop3A_745] {strides = array<i32>} : memref<32x768xf32, #tpu.memory_space<vmem>>, vector<1x16xf32>,
        %parallel_loop3A_747 = vector.shape_cast %parallel_loop3A_746 : vector<1x16xf32> to vector<16xf32>
        %parallel_loop3A_748 = arith.index_cast %parallel_loop3A_99 : i32 to index
        %parallel_loop3A_749 = arith.constant 736 : index
        %parallel_loop3A_750 = tpu.vector_load %arg5[%parallel_loop3A_748, %parallel_loop3A_749] {strides = array<i32>} : memref<32x768xf32, #tpu.memory_space<vmem>>, vector<1x16xf32>,
        %parallel_loop3A_751 = vector.shape_cast %parallel_loop3A_750 : vector<1x16xf32> to vector<16xf32>
        %parallel_loop3A_752 = arith.addf %parallel_loop3A_747, %parallel_loop3A_751 : vector<16xf32>
        %parallel_loop3A_753 = arith.index_cast %parallel_loop3A_99 : i32 to index
        %parallel_loop3A_754 = arith.constant 736 : index
        %parallel_loop3A_755 = tpu.vector_load %arg9[%parallel_loop3A_753, %parallel_loop3A_754] {strides = array<i32>} : memref<32x768xf32, #tpu.memory_space<vmem>>, vector<1x16xf32>,
        %parallel_loop3A_756 = vector.shape_cast %parallel_loop3A_755 : vector<1x16xf32> to vector<16xf32>
        %parallel_loop3A_757 = vector.shape_cast %parallel_loop3A_752 : vector<16xf32> to vector<1x16xf32>
        tpu.vector_store %arg9[%parallel_loop3A_753, %parallel_loop3A_754], %parallel_loop3A_757 {strides = array<i32>} : memref<32x768xf32, #tpu.memory_space<vmem>>, vector<1x16xf32>,
        %parallel_loop3A_758 = arith.index_cast %parallel_loop3A_99 : i32 to index
        %parallel_loop3A_759 = arith.constant 752 : index
        %parallel_loop3A_760 = tpu.vector_load %arg7[%parallel_loop3A_758, %parallel_loop3A_759] {strides = array<i32>} : memref<32x768xf32, #tpu.memory_space<vmem>>, vector<1x16xf32>,
        %parallel_loop3A_761 = vector.shape_cast %parallel_loop3A_760 : vector<1x16xf32> to vector<16xf32>
        %parallel_loop3A_762 = arith.index_cast %parallel_loop3A_99 : i32 to index
        %parallel_loop3A_763 = arith.constant 752 : index
        %parallel_loop3A_764 = tpu.vector_load %arg5[%parallel_loop3A_762, %parallel_loop3A_763] {strides = array<i32>} : memref<32x768xf32, #tpu.memory_space<vmem>>, vector<1x16xf32>,
        %parallel_loop3A_765 = vector.shape_cast %parallel_loop3A_764 : vector<1x16xf32> to vector<16xf32>
        %parallel_loop3A_766 = arith.addf %parallel_loop3A_761, %parallel_loop3A_765 : vector<16xf32>
        %parallel_loop3A_767 = arith.index_cast %parallel_loop3A_99 : i32 to index
        %parallel_loop3A_768 = arith.constant 752 : index
        %parallel_loop3A_769 = tpu.vector_load %arg9[%parallel_loop3A_767, %parallel_loop3A_768] {strides = array<i32>} : memref<32x768xf32, #tpu.memory_space<vmem>>, vector<1x16xf32>,
        %parallel_loop3A_770 = vector.shape_cast %parallel_loop3A_769 : vector<1x16xf32> to vector<16xf32>
        %parallel_loop3A_771 = vector.shape_cast %parallel_loop3A_766 : vector<16xf32> to vector<1x16xf32>
        tpu.vector_store %arg9[%parallel_loop3A_767, %parallel_loop3A_768], %parallel_loop3A_771 {strides = array<i32>} : memref<32x768xf32, #tpu.memory_space<vmem>>, vector<1x16xf32>,
      } {sc.loop_unroll_factor = 1 : i64, sc.parallel_access}
      %dma_start3A_85 = arith.constant 0 : i32
      %dma_start3A_86 = tpu.memref_slice %arg4[%add3A_68, %mul3A_2, %dma_start3A_85] : memref<28x1024x768xf32, #tpu.memory_space<hbm>> -> memref<1x32x768xf32, #tpu.memory_space<hbm>>
      %dma_start3A_87 = tpu.memref_squeeze %dma_start3A_86 : memref<1x32x768xf32, #tpu.memory_space<hbm>> -> memref<32x768xf32, #tpu.memory_space<hbm>>
      %dma_start3A_88 = arith.constant 0 : i32
      %dma_start3A_89 = tpu.memref_slice %arg4[%add3A_68, %mul3A_2, %dma_start3A_88] : memref<28x1024x768xf32, #tpu.memory_space<hbm>> -> memref<1x32x768xf32, #tpu.memory_space<hbm>>
      %dma_start3A_90 = tpu.memref_squeeze %dma_start3A_89 : memref<1x32x768xf32, #tpu.memory_space<hbm>> -> memref<32x768xf32, #tpu.memory_space<hbm>>
      tpu.enqueue_dma source(%arg9 : memref<32x768xf32, #tpu.memory_space<vmem>>) target(%dma_start3A_90 : memref<32x768xf32, #tpu.memory_space<hbm>>) target_semaphore(%arg13 : memref<!tpu.dma_semaphore, #tpu.memory_space<semaphore_mem>>)
      %add3A_91 = arith.constant 2 : i32
      %add3A_92 = arith.addi %add3A_68, %add3A_91 : i32
      %lt3A_93 = arith.constant 28 : i32
      %lt3A_94 = arith.cmpi slt, %add3A_92, %lt3A_93 : i32
      %convert_element_type3A_95 = arith.extui %lt3A_94 : i1 to i32
      %cond3A_96 = arith.constant 0 : i32
      %cond3A_97 = arith.cmpi ne, %convert_element_type3A_95, %cond3A_96 : i32
      scf.if %cond3A_97 {
        %add3A_99 = arith.constant 36 : i32
        %add3A_100 = arith.addi %add3A_99, %add3A_68 : i32
        %add3A_101 = arith.constant 2 : i32
        %add3A_102 = arith.addi %add3A_100, %add3A_101 : i32
        %dma_start3A_103 = arith.constant 0 : i32
        %dma_start3A_104 = tpu.memref_slice %arg2[%add3A_102, %mul3A_2, %dma_start3A_103] : memref<64x1024x768xf32, #tpu.memory_space<hbm>> -> memref<1x32x768xf32, #tpu.memory_space<hbm>>
        %dma_start3A_105 = tpu.memref_squeeze %dma_start3A_104 : memref<1x32x768xf32, #tpu.memory_space<hbm>> -> memref<32x768xf32, #tpu.memory_space<hbm>>
        %dma_start3A_106 = arith.constant 0 : i32
        %dma_start3A_107 = tpu.memref_slice %arg2[%add3A_102, %mul3A_2, %dma_start3A_106] : memref<64x1024x768xf32, #tpu.memory_space<hbm>> -> memref<1x32x768xf32, #tpu.memory_space<hbm>>
        %dma_start3A_108 = tpu.memref_squeeze %dma_start3A_107 : memref<1x32x768xf32, #tpu.memory_space<hbm>> -> memref<32x768xf32, #tpu.memory_space<hbm>>
        tpu.enqueue_dma source(%dma_start3A_108 : memref<32x768xf32, #tpu.memory_space<hbm>>) target(%arg7 : memref<32x768xf32, #tpu.memory_space<vmem>>) target_semaphore(%arg11 : memref<!tpu.dma_semaphore, #tpu.memory_space<semaphore_mem>>)
      } else {
      }
      %scan3A_98 = arith.constant 0 : i32
      scf.yield %scan3A_98 : i32
    }
    %scan3A_21 = arith.constant 14 : i32
    %dma_wait3A = arith.constant 26 : i32
    %dma_wait3A_22 = arith.constant 0 : i32
    %dma_wait3A_23 = tpu.memref_slice %arg4[%dma_wait3A, %mul3A_2, %dma_wait3A_22] : memref<28x1024x768xf32, #tpu.memory_space<hbm>> -> memref<1x32x768xf32, #tpu.memory_space<hbm>>
    %dma_wait3A_24 = tpu.memref_squeeze %dma_wait3A_23 : memref<1x32x768xf32, #tpu.memory_space<hbm>> -> memref<32x768xf32, #tpu.memory_space<hbm>>
    %dma_wait3A_25 = arith.constant 0 : i32
    %dma_wait3A_26 = tpu.memref_slice %arg4[%dma_wait3A, %mul3A_2, %dma_wait3A_25] : memref<28x1024x768xf32, #tpu.memory_space<hbm>> -> memref<1x32x768xf32, #tpu.memory_space<hbm>>
    %dma_wait3A_27 = tpu.memref_squeeze %dma_wait3A_26 : memref<1x32x768xf32, #tpu.memory_space<hbm>> -> memref<32x768xf32, #tpu.memory_space<hbm>>
    tpu.wait_dma2 semaphore(%arg12 : memref<!tpu.dma_semaphore, #tpu.memory_space<semaphore_mem>>) src(%arg8 : memref<32x768xf32, #tpu.memory_space<vmem>>) dst(%dma_wait3A_27 : memref<32x768xf32, #tpu.memory_space<hbm>>)
    %dma_wait3A_28 = arith.constant 27 : i32
    %dma_wait3A_29 = arith.constant 0 : i32
    %dma_wait3A_30 = tpu.memref_slice %arg4[%dma_wait3A_28, %mul3A_2, %dma_wait3A_29] : memref<28x1024x768xf32, #tpu.memory_space<hbm>> -> memref<1x32x768xf32, #tpu.memory_space<hbm>>
    %dma_wait3A_31 = tpu.memref_squeeze %dma_wait3A_30 : memref<1x32x768xf32, #tpu.memory_space<hbm>> -> memref<32x768xf32, #tpu.memory_space<hbm>>
    %dma_wait3A_32 = arith.constant 0 : i32
    %dma_wait3A_33 = tpu.memref_slice %arg4[%dma_wait3A_28, %mul3A_2, %dma_wait3A_32] : memref<28x1024x768xf32, #tpu.memory_space<hbm>> -> memref<1x32x768xf32, #tpu.memory_space<hbm>>
    %dma_wait3A_34 = tpu.memref_squeeze %dma_wait3A_33 : memref<1x32x768xf32, #tpu.memory_space<hbm>> -> memref<32x768xf32, #tpu.memory_space<hbm>>
    tpu.wait_dma2 semaphore(%arg13 : memref<!tpu.dma_semaphore, #tpu.memory_space<semaphore_mem>>) src(%arg9 : memref<32x768xf32, #tpu.memory_space<vmem>>) dst(%dma_wait3A_34 : memref<32x768xf32, #tpu.memory_space<hbm>>)
    return
  }
}

module attributes {stable_mosaic.version = 14 : i64} {
  func.func @_tc_add(%arg0: i32, %arg1: memref<1x1024x768xf32, #tpu.memory_space<vmem>>, %arg2: memref<1024x768xf32, #tpu.memory_space<vmem>>, %arg3: memref<1x1024x768xf32, #tpu.memory_space<vmem>>) attributes {dimension_semantics = [#tpu.dimension_semantics<arbitrary>], iteration_bounds = array<i64: 36>, scalar_prefetch = 0 : i64, scratch_operands = 0 : i64, tpu.core_type = #tpu.core_type<tc>, window_params = [{transform_indices = @transform_0, window_bounds = array<i64: 1, 1024, 768>}, {pipeline_mode = #tpu.pipeline_mode<synchronous>, transform_indices = @transform_1, window_bounds = array<i64: 1024, 768>}, {transform_indices = @transform_2, window_bounds = array<i64: 1, 1024, 768>}]} {
    %get3A = arith.constant 0 : index
    %get3A_0 = arith.constant 0 : index
    %get3A_1 = arith.constant 0 : index
    %get3A_2 = vector.load %arg1[%get3A, %get3A_0, %get3A_1] : memref<1x1024x768xf32, #tpu.memory_space<vmem>>, vector<1x1024x768xf32>
    %get3A_3 = arith.constant 0 : index
    %get3A_4 = arith.constant 0 : index
    %get3A_5 = vector.load %arg2[%get3A_3, %get3A_4] : memref<1024x768xf32, #tpu.memory_space<vmem>>, vector<1024x768xf32>
    %broadcast_in_dim3A = vector.shape_cast %get3A_5 : vector<1024x768xf32> to vector<1x1024x768xf32>
    %add3A = arith.addf %get3A_2, %broadcast_in_dim3A : vector<1x1024x768xf32>
    %swap3A = arith.constant 0 : index
    %swap3A_6 = arith.constant 0 : index
    %swap3A_7 = arith.constant 0 : index
    %swap3A_8 = vector.load %arg3[%swap3A, %swap3A_6, %swap3A_7] : memref<1x1024x768xf32, #tpu.memory_space<vmem>>, vector<1x1024x768xf32>
    tpu.vector_store %arg3[%swap3A, %swap3A_6, %swap3A_7], %add3A {strides = array<i32>} : memref<1x1024x768xf32, #tpu.memory_space<vmem>>, vector<1x1024x768xf32>,
    return
  }
  func.func @transform_0(%arg0: i32) -> (i32, i32, i32) {
    %c0_i32 = arith.constant 0 : i32
    %c0_i32_0 = arith.constant 0 : i32
    %c0_i32_1 = arith.constant 0 : i32
    return %arg0, %c0_i32, %c0_i32_0 : i32, i32, i32
  }
  func.func @transform_1(%arg0: i32) -> (i32, i32) {
    %c0_i32 = arith.constant 0 : i32
    %c0_i32_0 = arith.constant 0 : i32
    %c0_i32_1 = arith.constant 0 : i32
    return %c0_i32, %c0_i32_0 : i32, i32
  }
  func.func @transform_2(%arg0: i32) -> (i32, i32, i32) {
    %c0_i32 = arith.constant 0 : i32
    %c0_i32_0 = arith.constant 0 : i32
    %c0_i32_1 = arith.constant 0 : i32
    return %arg0, %c0_i32, %c0_i32_0 : i32, i32, i32
  }
}

</mosaic_0001>

<sc_bundles>
// kernel: kernel.4.cloned.1.call-start
scs
__scs_entry_jumppad:
0x0: {  	(pc) =	sbr.rel $0x88, $3  }
0x1: {  	(tag) =	ssettag $0x0;
	lr =	simm.s32 $0x1  }
0x2: {  	[smem:$0x3F9F] =	sst lr;
	_ =	strace $0xD0000000  }
0x3: {  	_ = 	snop  }
0x4: {  	_ = 	snop  }
0x5: {  	_ = 	snop  }
0x6: {  	_ = 	snop  }
0x7: {  	_ = 	snop  }
__scs_overlays_trampoline_lowered:
0x8: {  	[smem:$0x3FAE] =	sst s0  }
0x9: {  	[smem:$0x3FAF] =	sst s1  }
0xa: {  	[smem:$0x3FB0] =	sst s2  }
0xb: {  	[smem:$0x3FB1] =	sst s3  }
0xc: {  	[smem:$0x3FB2] =	sst s4  }
0xd: {  	[smem:$0x3FB3] =	sst s5  }
0xe: {  	[smem:$0x3FB4] =	sst s6  }
0xf: {  	[smem:$0x3FB5] =	sst s7  }
0x10: {  	[smem:$0x3FB6] =	sst s8  }
0x11: {  	[smem:$0x3FB7] =	sst s9;
	s0 =	simm.s32 @!p0 $0x0  }
0x12: {  	s1 =	sld [smem:$0x3F9D];
	s0 =	simm.s32 @p0 $0x1  }
0x13: {  	[smem:$0x3FB8] =	sst s0;
	s0 =	simm.s32 @!p1 $0x0  }
0x14: {  	s2 =	sld [smem:$0x3F9C];
	s0 =	simm.s32 @p1 $0x1  }
0x15: {  	[smem:$0x3FB9] =	sst s0;
	s0 =	simm.s32 @!p2 $0x0  }
0x16: {  	s3 =	sld [smem:$0x3FDB];
	s0 =	simm.s32 @p2 $0x1  }
0x17: {  	s4 =	simm.s32 $0x1BF5;
	[smem:$0x3FBB] =	sst s0  }
0x18: {  	s0 =	sld [smem:$0x3F9E];
	_ =	swait.ge [sflag:s4], $0x0  }
0x19: {  	s7 =	sld [smem:$0x3F9F]  }
0x1a: {  	s8 =	sadd.s32 $0xFFFFE003, lr  }
0x1b: {  	s9 =	sadd.s32 $0xFFFFFEF7, lr;
	s5 =	simm.s32 $0xFFFFFFFF;
	p2 =	slt.u32 s8, $0xFFFFF086  }
0x1c: {  	p1 =	slt.u32 s9, $0xF7A;
	s5 =	simm.s32 @!p2 $0x0  }
0x1d: {  	s5 =	simm.s32 @p1 $0x1;
	p0 =	seq.s32 s7, s2  }
0x1e: {  	s7 =	smul.u32 @!p0 $0xF7A, s2;
	p2 =	seq.s32 @!p0 s5, $0x0  }
0x1f: {  	s9 =	smul.u32 $0xF7A, s1;
	s8 =	simm.s32 @!p0 $0x1BF5;
	p2 =	por !p2, p0  }
0x20: {  	[sflag:s8] =	ssyncset.s32 @!p0 $0xFFFFF086;
	s6 =	sadd.s32 @!p0 s3, s7;
	s7 =	simm.s32 @!p0 $0x108  }
0x21: {  	s3 =	sadd.s32 s3, s9;
	s6 =	sadd.s32 @!p0 $0x88, s6;
	s7 =	simm.s32 @p2 $0x1082  }
0x22: {  	[simem:s7], [sflag:s8] =	dma.local @!p0 [hbm:s6], $0xF7A  }
0x23: {  	s9 =	sor.u32 $0xD0000000, s2;
	s6 =	simm.s32 $0x108;
	_ =	swait.ge @!p0 [sflag:s8], $0x0  }
0x24: {  	s3 =	sadd.s32 $0x88, s3;
	s6 =	simm.s32 @!p1 $0x1082;
	[sflag:s4] =	ssyncset.s32 $0xFFFFF086  }
0x25: {  	[simem:s6], [sflag:s4] =	dma.local [hbm:s3], $0xF7A  }
0x26: {  	[smem:$0x3F9F] =	sst s1;
	(tag) =	ssettag s2;
	_ =	strace s9  }
0x27: {  	s1 =	sld [smem:$0x3FAF]  }
0x28: {  	s2 =	sld [smem:$0x3FB0]  }
0x29: {  	s4 =	sld [smem:$0x3FB2]  }
0x2a: {  	p0 =	seq.s32 s5, $0x0;
	s5 =	sld [smem:$0x3FB3]  }
0x2b: {  	s6 =	sld [smem:$0x3FB4]  }
0x2c: {  	s7 =	sld [smem:$0x3FB5]  }
0x2d: {  	s3 =	simm.s32 $0x108;
	s8 =	sld [smem:$0x3FB6]  }
0x2e: {  	s3 =	simm.s32 @!p0 $0x1082;
	s9 =	sld [smem:$0x3FB7]  }
0x2f: {  	lr =	sadd.s32 s0, s3;
	s0 =	sld [smem:$0x3FAE]  }
0x30: {  	s3 =	sld [smem:$0x3FB1]  }
0x31: {  	[smem:$0x3FBA] =	sst s10  }
0x32: {  	s10 =	sld [smem:$0x3FB8];
	_ =	sdelay $0x3  }
0x33: {  	p0 =	seq.s32 s10, $0x1;
	s10 =	sld [smem:$0x3FBA];
	_ =	sdelay $0x3  }
0x34: {  	[smem:$0x3FBA] =	sst s10  }
0x35: {  	s10 =	sld [smem:$0x3FB9];
	_ =	sdelay $0x3  }
0x36: {  	p1 =	seq.s32 s10, $0x1;
	s10 =	sld [smem:$0x3FBA];
	_ =	sdelay $0x3  }
0x37: {  	[smem:$0x3FBA] =	sst s10  }
0x38: {  	s10 =	sld [smem:$0x3FBB]  }
0x39: {  	_ = 	snop;
	(pc) =	sbr.ind lr, $3  }
0x3a: {  	_ = 	snop  }
0x3b: {  	_ = 	snop  }
0x3c: {  	p2 =	seq.s32 s10, $0x1;
	s10 =	sld [smem:$0x3FBA]  }
0x3d: {  	_ =	shalt  }
0x3e: {  	_ =	shalt  }
0x3f: {  	_ =	shalt  }
0x40: {  	_ =	shalt  }
0x41: {  	_ =	shalt  }
0x42: {  	_ =	shalt  }
0x43: {  	_ =	shalt  }
0x44: {  	_ =	shalt  }
0x45: {  	_ =	shalt  }
0x46: {  	_ =	shalt  }
0x47: {  	_ =	shalt  }
0x48: {  	_ =	shalt  }
0x49: {  	_ =	shalt  }
0x4a: {  	_ =	shalt  }
0x4b: {  	_ =	shalt  }
0x4c: {  	_ =	shalt  }
0x4d: {  	_ =	shalt  }
0x4e: {  	_ =	shalt  }
0x4f: {  	_ =	shalt  }
0x50: {  	_ =	shalt  }
0x51: {  	_ =	shalt  }
0x52: {  	_ =	shalt  }
0x53: {  	_ =	shalt  }
0x54: {  	_ =	shalt  }
0x55: {  	_ =	shalt  }
0x56: {  	_ =	shalt  }
0x57: {  	_ =	shalt  }
0x58: {  	_ =	shalt  }
0x59: {  	_ =	shalt  }
0x5a: {  	_ =	shalt  }
0x5b: {  	_ =	shalt  }
0x5c: {  	_ =	shalt  }
0x5d: {  	_ =	shalt  }
0x5e: {  	_ =	shalt  }
0x5f: {  	_ =	shalt  }
0x60: {  	_ =	shalt  }
0x61: {  	_ =	shalt  }
0x62: {  	_ =	shalt  }
0x63: {  	_ =	shalt  }
0x64: {  	_ =	shalt  }
0x65: {  	_ =	shalt  }
0x66: {  	_ =	shalt  }
0x67: {  	_ =	shalt  }
0x68: {  	_ =	shalt  }
0x69: {  	_ =	shalt  }
0x6a: {  	_ =	shalt  }
0x6b: {  	_ =	shalt  }
0x6c: {  	_ =	shalt  }
0x6d: {  	_ =	shalt  }
0x6e: {  	_ =	shalt  }
0x6f: {  	_ =	shalt  }
0x70: {  	_ =	shalt  }
0x71: {  	_ =	shalt  }
0x72: {  	_ =	shalt  }
0x73: {  	_ =	shalt  }
0x74: {  	_ =	shalt  }
0x75: {  	_ =	shalt  }
0x76: {  	_ =	shalt  }
0x77: {  	_ =	shalt  }
0x78: {  	_ =	shalt  }
0x79: {  	_ =	shalt  }
0x7a: {  	_ =	shalt  }
0x7b: {  	_ =	shalt  }
0x7c: {  	_ =	shalt  }
0x7d: {  	_ =	shalt  }
0x7e: {  	_ =	shalt  }
0x7f: {  	_ =	shalt  }
0x80: {  	_ =	shalt  }
0x81: {  	_ =	shalt  }
0x82: {  	_ =	shalt  }
0x83: {  	_ =	shalt  }
0x84: {  	_ =	shalt  }
0x85: {  	_ =	shalt  }
0x86: {  	_ =	shalt  }
0x87: {  	_ =	shalt  }
.Lfunc_end0:
.L_simem_size_0:
called_computation_lowered:
.L_overlay_start_0:
0x88: {  	s2 =	sld [smem:$0x3FD9]  }
0x89: {  	s3 =	sld [smem:$0x3FFE];
	_ =	sdelay $0x1  }
0x8a: {  	s1 =	srdreg.scid  }
0x8b: {  	s0 =	sand.u32 $0x1, s1  }
0x8c: {  	s17 =	sshll.u32 s0, $0xA;
	s2 =	sadd.s32 s3, s2  }
0x8d: {  	s2 =	sadd.s32 s2, s17  }
0x8e: {  	[smem:$0x3FC6] =	sst s2  }
0x8f: {  	_ = 	snop  }
0x90: {  	s2 =	sld [smem:$0x3FC9]  }
0x91: {  	s18 =	sld [smem:$0x3FC8];
	(tm) =	ssettm $0x1  }
0x92: {  	s4 =	sld [smem:$0x3FFB];
	_ =	sdelay $0x3  }
0x93: {  	_ =	strace s4  }
0x94: {  	s4 =	sld [smem:$0x3FFC];
	_ =	sdelay $0x3  }
0x95: {  	_ =	strace s4  }
0x96: {  	s4 =	sld [smem:$0x3FFD];
	_ =	sdelay $0x3  }
0x97: {  	_ =	strace s4  }
0x98: {  	_ =	strace $0x8FFFFFFF  }
0x99: {  	s19 =	sld [smem:$0x3FDB];
	_ =	sdelay $0x1  }
0x9a: {  	s5 =	simm.s32 $_scs_section_size  }
0x9b: {  	s6 =	simm.s32 $_size__tile_overlayer_lowered;
	s7 =	simm.s32 $_tile_overlayer_lowered  }
0x9c: {  	s22 =	simm.s32 $0x1BFF;
	s21 =	sshll.u32 s7, $0x1;
	s4 =	sadd.s32 s5, s19  }
0x9d: {  	s8 =	simm.s32 $0x0;
	s20 =	sshll.u32 s6, $0x1;
	s6 =	sadd.s32 s21, s4  }
0x9e: {  	[timem:s8], [sflag:s22] =	dma.local [hbm:s6], s20  }
0x9f: {  	_ =	swait.ge [sflag:s22], s20  }
0xa0: {  	s5 =	ssub.s32 $0x0, s20;
	[sflag:s22] =	ssyncset.done $0x0  }
0xa1: {  	[sflag:s22] =	ssyncadd.s32 s5;
	_ =	sdelay $0x1  }
0xa2: {  	s23 =	simm.s32 $0x1B8B  }
0xa3: {  	_ =	swait.ge [sflag:s23], $0x1  }
0xa4: {  	[sflag:s23] =	ssyncset.done $0x0  }
0xa5: {  	s25 =	simm.s32 $0x1B8E;
	s24 =	sld [smem:$0x3FFE];
	[sflag:s23] =	ssyncadd.s32 $0xFFFFFFFF  }
0xa6: {  	s26 =	simm.s32 $execute0_lowered;
	[smem:$0x3FD2] =	sst s25  }
0xa7: {  	s6 =	sshll.u32 s26, $0x1;
	_ =	strace $0x80000046;
	[dreg:$0x1] =	wrdreg $0xFFFFFFFF  }
0xa8: {  	s28 =	simm.s32 $_size_execute0_lowered;
	s4 =	sadd.s32 s4, s6;
	[dreg:$0x0] =	wrdreg $0x0  }
0xa9: {  	s6 =	sshll.u32 s28, $0x1;
	[dreg:$0x2] =	wrdreg s4  }
0xaa: {  	[dreg:$0x3] =	wrdreg s6  }
0xab: {  	[dreg:$0x4] =	wrdreg $0xC0  }
0xac: {  	_ =	task [dreg:s8], $0x5FFFF  }
0xad: {  	[dreg:$0x1] =	wrdreg $0xFFFFFFFF  }
0xae: {  	[dreg:$0x0] =	wrdreg $0x60  }
0xaf: {  	[dreg:$0x2] =	wrdreg s2  }
0xb0: {  	[dreg:$0x3] =	wrdreg s18  }
0xb1: {  	[dreg:$0x4] =	wrdreg s24  }
0xb2: {  	[dreg:$0x5] =	wrdreg $0x9  }
0xb3: {  	_ =	task.clear_ibuf [dreg:s8], $0x6FFFF;
	_ =	strace $0x90000046  }
0xb4: {  	s29 =	simm.s32 $0x9;
	_ =	strace $0x80000048  }
0xb5: {  	_ =	swait.ge [sflag:s29], $0x1  }
0xb6: {  	[sflag:s29] =	ssyncadd.s32 $0xFFFFFFFF  }
0xb7: {  	_ =	strace $0x90000048  }
0xb8: {  	_ =	sfence  }
0xb9: {  	s30 =	sld [smem:$0x0];
	_ =	sdelay $0x2  }
0xba: {  	s31 =	sshll.u32 s1, $0xD;
	s1 =	sshrl.u32 s1, $0x2  }
0xbb: {  	s3 =	sand.u32 $0x4000, s31;
	s1 =	sadd.s32 s1, s30  }
0xbc: {  	s0 =	sor.u32 s3, s0;
	s1 =	sshll.u32 s1, $0x11  }
0xbd: {  	s0 =	sor.u32 s1, s0  }
0xbe: {  	s0 =	sadd.s32 $0x8F2B, s0  }
0xbf: {  	[sflag:s0] =	ssyncadd.remote.s32 $0x1  }
0xc0: {  	_ =	sfence.sel $0xFFFF  }
0xc1: {  	[dreg:$0x0] =	wrdreg $0xFFFFFFFF;
	(pc) =	sbr.abs _section_cstart, $3  }
0xc2: {  	[dreg:$0x1] =	wrdreg $0xFFFFFFFF  }
0xc3: {  	_ =	task.clear_ibuf [dreg:s8], $0x2FFFF;
	_ =	strace $0x9FFFFFFF  }
0xc4: {  	(tm) =	ssettm $0x7FFFFFFF  }
0xc5: {  	_ =	shalt  }
tec
execute0_lowered:
.L_overlay_start_1:
0x0: {  	(tag) =	ssettag $0x1  }
0x1: {  	s1 =	rddreg [dreg:$0x0]  }
0x2: {  	s2 =	srdreg.scid;
	s6 =	rddreg [dreg:$0x1]  }
0x3: {  	s0 =	stileid.u32;
	s7 =	rddreg [dreg:$0x2]  }
0x4: {  	s13 =	simm.s32 $0x5;
	s14 =	simm.s32 $0x6000;
	s15 =	simm.s32 $0xC000  }
0x5: {  	s16 =	simm.s32 $0x1;
	s17 =	simm.s32 $0x12000;
	s18 =	simm.s32 $0x2  }
0x6: {  	s19 =	simm.s32 $0x4;
	s20 =	simm.s32 $0x18000;
	s5 =	sand.u32 $0x1, s2  }
0x7: {  	s21 =	simm.s32 $0x3;
	s30 =	sshll.u32 s0, $0x3;
	s3 =	sshll.u32 s5, $0x2  }
0x8: {  	s22 =	simm.s32 $0x0;
	s2 =	rddreg [dreg:$0x3];
	s4 =	sor.u32 s3, s30  }
0x9: {  	s8 =	ssub.s32 $0x2, s5;
	s3 =	simm.s32 $0x0;
	s4 =	smul.u32 $0x1800, s4  }
.Ltmp0:
0xa: {  	s31 =	sshrl.u32 s8, $0x1;
	[smem:$0x7FF] =	sst s3;
	(pc) =	sbr.rel .LBB2_1-.Ltmp0, $4  }
0xb: {  	s5 =	sadd.s32 $0x600, s7;
	s12 =	ssub.s32 s8, s31;
	_ =	strace $0x80000047  }
0xc: {  	s12 =	smax.u32 s12, $0x1;
	s9 =	sshrl.u32 s4, $0x3;
	s11 =	sadd.s32 $0x1D40000, s4  }
0xd: {  	s10 =	sadd.s32 s1, s9;
	s6 =	sadd.s32 s6, s9;
	s9 =	sadd.s32 $0x1C80000, s4  }
0xe: {  	s7 =	sadd.s32 $0x360000, s10;
	s8 =	sadd.s32 $0x378000, s10;
	s10 =	sadd.s32 $0xC0000, s4  }
.LBB2_12:
0xf: {  	s22 =	sadd.s32 $0x1, s22  }
0x10: {  	_ =	swait.ge [sflag:s21], $0x6000;
	p0 =	sne.s32 s22, s12  }
.Ltmp1:
0x11: {  	[sflag:s21] =	ssyncset.done $0x0;
	(pc) =	sbr.rel @!p0 .LBB2_13-.Ltmp1, $4  }
0x12: {  	[sflag:s21] =	ssyncadd.s32 $0xFFFFA000  }
0x13: {  	_ =	swait.ge [sflag:s19], $0x6000  }
0x14: {  	[sflag:s19] =	ssyncset.done $0x0  }
0x15: {  	[sflag:s19] =	ssyncadd.s32 $0xFFFFA000  }
.LBB2_1:
0x16: {  	[tilespmem:s3], [sflag:$0x5] =	stream.linear.gather [hbm4b:s6+s3], $0x6000, $0x38;
	[tilespmem:$0x1E000] =	vst v63  }
0x17: {  	_ =	swait.ge [sflag:s13], $0x6000  }
0x18: {  	[sflag:s13] =	ssyncset.done $0x0  }
0x19: {  	[sflag:s13] =	ssyncadd.s32 $0xFFFFA000  }
0x1a: {  	[tilespmem:s14], [sflag:$0x1] =	stream.linear.gather [hbm4b:s7+s3], $0x6000, $0x38;
	[tilespmem:$0x1E000] =	vst v63  }
0x1b: {  	s23 =	simm.s32 $0x0  }
0x1c: {  	[tilespmem:s15], [sflag:$0x2] =	stream.linear.gather [hbm4b:s8+s3], $0x6000, $0x38;
	[tilespmem:$0x1E000] =	vst v63  }
.LBB2_2:
0x1d: {  	_ =	swait.ge [sflag:s16], $0x6000  }
0x1e: {  	p0 =	seq.s32 s23, $0x0;
	[sflag:s16] =	ssyncset.done $0x0  }
0x1f: {  	s25 =	simm.s32 $0x0;
	s24 =	simm.s32 @!p0 $0x3;
	[sflag:s16] =	ssyncadd.s32 $0xFFFFA000  }
0x20: {  	s26 =	simm.s32 $0x0;
	s25 =	smul.u32 $0x1800, s25;
	_ =	swait.ge @!p0 [sflag:s24], $0x6000  }
0x21: {  	s26 =	sand.u32 $0x380, s26;
	[sflag:s24] =	ssyncset.done @!p0 $0x0  }
0x22: {  	[sflag:s24] =	ssyncadd.s32 @!p0 $0xFFFFA000;
	s24 =	sor.u32 s26, s25  }
0x23: {  	v0 =	vld [tilespmem:s24+$0x7470]  }
0x24: {  	v1 =	vld [tilespmem:s24+$0x1470]  }
0x25: {  	v2 =	vld [tilespmem:s24+$0x6000]  }
0x26: {  	v3 =	vld [tilespmem:s24+$0x0]  }
0x27: {  	v4 =	vld [tilespmem:s24+$0x6010]  }
0x28: {  	v5 =	vld [tilespmem:s24+$0x10]  }
0x29: {  	v6 =	vld [tilespmem:s24+$0x6020]  }
0x2a: {  	v7 =	vld [tilespmem:s24+$0x6030];
	v0 =	vadd.f32 v1, v0  }
0x2b: {  	v1 =	vld [tilespmem:s24+$0x20]  }
0x2c: {  	v2 =	vadd.f32 v3, v2;
	[tilespmem:s24+$0x13470] =	vst v0;
	v0 =	vld [tilespmem:s24+$0x30]  }
0x2d: {  	v3 =	vld [tilespmem:s24+$0x6040]  }
0x2e: {  	[tilespmem:s24+$0x12000] =	vst v2;
	v2 =	vadd.f32 v5, v4;
	v4 =	vld [tilespmem:s24+$0x40]  }
0x2f: {  	v5 =	vld [tilespmem:s24+$0x50]  }
0x30: {  	[tilespmem:s24+$0x12010] =	vst v2;
	v2 =	vld [tilespmem:s24+$0x6050];
	v1 =	vadd.f32 v1, v6  }
0x31: {  	v6 =	vld [tilespmem:s24+$0x60];
	v0 =	vadd.f32 v0, v7  }
0x32: {  	[tilespmem:s24+$0x12020] =	vst v1;
	v1 =	vld [tilespmem:s24+$0x6060]  }
0x33: {  	[tilespmem:s24+$0x12030] =	vst v0;
	v0 =	vadd.f32 v4, v3;
	v3 =	vld [tilespmem:s24+$0x6070]  }
0x34: {  	v4 =	vld [tilespmem:s24+$0x70]  }
0x35: {  	[tilespmem:s24+$0x12040] =	vst v0;
	v0 =	vadd.f32 v5, v2;
	v2 =	vld [tilespmem:s24+$0x6400]  }
0x36: {  	v5 =	vld [tilespmem:s24+$0x400]  }
0x37: {  	[tilespmem:s24+$0x12050] =	vst v0;
	v0 =	vadd.f32 v6, v1;
	v1 =	vld [tilespmem:s24+$0x6410]  }
0x38: {  	v6 =	vld [tilespmem:s24+$0x410]  }
0x39: {  	[tilespmem:s24+$0x12060] =	vst v0;
	v0 =	vadd.f32 v4, v3;
	v3 =	vld [tilespmem:s24+$0x6420]  }
0x3a: {  	v4 =	vld [tilespmem:s24+$0x420]  }
0x3b: {  	[tilespmem:s24+$0x12070] =	vst v0;
	v0 =	vadd.f32 v5, v2;
	v2 =	vld [tilespmem:s24+$0x6430]  }
0x3c: {  	v5 =	vld [tilespmem:s24+$0x430]  }
0x3d: {  	[tilespmem:s24+$0x12400] =	vst v0;
	v0 =	vadd.f32 v6, v1;
	v1 =	vld [tilespmem:s24+$0x6440]  }
0x3e: {  	v6 =	vld [tilespmem:s24+$0x440]  }
0x3f: {  	[tilespmem:s24+$0x12410] =	vst v0;
	v0 =	vadd.f32 v4, v3;
	v3 =	vld [tilespmem:s24+$0x6450]  }
0x40: {  	v4 =	vld [tilespmem:s24+$0x450]  }
0x41: {  	[tilespmem:s24+$0x12420] =	vst v0;
	v0 =	vadd.f32 v5, v2;
	v2 =	vld [tilespmem:s24+$0x6460]  }
0x42: {  	v5 =	vld [tilespmem:s24+$0x460]  }
0x43: {  	[tilespmem:s24+$0x12430] =	vst v0;
	v0 =	vadd.f32 v6, v1;
	v1 =	vld [tilespmem:s24+$0x6470]  }
0x44: {  	v6 =	vld [tilespmem:s24+$0x470]  }
0x45: {  	[tilespmem:s24+$0x12440] =	vst v0;
	v0 =	vadd.f32 v4, v3;
	v3 =	vld [tilespmem:s24+$0x6800]  }
0x46: {  	v4 =	vld [tilespmem:s24+$0x800]  }
0x47: {  	[tilespmem:s24+$0x12450] =	vst v0;
	v0 =	vadd.f32 v5, v2;
	v2 =	vld [tilespmem:s24+$0x6810]  }
0x48: {  	v5 =	vld [tilespmem:s24+$0x810]  }
0x49: {  	[tilespmem:s24+$0x12460] =	vst v0;
	v0 =	vadd.f32 v6, v1;
	v1 =	vld [tilespmem:s24+$0x6820]  }
0x4a: {  	v6 =	vld [tilespmem:s24+$0x820]  }
0x4b: {  	[tilespmem:s24+$0x12470] =	vst v0;
	v0 =	vadd.f32 v4, v3;
	v3 =	vld [tilespmem:s24+$0x6830]  }
0x4c: {  	v4 =	vld [tilespmem:s24+$0x830]  }
0x4d: {  	[tilespmem:s24+$0x12800] =	vst v0;
	v0 =	vadd.f32 v5, v2;
	v2 =	vld [tilespmem:s24+$0x6840]  }
0x4e: {  	v5 =	vld [tilespmem:s24+$0x840]  }
0x4f: {  	[tilespmem:s24+$0x12810] =	vst v0;
	v0 =	vadd.f32 v6, v1;
	v1 =	vld [tilespmem:s24+$0x6850]  }
0x50: {  	v6 =	vld [tilespmem:s24+$0x850]  }
0x51: {  	[tilespmem:s24+$0x12820] =	vst v0;
	v0 =	vadd.f32 v4, v3;
	v3 =	vld [tilespmem:s24+$0x6860]  }
0x52: {  	v4 =	vld [tilespmem:s24+$0x860]  }
0x53: {  	[tilespmem:s24+$0x12830] =	vst v0;
	v0 =	vadd.f32 v5, v2;
	v2 =	vld [tilespmem:s24+$0x6870]  }
0x54: {  	v5 =	vld [tilespmem:s24+$0x870]  }
0x55: {  	[tilespmem:s24+$0x12840] =	vst v0;
	v0 =	vadd.f32 v6, v1;
	v1 =	vld [tilespmem:s24+$0x6C00]  }
0x56: {  	v6 =	vld [tilespmem:s24+$0xC00]  }
0x57: {  	[tilespmem:s24+$0x12850] =	vst v0;
	v0 =	vadd.f32 v4, v3;
	v3 =	vld [tilespmem:s24+$0x6C10]  }
0x58: {  	v4 =	vld [tilespmem:s24+$0xC10]  }
0x59: {  	[tilespmem:s24+$0x12860] =	vst v0;
	v0 =	vadd.f32 v5, v2;
	v2 =	vld [tilespmem:s24+$0x6C20]  }
0x5a: {  	v5 =	vld [tilespmem:s24+$0xC20]  }
0x5b: {  	[tilespmem:s24+$0x12870] =	vst v0;
	v0 =	vadd.f32 v6, v1;
	v1 =	vld [tilespmem:s24+$0x6C30]  }
0x5c: {  	v6 =	vld [tilespmem:s24+$0xC30]  }
0x5d: {  	[tilespmem:s24+$0x12C00] =	vst v0;
	v0 =	vadd.f32 v4, v3;
	v3 =	vld [tilespmem:s24+$0x6C40]  }
0x5e: {  	v4 =	vld [tilespmem:s24+$0xC40]  }
0x5f: {  	[tilespmem:s24+$0x12C10] =	vst v0;
	v0 =	vadd.f32 v5, v2;
	v2 =	vld [tilespmem:s24+$0x6C50]  }
0x60: {  	v5 =	vld [tilespmem:s24+$0xC50]  }
0x61: {  	[tilespmem:s24+$0x12C20] =	vst v0;
	v0 =	vadd.f32 v6, v1;
	v1 =	vld [tilespmem:s24+$0x6C60]  }
0x62: {  	v6 =	vld [tilespmem:s24+$0xC60]  }
0x63: {  	[tilespmem:s24+$0x12C30] =	vst v0;
	v0 =	vadd.f32 v4, v3;
	v3 =	vld [tilespmem:s24+$0x6C70]  }
0x64: {  	v4 =	vld [tilespmem:s24+$0xC70]  }
0x65: {  	[tilespmem:s24+$0x12C40] =	vst v0;
	v0 =	vadd.f32 v5, v2;
	v2 =	vld [tilespmem:s24+$0x7000]  }
0x66: {  	v5 =	vld [tilespmem:s24+$0x1000]  }
0x67: {  	[tilespmem:s24+$0x12C50] =	vst v0;
	v0 =	vadd.f32 v6, v1;
	v1 =	vld [tilespmem:s24+$0x7010]  }
0x68: {  	v6 =	vld [tilespmem:s24+$0x1010]  }
0x69: {  	[tilespmem:s24+$0x12C60] =	vst v0;
	v0 =	vadd.f32 v4, v3;
	v3 =	vld [tilespmem:s24+$0x7020]  }
0x6a: {  	v4 =	vld [tilespmem:s24+$0x1020]  }
0x6b: {  	[tilespmem:s24+$0x12C70] =	vst v0;
	v0 =	vadd.f32 v5, v2;
	v2 =	vld [tilespmem:s24+$0x7030]  }
0x6c: {  	v5 =	vld [tilespmem:s24+$0x1030]  }
0x6d: {  	[tilespmem:s24+$0x13000] =	vst v0;
	v0 =	vadd.f32 v6, v1;
	v1 =	vld [tilespmem:s24+$0x7040]  }
0x6e: {  	v6 =	vld [tilespmem:s24+$0x1040]  }
0x6f: {  	[tilespmem:s24+$0x13010] =	vst v0;
	v0 =	vadd.f32 v4, v3;
	v3 =	vld [tilespmem:s24+$0x7050]  }
0x70: {  	v4 =	vld [tilespmem:s24+$0x1050]  }
0x71: {  	[tilespmem:s24+$0x13020] =	vst v0;
	v0 =	vadd.f32 v5, v2;
	v2 =	vld [tilespmem:s24+$0x7060]  }
0x72: {  	v5 =	vld [tilespmem:s24+$0x1060]  }
0x73: {  	[tilespmem:s24+$0x13030] =	vst v0;
	v0 =	vadd.f32 v6, v1;
	v1 =	vld [tilespmem:s24+$0x7070]  }
0x74: {  	v6 =	vld [tilespmem:s24+$0x1070]  }
0x75: {  	[tilespmem:s24+$0x13040] =	vst v0;
	v0 =	vadd.f32 v4, v3;
	v3 =	vld [tilespmem:s24+$0x7400]  }
0x76: {  	v4 =	vld [tilespmem:s24+$0x1400]  }
0x77: {  	v7 =	vld [tilespmem:s24+$0x1420]  }
0x78: {  	[tilespmem:s24+$0x13050] =	vst v0;
	v0 =	vadd.f32 v5, v2;
	v2 =	vld [tilespmem:s24+$0x7410]  }
0x79: {  	v5 =	vld [tilespmem:s24+$0x1410]  }
0x7a: {  	[tilespmem:s24+$0x13060] =	vst v0;
	v0 =	vadd.f32 v6, v1;
	v6 =	vld [tilespmem:s24+$0x7420]  }
0x7b: {  	v1 =	vadd.f32 v4, v3;
	v3 =	vld [tilespmem:s24+$0x1430]  }
0x7c: {  	[tilespmem:s24+$0x13070] =	vst v0;
	v0 =	vld [tilespmem:s24+$0x7430]  }
0x7d: {  	v4 =	vld [tilespmem:s24+$0x1440]  }
0x7e: {  	[tilespmem:s24+$0x13400] =	vst v1;
	v2 =	vadd.f32 v5, v2;
	v1 =	vld [tilespmem:s24+$0x7440]  }
0x7f: {  	s31 =	simm.s32 $0x0;
	v5 =	vld [tilespmem:s24+$0x1450];
	v6 =	vadd.f32 v7, v6  }
0x80: {  	s28 =	smul.u32 $0x1800, s31;
	s26 =	simm.s32 $0x2;
	s25 =	simm.s32 $0x80;
	[tilespmem:s24+$0x13410] =	vst v2;
	v2 =	vld [tilespmem:s24+$0x7450]  }
.LBB2_3:
0x81: {  	p1 =	sne.s32 s26, $0x1F;
	s29 =	sand.u32 $0x380, s25;
	[tilespmem:s24+$0x13420] =	vst v6;
	v0 =	vadd.f32 v3, v0;
	v3 =	vld [tilespmem:s24+$0x7460]  }
0x82: {  	s28 =	sor.u32 s29, s28;
	v6 =	vld [tilespmem:s24+$0x1460]  }
0x83: {  	v7 =	vld [tilespmem:s28+$0x7470];
	[tilespmem:s24+$0x13430] =	vst v0;
	v0 =	vadd.f32 v4, v1  }
0x84: {  	v1 =	vld [tilespmem:s28+$0x1470]  }
0x85: {  	v4 =	vld [tilespmem:s28+$0x6000];
	[tilespmem:s24+$0x13440] =	vst v0;
	v0 =	vadd.f32 v5, v2  }
0x86: {  	v2 =	vld [tilespmem:s28+$0x0]  }
0x87: {  	v5 =	vld [tilespmem:s28+$0x6010];
	[tilespmem:s24+$0x13450] =	vst v0;
	v0 =	vadd.f32 v6, v3  }
0x88: {  	v3 =	vld [tilespmem:s28+$0x10]  }
0x89: {  	v6 =	vld [tilespmem:s28+$0x6020];
	v1 =	vadd.f32 v1, v7;
	[tilespmem:s24+$0x13460] =	vst v0;
	s24 =	smov.u32 s28  }
0x8a: {  	v0 =	vld [tilespmem:s24+$0x20]  }
0x8b: {  	v2 =	vadd.f32 v2, v4;
	v4 =	vld [tilespmem:s24+$0x6030];
	[tilespmem:s24+$0x13470] =	vst v1  }
0x8c: {  	v1 =	vld [tilespmem:s24+$0x30]  }
0x8d: {  	[tilespmem:s24+$0x12000] =	vst v2;
	v2 =	vadd.f32 v3, v5;
	v3 =	vld [tilespmem:s24+$0x6040]  }
0x8e: {  	v5 =	vld [tilespmem:s24+$0x40]  }
0x8f: {  	[tilespmem:s24+$0x12010] =	vst v2;
	v0 =	vadd.f32 v0, v6;
	v2 =	vld [tilespmem:s24+$0x6050]  }
0x90: {  	v6 =	vld [tilespmem:s24+$0x50]  }
0x91: {  	[tilespmem:s24+$0x12020] =	vst v0;
	v0 =	vadd.f32 v1, v4;
	v1 =	vld [tilespmem:s24+$0x6060]  }
0x92: {  	v4 =	vld [tilespmem:s24+$0x60]  }
0x93: {  	[tilespmem:s24+$0x12030] =	vst v0;
	v0 =	vadd.f32 v5, v3;
	v3 =	vld [tilespmem:s24+$0x6070]  }
0x94: {  	v5 =	vld [tilespmem:s24+$0x70]  }
0x95: {  	[tilespmem:s24+$0x12040] =	vst v0;
	v0 =	vadd.f32 v6, v2;
	v2 =	vld [tilespmem:s24+$0x6400]  }
0x96: {  	v6 =	vld [tilespmem:s24+$0x400]  }
0x97: {  	[tilespmem:s24+$0x12050] =	vst v0;
	v0 =	vadd.f32 v4, v1;
	v1 =	vld [tilespmem:s24+$0x6410]  }
0x98: {  	v4 =	vld [tilespmem:s24+$0x410]  }
0x99: {  	[tilespmem:s24+$0x12060] =	vst v0;
	v0 =	vadd.f32 v5, v3;
	v3 =	vld [tilespmem:s24+$0x6420]  }
0x9a: {  	v5 =	vld [tilespmem:s24+$0x420]  }
0x9b: {  	[tilespmem:s24+$0x12070] =	vst v0;
	v0 =	vadd.f32 v6, v2;
	v2 =	vld [tilespmem:s24+$0x6430]  }
0x9c: {  	v6 =	vld [tilespmem:s24+$0x430]  }
0x9d: {  	[tilespmem:s24+$0x12400] =	vst v0;
	v0 =	vadd.f32 v4, v1;
	v1 =	vld [tilespmem:s24+$0x6440]  }
0x9e: {  	v4 =	vld [tilespmem:s24+$0x440]  }
0x9f: {  	[tilespmem:s24+$0x12410] =	vst v0;
	v0 =	vadd.f32 v5, v3;
	v3 =	vld [tilespmem:s24+$0x6450]  }
0xa0: {  	v5 =	vld [tilespmem:s24+$0x450]  }
0xa1: {  	[tilespmem:s24+$0x12420] =	vst v0;
	v0 =	vadd.f32 v6, v2;
	v2 =	vld [tilespmem:s24+$0x6460]  }
0xa2: {  	v6 =	vld [tilespmem:s24+$0x460]  }
0xa3: {  	[tilespmem:s24+$0x12430] =	vst v0;
	v0 =	vadd.f32 v4, v1;
	v1 =	vld [tilespmem:s24+$0x6470]  }
0xa4: {  	v4 =	vld [tilespmem:s24+$0x470]  }
0xa5: {  	[tilespmem:s24+$0x12440] =	vst v0;
	v0 =	vadd.f32 v5, v3;
	v3 =	vld [tilespmem:s24+$0x6800]  }
0xa6: {  	v5 =	vld [tilespmem:s24+$0x800]  }
0xa7: {  	[tilespmem:s24+$0x12450] =	vst v0;
	v0 =	vadd.f32 v6, v2;
	v2 =	vld [tilespmem:s24+$0x6810]  }
0xa8: {  	v6 =	vld [tilespmem:s24+$0x810]  }
0xa9: {  	[tilespmem:s24+$0x12460] =	vst v0;
	v0 =	vadd.f32 v4, v1;
	v1 =	vld [tilespmem:s24+$0x6820]  }
0xaa: {  	v4 =	vld [tilespmem:s24+$0x820]  }
0xab: {  	[tilespmem:s24+$0x12470] =	vst v0;
	v0 =	vadd.f32 v5, v3;
	v3 =	vld [tilespmem:s24+$0x6830]  }
0xac: {  	v5 =	vld [tilespmem:s24+$0x830]  }
0xad: {  	[tilespmem:s24+$0x12800] =	vst v0;
	v0 =	vadd.f32 v6, v2;
	v2 =	vld [tilespmem:s24+$0x6840]  }
0xae: {  	v6 =	vld [tilespmem:s24+$0x840]  }
0xaf: {  	[tilespmem:s24+$0x12810] =	vst v0;
	v0 =	vadd.f32 v4, v1;
	v1 =	vld [tilespmem:s24+$0x6850]  }
0xb0: {  	v4 =	vld [tilespmem:s24+$0x850]  }
0xb1: {  	[tilespmem:s24+$0x12820] =	vst v0;
	v0 =	vadd.f32 v5, v3;
	v3 =	vld [tilespmem:s24+$0x6860]  }
0xb2: {  	v5 =	vld [tilespmem:s24+$0x860]  }
0xb3: {  	[tilespmem:s24+$0x12830] =	vst v0;
	v0 =	vadd.f32 v6, v2;
	v2 =	vld [tilespmem:s24+$0x6870]  }
0xb4: {  	v6 =	vld [tilespmem:s24+$0x870]  }
0xb5: {  	[tilespmem:s24+$0x12840] =	vst v0;
	v0 =	vadd.f32 v4, v1;
	v1 =	vld [tilespmem:s24+$0x6C00]  }
0xb6: {  	v4 =	vld [tilespmem:s24+$0xC00]  }
0xb7: {  	[tilespmem:s24+$0x12850] =	vst v0;
	v0 =	vadd.f32 v5, v3;
	v3 =	vld [tilespmem:s24+$0x6C10]  }
0xb8: {  	v5 =	vld [tilespmem:s24+$0xC10]  }
0xb9: {  	[tilespmem:s24+$0x12860] =	vst v0;
	v0 =	vadd.f32 v6, v2;
	v2 =	vld [tilespmem:s24+$0x6C20]  }
0xba: {  	v6 =	vld [tilespmem:s24+$0xC20]  }
0xbb: {  	[tilespmem:s24+$0x12870] =	vst v0;
	v0 =	vadd.f32 v4, v1;
	v1 =	vld [tilespmem:s24+$0x6C30]  }
0xbc: {  	v4 =	vld [tilespmem:s24+$0xC30]  }
0xbd: {  	[tilespmem:s24+$0x12C00] =	vst v0;
	v0 =	vadd.f32 v5, v3;
	v3 =	vld [tilespmem:s24+$0x6C40]  }
0xbe: {  	v5 =	vld [tilespmem:s24+$0xC40]  }
0xbf: {  	[tilespmem:s24+$0x12C10] =	vst v0;
	v0 =	vadd.f32 v6, v2;
	v2 =	vld [tilespmem:s24+$0x6C50]  }
0xc0: {  	v6 =	vld [tilespmem:s24+$0xC50]  }
0xc1: {  	[tilespmem:s24+$0x12C20] =	vst v0;
	v0 =	vadd.f32 v4, v1;
	v1 =	vld [tilespmem:s24+$0x6C60]  }
0xc2: {  	v4 =	vld [tilespmem:s24+$0xC60]  }
0xc3: {  	[tilespmem:s24+$0x12C30] =	vst v0;
	v0 =	vadd.f32 v5, v3;
	v3 =	vld [tilespmem:s24+$0x6C70]  }
0xc4: {  	v5 =	vld [tilespmem:s24+$0xC70]  }
0xc5: {  	[tilespmem:s24+$0x12C40] =	vst v0;
	v0 =	vadd.f32 v6, v2;
	v2 =	vld [tilespmem:s24+$0x7000]  }
0xc6: {  	v6 =	vld [tilespmem:s24+$0x1000]  }
0xc7: {  	[tilespmem:s24+$0x12C50] =	vst v0;
	v0 =	vadd.f32 v4, v1;
	v1 =	vld [tilespmem:s24+$0x7010]  }
0xc8: {  	v4 =	vld [tilespmem:s24+$0x1010]  }
0xc9: {  	[tilespmem:s24+$0x12C60] =	vst v0;
	v0 =	vadd.f32 v5, v3;
	v3 =	vld [tilespmem:s24+$0x7020]  }
0xca: {  	v5 =	vld [tilespmem:s24+$0x1020]  }
0xcb: {  	[tilespmem:s24+$0x12C70] =	vst v0;
	v0 =	vadd.f32 v6, v2;
	v2 =	vld [tilespmem:s24+$0x7030]  }
0xcc: {  	v6 =	vld [tilespmem:s24+$0x1030]  }
0xcd: {  	[tilespmem:s24+$0x13000] =	vst v0;
	v0 =	vadd.f32 v4, v1;
	v1 =	vld [tilespmem:s24+$0x7040]  }
0xce: {  	v4 =	vld [tilespmem:s24+$0x1040]  }
0xcf: {  	[tilespmem:s24+$0x13010] =	vst v0;
	v0 =	vadd.f32 v5, v3;
	v3 =	vld [tilespmem:s24+$0x7050]  }
0xd0: {  	v5 =	vld [tilespmem:s24+$0x1050]  }
0xd1: {  	[tilespmem:s24+$0x13020] =	vst v0;
	v0 =	vadd.f32 v6, v2;
	v2 =	vld [tilespmem:s24+$0x7060]  }
0xd2: {  	v6 =	vld [tilespmem:s24+$0x1060]  }
0xd3: {  	[tilespmem:s24+$0x13030] =	vst v0;
	v0 =	vadd.f32 v4, v1;
	v1 =	vld [tilespmem:s24+$0x7070]  }
0xd4: {  	v4 =	vld [tilespmem:s24+$0x1070]  }
0xd5: {  	[tilespmem:s24+$0x13040] =	vst v0;
	v0 =	vadd.f32 v5, v3;
	v3 =	vld [tilespmem:s24+$0x7400]  }
0xd6: {  	v5 =	vld [tilespmem:s24+$0x1400]  }
0xd7: {  	[tilespmem:s24+$0x13050] =	vst v0;
	v0 =	vadd.f32 v6, v2;
	v2 =	vld [tilespmem:s24+$0x7410]  }
0xd8: {  	v6 =	vld [tilespmem:s24+$0x1410]  }
0xd9: {  	[tilespmem:s24+$0x13060] =	vst v0;
	v0 =	vadd.f32 v4, v1;
	v7 =	vld [tilespmem:s24+$0x7420]  }
0xda: {  	v8 =	vld [tilespmem:s24+$0x1420]  }
0xdb: {  	[tilespmem:s24+$0x13070] =	vst v0;
	v1 =	vadd.f32 v5, v3;
	v0 =	vld [tilespmem:s24+$0x7430]  }
.Ltmp2:
0xdc: {  	v3 =	vld [tilespmem:s24+$0x1430];
	(pc) =	sbr.rel @p1 .LBB2_3-.Ltmp2, $4  }
0xdd: {  	[tilespmem:s24+$0x13400] =	vst v1;
	v2 =	vadd.f32 v6, v2;
	v1 =	vld [tilespmem:s24+$0x7440]  }
0xde: {  	v4 =	vld [tilespmem:s24+$0x1440]  }
0xdf: {  	s28 =	sshrl.u32 s26, $0x3;
	[tilespmem:s24+$0x13410] =	vst v2;
	v6 =	vadd.f32 v8, v7;
	v2 =	vld [tilespmem:s24+$0x7450]  }
0xe0: {  	s25 =	sadd.s32 $0x80, s25;
	s26 =	sadd.s32 $0x1, s26;
	s28 =	smul.u32 $0x1800, s28;
	v5 =	vld [tilespmem:s24+$0x1450]  }
0xe1: {  	s25 =	sand.u32 $0x380, s25;
	v63 =	vld [tilespmem:s24+$0x7460]  }
0xe2: {  	v7 =	vld [tilespmem:s24+$0x1460];
	s25 =	sor.u32 s25, s28  }
0xe3: {  	v8 =	vld [tilespmem:s25+$0x7470]  }
0xe4: {  	v9 =	vld [tilespmem:s25+$0x1470]  }
0xe5: {  	v10 =	vld [tilespmem:s25+$0x6000]  }
0xe6: {  	v11 =	vld [tilespmem:s25+$0x0]  }
0xe7: {  	v12 =	vld [tilespmem:s25+$0x6010]  }
0xe8: {  	v13 =	vld [tilespmem:s25+$0x10]  }
0xe9: {  	v14 =	vld [tilespmem:s25+$0x6020]  }
0xea: {  	v15 =	vld [tilespmem:s25+$0x20]  }
0xeb: {  	v16 =	vld [tilespmem:s25+$0x6030]  }
0xec: {  	v17 =	vld [tilespmem:s25+$0x30]  }
0xed: {  	v18 =	vld [tilespmem:s25+$0x6040]  }
0xee: {  	v19 =	vld [tilespmem:s25+$0x40]  }
0xef: {  	v20 =	vld [tilespmem:s25+$0x6050]  }
0xf0: {  	v21 =	vld [tilespmem:s25+$0x50]  }
0xf1: {  	v22 =	vld [tilespmem:s25+$0x6060]  }
0xf2: {  	v23 =	vld [tilespmem:s25+$0x60]  }
0xf3: {  	v24 =	vld [tilespmem:s25+$0x6070]  }
0xf4: {  	v25 =	vld [tilespmem:s25+$0x70]  }
0xf5: {  	v26 =	vld [tilespmem:s25+$0x6400]  }
0xf6: {  	v27 =	vld [tilespmem:s25+$0x400]  }
0xf7: {  	v28 =	vld [tilespmem:s25+$0x6410]  }
0xf8: {  	v29 =	vld [tilespmem:s25+$0x410]  }
0xf9: {  	v30 =	vld [tilespmem:s25+$0x6420]  }
0xfa: {  	v31 =	vld [tilespmem:s25+$0x420]  }
0xfb: {  	v32 =	vld [tilespmem:s25+$0x6430]  }
0xfc: {  	v33 =	vld [tilespmem:s25+$0x430]  }
0xfd: {  	v34 =	vld [tilespmem:s25+$0x6440]  }
0xfe: {  	v35 =	vld [tilespmem:s25+$0x440]  }
0xff: {  	v36 =	vld [tilespmem:s25+$0x6450]  }
0x100: {  	v37 =	vld [tilespmem:s25+$0x450]  }
0x101: {  	v38 =	vld [tilespmem:s25+$0x6460]  }
0x102: {  	v39 =	vld [tilespmem:s25+$0x460]  }
0x103: {  	v40 =	vld [tilespmem:s25+$0x6470]  }
0x104: {  	v41 =	vld [tilespmem:s25+$0x470]  }
0x105: {  	v42 =	vld [tilespmem:s25+$0x6800]  }
0x106: {  	v43 =	vld [tilespmem:s25+$0x800]  }
0x107: {  	v44 =	vld [tilespmem:s25+$0x6810]  }
0x108: {  	v45 =	vld [tilespmem:s25+$0x810]  }
0x109: {  	v46 =	vld [tilespmem:s25+$0x6820]  }
0x10a: {  	v47 =	vld [tilespmem:s25+$0x820]  }
0x10b: {  	v48 =	vld [tilespmem:s25+$0x6830]  }
0x10c: {  	v49 =	vld [tilespmem:s25+$0x830]  }
0x10d: {  	v50 =	vld [tilespmem:s25+$0x6840]  }
0x10e: {  	v51 =	vld [tilespmem:s25+$0x840]  }
0x10f: {  	v52 =	vld [tilespmem:s25+$0x6850]  }
0x110: {  	v53 =	vld [tilespmem:s25+$0x850]  }
0x111: {  	v54 =	vld [tilespmem:s25+$0x6860]  }
0x112: {  	v55 =	vld [tilespmem:s25+$0x860]  }
0x113: {  	v56 =	vld [tilespmem:s25+$0x6870]  }
0x114: {  	v0 =	vadd.f32 v3, v0;
	v3 =	vld [tilespmem:s25+$0x870]  }
0x115: {  	[tilespmem:s24+$0x13420] =	vst v6;
	v1 =	vadd.f32 v4, v1;
	v4 =	vld [tilespmem:s25+$0x6C00]  }
0x116: {  	[tilespmem:s24+$0x13430] =	vst v0;
	v60 =	vld [tilespmem:s25+$0xC10];
	v57 =	vadd.f32 v5, v2  }
0x117: {  	v2 =	vld [tilespmem:s25+$0xC00];
	[tilespmem:s24+$0x13440] =	vst v1;
	v58 =	vadd.f32 v7, v63  }
0x118: {  	v5 =	vld [tilespmem:s25+$0x6C10];
	[tilespmem:s24+$0x13450] =	vst v57;
	v59 =	vadd.f32 v9, v8  }
0x119: {  	v7 =	vld [tilespmem:s25+$0x6C20];
	[tilespmem:s24+$0x13460] =	vst v58;
	v61 =	vadd.f32 v11, v10  }
0x11a: {  	v63 =	vld [tilespmem:s25+$0xC20];
	v62 =	vadd.f32 v13, v12;
	[tilespmem:s25+$0x13470] =	vst v59  }
0x11b: {  	v57 =	vld [tilespmem:s25+$0x1050];
	v15 =	vadd.f32 v15, v14;
	[tilespmem:s25+$0x12000] =	vst v61  }
0x11c: {  	v9 =	vld [tilespmem:s25+$0x6C30];
	v17 =	vadd.f32 v17, v16;
	[tilespmem:s25+$0x12010] =	vst v62  }
0x11d: {  	v10 =	vld [tilespmem:s25+$0xC30];
	v19 =	vadd.f32 v19, v18;
	[tilespmem:s25+$0x12020] =	vst v15  }
0x11e: {  	v11 =	vld [tilespmem:s25+$0x6C40];
	v21 =	vadd.f32 v21, v20;
	[tilespmem:s25+$0x12030] =	vst v17  }
0x11f: {  	v12 =	vld [tilespmem:s25+$0xC40];
	v23 =	vadd.f32 v23, v22;
	[tilespmem:s25+$0x12040] =	vst v19  }
0x120: {  	v13 =	vld [tilespmem:s25+$0x6C50];
	v25 =	vadd.f32 v25, v24;
	[tilespmem:s25+$0x12050] =	vst v21  }
0x121: {  	v14 =	vld [tilespmem:s25+$0xC50];
	v27 =	vadd.f32 v27, v26;
	[tilespmem:s25+$0x12060] =	vst v23  }
0x122: {  	v29 =	vadd.f32 v29, v28;
	v16 =	vld [tilespmem:s25+$0xC60];
	[tilespmem:s25+$0x12070] =	vst v25  }
0x123: {  	v31 =	vadd.f32 v31, v30;
	v18 =	vld [tilespmem:s25+$0xC70];
	[tilespmem:s25+$0x12400] =	vst v27  }
0x124: {  	v33 =	vadd.f32 v33, v32;
	v20 =	vld [tilespmem:s25+$0x1000];
	[tilespmem:s25+$0x12410] =	vst v29  }
0x125: {  	v35 =	vadd.f32 v35, v34;
	v40 =	vadd.f32 v41, v40;
	v41 =	vld [tilespmem:s25+$0x1010];
	[tilespmem:s25+$0x12420] =	vst v31  }
0x126: {  	v37 =	vadd.f32 v37, v36;
	v42 =	vadd.f32 v43, v42;
	v43 =	vld [tilespmem:s25+$0x7020];
	[tilespmem:s25+$0x12430] =	vst v33  }
0x127: {  	v39 =	vadd.f32 v39, v38;
	v44 =	vadd.f32 v45, v44;
	v45 =	vld [tilespmem:s25+$0x1020];
	[tilespmem:s25+$0x12440] =	vst v35  }
0x128: {  	v46 =	vadd.f32 v47, v46;
	v47 =	vld [tilespmem:s25+$0x7030];
	[tilespmem:s25+$0x12450] =	vst v37  }
0x129: {  	v48 =	vadd.f32 v49, v48;
	v49 =	vld [tilespmem:s25+$0x1030];
	[tilespmem:s25+$0x12460] =	vst v39  }
0x12a: {  	v50 =	vadd.f32 v51, v50;
	v51 =	vld [tilespmem:s25+$0x7040];
	[tilespmem:s25+$0x12470] =	vst v40  }
0x12b: {  	v52 =	vadd.f32 v53, v52;
	v53 =	vld [tilespmem:s25+$0x1040];
	[tilespmem:s25+$0x12800] =	vst v42  }
0x12c: {  	v54 =	vadd.f32 v55, v54;
	v55 =	vld [tilespmem:s25+$0x7050];
	[tilespmem:s25+$0x12810] =	vst v44  }
0x12d: {  	v30 =	vld [tilespmem:s25+$0x1070];
	[tilespmem:s25+$0x12820] =	vst v46  }
0x12e: {  	v32 =	vld [tilespmem:s25+$0x7400];
	[tilespmem:s25+$0x12830] =	vst v48  }
0x12f: {  	v34 =	vld [tilespmem:s25+$0x1400];
	[tilespmem:s25+$0x12840] =	vst v50  }
0x130: {  	v56 =	vadd.f32 v3, v56;
	v36 =	vld [tilespmem:s25+$0x7410];
	[tilespmem:s25+$0x12850] =	vst v52  }
0x131: {  	v38 =	vld [tilespmem:s25+$0x1410];
	[tilespmem:s25+$0x12860] =	vst v54;
	v58 =	vadd.f32 v2, v4  }
0x132: {  	v15 =	vld [tilespmem:s25+$0x6C60];
	[tilespmem:s25+$0x12870] =	vst v56;
	v60 =	vadd.f32 v60, v5  }
0x133: {  	v17 =	vld [tilespmem:s25+$0x6C70];
	v62 =	vadd.f32 v63, v7;
	[tilespmem:s25+$0x12C00] =	vst v58  }
0x134: {  	v19 =	vld [tilespmem:s25+$0x7000];
	[tilespmem:s25+$0x12C10] =	vst v60;
	v10 =	vadd.f32 v10, v9  }
0x135: {  	v21 =	vld [tilespmem:s25+$0x7010];
	[tilespmem:s25+$0x12C20] =	vst v62;
	v31 =	vadd.f32 v12, v11  }
0x136: {  	v59 =	vld [tilespmem:s25+$0x7060];
	v33 =	vadd.f32 v14, v13;
	[tilespmem:s25+$0x12C30] =	vst v10  }
0x137: {  	v61 =	vld [tilespmem:s25+$0x1060];
	v43 =	vadd.f32 v45, v43;
	[tilespmem:s25+$0x12C40] =	vst v31  }
0x138: {  	v40 =	vld [tilespmem:s25+$0x7420];
	v45 =	vadd.f32 v49, v47;
	[tilespmem:s25+$0x12C50] =	vst v33  }
0x139: {  	v42 =	vld [tilespmem:s25+$0x1420];
	v47 =	vadd.f32 v53, v51;
	[tilespmem:s25+$0x13020] =	vst v43  }
0x13a: {  	v44 =	vld [tilespmem:s25+$0x7430];
	v49 =	vadd.f32 v57, v55;
	[tilespmem:s25+$0x13030] =	vst v45  }
0x13b: {  	v46 =	vld [tilespmem:s25+$0x1430];
	v55 =	vadd.f32 v34, v32;
	[tilespmem:s25+$0x13040] =	vst v47  }
0x13c: {  	v48 =	vld [tilespmem:s25+$0x7440];
	v57 =	vadd.f32 v38, v36;
	[tilespmem:s25+$0x13050] =	vst v49  }
0x13d: {  	v50 =	vld [tilespmem:s25+$0x1440];
	v35 =	vadd.f32 v16, v15;
	[tilespmem:s25+$0x13400] =	vst v55  }
0x13e: {  	v52 =	vld [tilespmem:s25+$0x7450];
	v37 =	vadd.f32 v18, v17;
	[tilespmem:s25+$0x13410] =	vst v57  }
0x13f: {  	v54 =	vld [tilespmem:s25+$0x1450];
	v39 =	vadd.f32 v20, v19;
	[tilespmem:s25+$0x12C60] =	vst v35  }
0x140: {  	v56 =	vld [tilespmem:s25+$0x7460];
	v41 =	vadd.f32 v41, v21;
	[tilespmem:s25+$0x12C70] =	vst v37  }
0x141: {  	v63 =	vld [tilespmem:s25+$0x7070];
	v51 =	vadd.f32 v61, v59;
	[tilespmem:s25+$0x13000] =	vst v39  }
0x142: {  	v58 =	vld [tilespmem:s25+$0x1460];
	v59 =	vadd.f32 v42, v40;
	[tilespmem:s25+$0x13010] =	vst v41  }
0x143: {  	v60 =	vadd.f32 v46, v44;
	[tilespmem:s25+$0x13060] =	vst v51  }
0x144: {  	v61 =	vadd.f32 v50, v48;
	[tilespmem:s25+$0x13420] =	vst v59  }
0x145: {  	p1 =	sne.s32 s23, $0xD;
	s24 =	smul.u32 $0x180000, s23;
	v62 =	vadd.f32 v54, v52;
	[tilespmem:s25+$0x13430] =	vst v60  }
.Ltmp3:
0x146: {  	v53 =	vadd.f32 v30, v63;
	[tilespmem:s25+$0x13440] =	vst v61;
	(pc) =	sbr.rel @p1 .LBB2_6-.Ltmp3, $4  }
0x147: {  	s26 =	sadd.s32 s4, s24;
	v63 =	vadd.f32 v58, v56;
	[tilespmem:s25+$0x13450] =	vst v62  }
0x148: {  	s26 =	sshrl.u32 s26, $0x3;
	[tilespmem:s25+$0x13070] =	vst v53  }
0x149: {  	s31 =	sadd.s32 s5, s26;
	[tilespmem:s25+$0x13460] =	vst v63  }
0x14a: {  	[hbm4b:s31+s3] =	stream.linear.scatter [tilespmem:s17], [sflag:$0x3], $0x6000, $0x38;
	[tilespmem:$0x1E000] =	vst v63  }
.Ltmp4:
0x14b: {  	(pc) =	sbr.rel .LBB2_7-.Ltmp4, $4  }
0x14c: {  	_ = 	snop  }
0x14d: {  	_ =	swait.ge [sflag:s18], $0x6000  }
0x14e: {  	[sflag:s18] =	ssyncset.done $0x0  }
0x14f: {  	[sflag:s18] =	ssyncadd.s32 $0xFFFFA000  }
.LBB2_6:
0x150: {  	s25 =	sadd.s32 s24, s9  }
0x151: {  	s25 =	sshrl.u32 s25, $0x3  }
.Ltmp5:
0x152: {  	s25 =	sadd.s32 s1, s25;
	(pc) =	sbr.rel @p0 .LBB2_8-.Ltmp5, $4  }
0x153: {  	[tilespmem:s14], [sflag:$0x1] =	stream.linear.gather [hbm4b:s25+s3], $0x6000, $0x38;
	[tilespmem:$0x1E000] =	vst v63  }
0x154: {  	_ =	swait.ge [sflag:s18], $0x6000  }
0x155: {  	[sflag:s18] =	ssyncset.done $0x0  }
0x156: {  	[sflag:s18] =	ssyncadd.s32 $0xFFFFA000  }
.LBB2_7:
0x157: {  	_ =	swait.ge [sflag:s19], $0x6000  }
0x158: {  	[sflag:s19] =	ssyncset.done $0x0  }
0x159: {  	[sflag:s19] =	ssyncadd.s32 $0xFFFFA000  }
.LBB2_8:
0x15a: {  	s25 =	simm.s32 $0x0  }
0x15b: {  	s26 =	simm.s32 $0x0;
	s25 =	smul.u32 $0x1800, s25  }
0x15c: {  	s26 =	sand.u32 $0x380, s26  }
0x15d: {  	s25 =	sor.u32 s26, s25  }
0x15e: {  	v0 =	vld [tilespmem:s25+$0xD470]  }
0x15f: {  	v1 =	vld [tilespmem:s25+$0x1470]  }
0x160: {  	v2 =	vld [tilespmem:s25+$0xC000]  }
0x161: {  	v3 =	vld [tilespmem:s25+$0x0]  }
0x162: {  	v4 =	vld [tilespmem:s25+$0xC010]  }
0x163: {  	v5 =	vld [tilespmem:s25+$0x10]  }
0x164: {  	v6 =	vld [tilespmem:s25+$0xC020]  }
0x165: {  	v7 =	vld [tilespmem:s25+$0xC030];
	v0 =	vadd.f32 v1, v0  }
0x166: {  	v1 =	vld [tilespmem:s25+$0x20]  }
0x167: {  	v2 =	vadd.f32 v3, v2;
	[tilespmem:s25+$0x19470] =	vst v0;
	v0 =	vld [tilespmem:s25+$0x30]  }
0x168: {  	v3 =	vld [tilespmem:s25+$0xC040]  }
0x169: {  	[tilespmem:s25+$0x18000] =	vst v2;
	v2 =	vadd.f32 v5, v4;
	v4 =	vld [tilespmem:s25+$0x40]  }
0x16a: {  	v5 =	vld [tilespmem:s25+$0x50]  }
0x16b: {  	[tilespmem:s25+$0x18010] =	vst v2;
	v2 =	vld [tilespmem:s25+$0xC050];
	v1 =	vadd.f32 v1, v6  }
0x16c: {  	v6 =	vld [tilespmem:s25+$0x60];
	v0 =	vadd.f32 v0, v7  }
0x16d: {  	[tilespmem:s25+$0x18020] =	vst v1;
	v1 =	vld [tilespmem:s25+$0xC060]  }
0x16e: {  	[tilespmem:s25+$0x18030] =	vst v0;
	v0 =	vadd.f32 v4, v3;
	v3 =	vld [tilespmem:s25+$0xC070]  }
0x16f: {  	v4 =	vld [tilespmem:s25+$0x70]  }
0x170: {  	[tilespmem:s25+$0x18040] =	vst v0;
	v0 =	vadd.f32 v5, v2;
	v2 =	vld [tilespmem:s25+$0xC400]  }
0x171: {  	v5 =	vld [tilespmem:s25+$0x400]  }
0x172: {  	[tilespmem:s25+$0x18050] =	vst v0;
	v0 =	vadd.f32 v6, v1;
	v1 =	vld [tilespmem:s25+$0xC410]  }
0x173: {  	v6 =	vld [tilespmem:s25+$0x410]  }
0x174: {  	[tilespmem:s25+$0x18060] =	vst v0;
	v0 =	vadd.f32 v4, v3;
	v3 =	vld [tilespmem:s25+$0xC420]  }
0x175: {  	v4 =	vld [tilespmem:s25+$0x420]  }
0x176: {  	[tilespmem:s25+$0x18070] =	vst v0;
	v0 =	vadd.f32 v5, v2;
	v2 =	vld [tilespmem:s25+$0xC430]  }
0x177: {  	v5 =	vld [tilespmem:s25+$0x430]  }
0x178: {  	[tilespmem:s25+$0x18400] =	vst v0;
	v0 =	vadd.f32 v6, v1;
	v1 =	vld [tilespmem:s25+$0xC440]  }
0x179: {  	v6 =	vld [tilespmem:s25+$0x440]  }
0x17a: {  	[tilespmem:s25+$0x18410] =	vst v0;
	v0 =	vadd.f32 v4, v3;
	v3 =	vld [tilespmem:s25+$0xC450]  }
0x17b: {  	v4 =	vld [tilespmem:s25+$0x450]  }
0x17c: {  	[tilespmem:s25+$0x18420] =	vst v0;
	v0 =	vadd.f32 v5, v2;
	v2 =	vld [tilespmem:s25+$0xC460]  }
0x17d: {  	v5 =	vld [tilespmem:s25+$0x460]  }
0x17e: {  	[tilespmem:s25+$0x18430] =	vst v0;
	v0 =	vadd.f32 v6, v1;
	v1 =	vld [tilespmem:s25+$0xC470]  }
0x17f: {  	v6 =	vld [tilespmem:s25+$0x470]  }
0x180: {  	[tilespmem:s25+$0x18440] =	vst v0;
	v0 =	vadd.f32 v4, v3;
	v3 =	vld [tilespmem:s25+$0xC800]  }
0x181: {  	v4 =	vld [tilespmem:s25+$0x800]  }
0x182: {  	[tilespmem:s25+$0x18450] =	vst v0;
	v0 =	vadd.f32 v5, v2;
	v2 =	vld [tilespmem:s25+$0xC810]  }
0x183: {  	v5 =	vld [tilespmem:s25+$0x810]  }
0x184: {  	[tilespmem:s25+$0x18460] =	vst v0;
	v0 =	vadd.f32 v6, v1;
	v1 =	vld [tilespmem:s25+$0xC820]  }
0x185: {  	v6 =	vld [tilespmem:s25+$0x820]  }
0x186: {  	[tilespmem:s25+$0x18470] =	vst v0;
	v0 =	vadd.f32 v4, v3;
	v3 =	vld [tilespmem:s25+$0xC830]  }
0x187: {  	v4 =	vld [tilespmem:s25+$0x830]  }
0x188: {  	[tilespmem:s25+$0x18800] =	vst v0;
	v0 =	vadd.f32 v5, v2;
	v2 =	vld [tilespmem:s25+$0xC840]  }
0x189: {  	v5 =	vld [tilespmem:s25+$0x840]  }
0x18a: {  	[tilespmem:s25+$0x18810] =	vst v0;
	v0 =	vadd.f32 v6, v1;
	v1 =	vld [tilespmem:s25+$0xC850]  }
0x18b: {  	v6 =	vld [tilespmem:s25+$0x850]  }
0x18c: {  	[tilespmem:s25+$0x18820] =	vst v0;
	v0 =	vadd.f32 v4, v3;
	v3 =	vld [tilespmem:s25+$0xC860]  }
0x18d: {  	v4 =	vld [tilespmem:s25+$0x860]  }
0x18e: {  	[tilespmem:s25+$0x18830] =	vst v0;
	v0 =	vadd.f32 v5, v2;
	v2 =	vld [tilespmem:s25+$0xC870]  }
0x18f: {  	v5 =	vld [tilespmem:s25+$0x870]  }
0x190: {  	[tilespmem:s25+$0x18840] =	vst v0;
	v0 =	vadd.f32 v6, v1;
	v1 =	vld [tilespmem:s25+$0xCC00]  }
0x191: {  	v6 =	vld [tilespmem:s25+$0xC00]  }
0x192: {  	[tilespmem:s25+$0x18850] =	vst v0;
	v0 =	vadd.f32 v4, v3;
	v3 =	vld [tilespmem:s25+$0xCC10]  }
0x193: {  	v4 =	vld [tilespmem:s25+$0xC10]  }
0x194: {  	[tilespmem:s25+$0x18860] =	vst v0;
	v0 =	vadd.f32 v5, v2;
	v2 =	vld [tilespmem:s25+$0xCC20]  }
0x195: {  	v5 =	vld [tilespmem:s25+$0xC20]  }
0x196: {  	[tilespmem:s25+$0x18870] =	vst v0;
	v0 =	vadd.f32 v6, v1;
	v1 =	vld [tilespmem:s25+$0xCC30]  }
0x197: {  	v6 =	vld [tilespmem:s25+$0xC30]  }
0x198: {  	[tilespmem:s25+$0x18C00] =	vst v0;
	v0 =	vadd.f32 v4, v3;
	v3 =	vld [tilespmem:s25+$0xCC40]  }
0x199: {  	v4 =	vld [tilespmem:s25+$0xC40]  }
0x19a: {  	[tilespmem:s25+$0x18C10] =	vst v0;
	v0 =	vadd.f32 v5, v2;
	v2 =	vld [tilespmem:s25+$0xCC50]  }
0x19b: {  	v5 =	vld [tilespmem:s25+$0xC50]  }
0x19c: {  	[tilespmem:s25+$0x18C20] =	vst v0;
	v0 =	vadd.f32 v6, v1;
	v1 =	vld [tilespmem:s25+$0xCC60]  }
0x19d: {  	v6 =	vld [tilespmem:s25+$0xC60]  }
0x19e: {  	[tilespmem:s25+$0x18C30] =	vst v0;
	v0 =	vadd.f32 v4, v3;
	v3 =	vld [tilespmem:s25+$0xCC70]  }
0x19f: {  	v4 =	vld [tilespmem:s25+$0xC70]  }
0x1a0: {  	[tilespmem:s25+$0x18C40] =	vst v0;
	v0 =	vadd.f32 v5, v2;
	v2 =	vld [tilespmem:s25+$0xD000]  }
0x1a1: {  	v5 =	vld [tilespmem:s25+$0x1000]  }
0x1a2: {  	[tilespmem:s25+$0x18C50] =	vst v0;
	v0 =	vadd.f32 v6, v1;
	v1 =	vld [tilespmem:s25+$0xD010]  }
0x1a3: {  	v6 =	vld [tilespmem:s25+$0x1010]  }
0x1a4: {  	[tilespmem:s25+$0x18C60] =	vst v0;
	v0 =	vadd.f32 v4, v3;
	v3 =	vld [tilespmem:s25+$0xD020]  }
0x1a5: {  	v4 =	vld [tilespmem:s25+$0x1020]  }
0x1a6: {  	[tilespmem:s25+$0x18C70] =	vst v0;
	v0 =	vadd.f32 v5, v2;
	v2 =	vld [tilespmem:s25+$0xD030]  }
0x1a7: {  	v5 =	vld [tilespmem:s25+$0x1030]  }
0x1a8: {  	[tilespmem:s25+$0x19000] =	vst v0;
	v0 =	vadd.f32 v6, v1;
	v1 =	vld [tilespmem:s25+$0xD040]  }
0x1a9: {  	v6 =	vld [tilespmem:s25+$0x1040]  }
0x1aa: {  	[tilespmem:s25+$0x19010] =	vst v0;
	v0 =	vadd.f32 v4, v3;
	v3 =	vld [tilespmem:s25+$0xD050]  }
0x1ab: {  	v4 =	vld [tilespmem:s25+$0x1050]  }
0x1ac: {  	[tilespmem:s25+$0x19020] =	vst v0;
	v0 =	vadd.f32 v5, v2;
	v2 =	vld [tilespmem:s25+$0xD060]  }
0x1ad: {  	v5 =	vld [tilespmem:s25+$0x1060]  }
0x1ae: {  	[tilespmem:s25+$0x19030] =	vst v0;
	v0 =	vadd.f32 v6, v1;
	v1 =	vld [tilespmem:s25+$0xD070]  }
0x1af: {  	v6 =	vld [tilespmem:s25+$0x1070]  }
0x1b0: {  	[tilespmem:s25+$0x19040] =	vst v0;
	v0 =	vadd.f32 v4, v3;
	v3 =	vld [tilespmem:s25+$0xD400]  }
0x1b1: {  	v4 =	vld [tilespmem:s25+$0x1400]  }
0x1b2: {  	v7 =	vld [tilespmem:s25+$0x1420]  }
0x1b3: {  	[tilespmem:s25+$0x19050] =	vst v0;
	v0 =	vadd.f32 v5, v2;
	v2 =	vld [tilespmem:s25+$0xD410]  }
0x1b4: {  	v5 =	vld [tilespmem:s25+$0x1410]  }
0x1b5: {  	[tilespmem:s25+$0x19060] =	vst v0;
	v0 =	vadd.f32 v6, v1;
	v6 =	vld [tilespmem:s25+$0xD420]  }
0x1b6: {  	v1 =	vadd.f32 v4, v3;
	v3 =	vld [tilespmem:s25+$0x1430]  }
0x1b7: {  	[tilespmem:s25+$0x19070] =	vst v0;
	v0 =	vld [tilespmem:s25+$0xD430]  }
0x1b8: {  	v4 =	vld [tilespmem:s25+$0x1440]  }
0x1b9: {  	[tilespmem:s25+$0x19400] =	vst v1;
	v2 =	vadd.f32 v5, v2;
	v1 =	vld [tilespmem:s25+$0xD440]  }
0x1ba: {  	s31 =	simm.s32 $0x0;
	v5 =	vld [tilespmem:s25+$0x1450];
	v6 =	vadd.f32 v7, v6  }
0x1bb: {  	s28 =	simm.s32 $0x2;
	s29 =	smul.u32 $0x1800, s31;
	s26 =	simm.s32 $0x80;
	[tilespmem:s25+$0x19410] =	vst v2;
	v2 =	vld [tilespmem:s25+$0xD450]  }
.LBB2_9:
0x1bc: {  	p0 =	sne.s32 s28, $0x1F;
	s30 =	sand.u32 $0x380, s26;
	[tilespmem:s25+$0x19420] =	vst v6;
	v0 =	vadd.f32 v3, v0;
	v3 =	vld [tilespmem:s25+$0xD460]  }
0x1bd: {  	s29 =	sor.u32 s30, s29;
	v6 =	vld [tilespmem:s25+$0x1460]  }
0x1be: {  	v7 =	vld [tilespmem:s29+$0xD470];
	[tilespmem:s25+$0x19430] =	vst v0;
	v0 =	vadd.f32 v4, v1  }
0x1bf: {  	v1 =	vld [tilespmem:s29+$0x1470]  }
0x1c0: {  	v4 =	vld [tilespmem:s29+$0xC000];
	[tilespmem:s25+$0x19440] =	vst v0;
	v0 =	vadd.f32 v5, v2  }
0x1c1: {  	v2 =	vld [tilespmem:s29+$0x0]  }
0x1c2: {  	v5 =	vld [tilespmem:s29+$0xC010];
	[tilespmem:s25+$0x19450] =	vst v0;
	v0 =	vadd.f32 v6, v3  }
0x1c3: {  	v3 =	vld [tilespmem:s29+$0x10]  }
0x1c4: {  	v6 =	vld [tilespmem:s29+$0xC020];
	v1 =	vadd.f32 v1, v7;
	[tilespmem:s25+$0x19460] =	vst v0;
	s25 =	smov.u32 s29  }
0x1c5: {  	v0 =	vld [tilespmem:s25+$0x20]  }
0x1c6: {  	v2 =	vadd.f32 v2, v4;
	v4 =	vld [tilespmem:s25+$0xC030];
	[tilespmem:s25+$0x19470] =	vst v1  }
0x1c7: {  	v1 =	vld [tilespmem:s25+$0x30]  }
0x1c8: {  	[tilespmem:s25+$0x18000] =	vst v2;
	v2 =	vadd.f32 v3, v5;
	v3 =	vld [tilespmem:s25+$0xC040]  }
0x1c9: {  	v5 =	vld [tilespmem:s25+$0x40]  }
0x1ca: {  	[tilespmem:s25+$0x18010] =	vst v2;
	v0 =	vadd.f32 v0, v6;
	v2 =	vld [tilespmem:s25+$0xC050]  }
0x1cb: {  	v6 =	vld [tilespmem:s25+$0x50]  }
0x1cc: {  	[tilespmem:s25+$0x18020] =	vst v0;
	v0 =	vadd.f32 v1, v4;
	v1 =	vld [tilespmem:s25+$0xC060]  }
0x1cd: {  	v4 =	vld [tilespmem:s25+$0x60]  }
0x1ce: {  	[tilespmem:s25+$0x18030] =	vst v0;
	v0 =	vadd.f32 v5, v3;
	v3 =	vld [tilespmem:s25+$0xC070]  }
0x1cf: {  	v5 =	vld [tilespmem:s25+$0x70]  }
0x1d0: {  	[tilespmem:s25+$0x18040] =	vst v0;
	v0 =	vadd.f32 v6, v2;
	v2 =	vld [tilespmem:s25+$0xC400]  }
0x1d1: {  	v6 =	vld [tilespmem:s25+$0x400]  }
0x1d2: {  	[tilespmem:s25+$0x18050] =	vst v0;
	v0 =	vadd.f32 v4, v1;
	v1 =	vld [tilespmem:s25+$0xC410]  }
0x1d3: {  	v4 =	vld [tilespmem:s25+$0x410]  }
0x1d4: {  	[tilespmem:s25+$0x18060] =	vst v0;
	v0 =	vadd.f32 v5, v3;
	v3 =	vld [tilespmem:s25+$0xC420]  }
0x1d5: {  	v5 =	vld [tilespmem:s25+$0x420]  }
0x1d6: {  	[tilespmem:s25+$0x18070] =	vst v0;
	v0 =	vadd.f32 v6, v2;
	v2 =	vld [tilespmem:s25+$0xC430]  }
0x1d7: {  	v6 =	vld [tilespmem:s25+$0x430]  }
0x1d8: {  	[tilespmem:s25+$0x18400] =	vst v0;
	v0 =	vadd.f32 v4, v1;
	v1 =	vld [tilespmem:s25+$0xC440]  }
0x1d9: {  	v4 =	vld [tilespmem:s25+$0x440]  }
0x1da: {  	[tilespmem:s25+$0x18410] =	vst v0;
	v0 =	vadd.f32 v5, v3;
	v3 =	vld [tilespmem:s25+$0xC450]  }
0x1db: {  	v5 =	vld [tilespmem:s25+$0x450]  }
0x1dc: {  	[tilespmem:s25+$0x18420] =	vst v0;
	v0 =	vadd.f32 v6, v2;
	v2 =	vld [tilespmem:s25+$0xC460]  }
0x1dd: {  	v6 =	vld [tilespmem:s25+$0x460]  }
0x1de: {  	[tilespmem:s25+$0x18430] =	vst v0;
	v0 =	vadd.f32 v4, v1;
	v1 =	vld [tilespmem:s25+$0xC470]  }
0x1df: {  	v4 =	vld [tilespmem:s25+$0x470]  }
0x1e0: {  	[tilespmem:s25+$0x18440] =	vst v0;
	v0 =	vadd.f32 v5, v3;
	v3 =	vld [tilespmem:s25+$0xC800]  }
0x1e1: {  	v5 =	vld [tilespmem:s25+$0x800]  }
0x1e2: {  	[tilespmem:s25+$0x18450] =	vst v0;
	v0 =	vadd.f32 v6, v2;
	v2 =	vld [tilespmem:s25+$0xC810]  }
0x1e3: {  	v6 =	vld [tilespmem:s25+$0x810]  }
0x1e4: {  	[tilespmem:s25+$0x18460] =	vst v0;
	v0 =	vadd.f32 v4, v1;
	v1 =	vld [tilespmem:s25+$0xC820]  }
0x1e5: {  	v4 =	vld [tilespmem:s25+$0x820]  }
0x1e6: {  	[tilespmem:s25+$0x18470] =	vst v0;
	v0 =	vadd.f32 v5, v3;
	v3 =	vld [tilespmem:s25+$0xC830]  }
0x1e7: {  	v5 =	vld [tilespmem:s25+$0x830]  }
0x1e8: {  	[tilespmem:s25+$0x18800] =	vst v0;
	v0 =	vadd.f32 v6, v2;
	v2 =	vld [tilespmem:s25+$0xC840]  }
0x1e9: {  	v6 =	vld [tilespmem:s25+$0x840]  }
0x1ea: {  	[tilespmem:s25+$0x18810] =	vst v0;
	v0 =	vadd.f32 v4, v1;
	v1 =	vld [tilespmem:s25+$0xC850]  }
0x1eb: {  	v4 =	vld [tilespmem:s25+$0x850]  }
0x1ec: {  	[tilespmem:s25+$0x18820] =	vst v0;
	v0 =	vadd.f32 v5, v3;
	v3 =	vld [tilespmem:s25+$0xC860]  }
0x1ed: {  	v5 =	vld [tilespmem:s25+$0x860]  }
0x1ee: {  	[tilespmem:s25+$0x18830] =	vst v0;
	v0 =	vadd.f32 v6, v2;
	v2 =	vld [tilespmem:s25+$0xC870]  }
0x1ef: {  	v6 =	vld [tilespmem:s25+$0x870]  }
0x1f0: {  	[tilespmem:s25+$0x18840] =	vst v0;
	v0 =	vadd.f32 v4, v1;
	v1 =	vld [tilespmem:s25+$0xCC00]  }
0x1f1: {  	v4 =	vld [tilespmem:s25+$0xC00]  }
0x1f2: {  	[tilespmem:s25+$0x18850] =	vst v0;
	v0 =	vadd.f32 v5, v3;
	v3 =	vld [tilespmem:s25+$0xCC10]  }
0x1f3: {  	v5 =	vld [tilespmem:s25+$0xC10]  }
0x1f4: {  	[tilespmem:s25+$0x18860] =	vst v0;
	v0 =	vadd.f32 v6, v2;
	v2 =	vld [tilespmem:s25+$0xCC20]  }
0x1f5: {  	v6 =	vld [tilespmem:s25+$0xC20]  }
0x1f6: {  	[tilespmem:s25+$0x18870] =	vst v0;
	v0 =	vadd.f32 v4, v1;
	v1 =	vld [tilespmem:s25+$0xCC30]  }
0x1f7: {  	v4 =	vld [tilespmem:s25+$0xC30]  }
0x1f8: {  	[tilespmem:s25+$0x18C00] =	vst v0;
	v0 =	vadd.f32 v5, v3;
	v3 =	vld [tilespmem:s25+$0xCC40]  }
0x1f9: {  	v5 =	vld [tilespmem:s25+$0xC40]  }
0x1fa: {  	[tilespmem:s25+$0x18C10] =	vst v0;
	v0 =	vadd.f32 v6, v2;
	v2 =	vld [tilespmem:s25+$0xCC50]  }
0x1fb: {  	v6 =	vld [tilespmem:s25+$0xC50]  }
0x1fc: {  	[tilespmem:s25+$0x18C20] =	vst v0;
	v0 =	vadd.f32 v4, v1;
	v1 =	vld [tilespmem:s25+$0xCC60]  }
0x1fd: {  	v4 =	vld [tilespmem:s25+$0xC60]  }
0x1fe: {  	[tilespmem:s25+$0x18C30] =	vst v0;
	v0 =	vadd.f32 v5, v3;
	v3 =	vld [tilespmem:s25+$0xCC70]  }
0x1ff: {  	v5 =	vld [tilespmem:s25+$0xC70]  }
0x200: {  	[tilespmem:s25+$0x18C40] =	vst v0;
	v0 =	vadd.f32 v6, v2;
	v2 =	vld [tilespmem:s25+$0xD000]  }
0x201: {  	v6 =	vld [tilespmem:s25+$0x1000]  }
0x202: {  	[tilespmem:s25+$0x18C50] =	vst v0;
	v0 =	vadd.f32 v4, v1;
	v1 =	vld [tilespmem:s25+$0xD010]  }
0x203: {  	v4 =	vld [tilespmem:s25+$0x1010]  }
0x204: {  	[tilespmem:s25+$0x18C60] =	vst v0;
	v0 =	vadd.f32 v5, v3;
	v3 =	vld [tilespmem:s25+$0xD020]  }
0x205: {  	v5 =	vld [tilespmem:s25+$0x1020]  }
0x206: {  	[tilespmem:s25+$0x18C70] =	vst v0;
	v0 =	vadd.f32 v6, v2;
	v2 =	vld [tilespmem:s25+$0xD030]  }
0x207: {  	v6 =	vld [tilespmem:s25+$0x1030]  }
0x208: {  	[tilespmem:s25+$0x19000] =	vst v0;
	v0 =	vadd.f32 v4, v1;
	v1 =	vld [tilespmem:s25+$0xD040]  }
0x209: {  	v4 =	vld [tilespmem:s25+$0x1040]  }
0x20a: {  	[tilespmem:s25+$0x19010] =	vst v0;
	v0 =	vadd.f32 v5, v3;
	v3 =	vld [tilespmem:s25+$0xD050]  }
0x20b: {  	v5 =	vld [tilespmem:s25+$0x1050]  }
0x20c: {  	[tilespmem:s25+$0x19020] =	vst v0;
	v0 =	vadd.f32 v6, v2;
	v2 =	vld [tilespmem:s25+$0xD060]  }
0x20d: {  	v6 =	vld [tilespmem:s25+$0x1060]  }
0x20e: {  	[tilespmem:s25+$0x19030] =	vst v0;
	v0 =	vadd.f32 v4, v1;
	v1 =	vld [tilespmem:s25+$0xD070]  }
0x20f: {  	v4 =	vld [tilespmem:s25+$0x1070]  }
0x210: {  	[tilespmem:s25+$0x19040] =	vst v0;
	v0 =	vadd.f32 v5, v3;
	v3 =	vld [tilespmem:s25+$0xD400]  }
0x211: {  	v5 =	vld [tilespmem:s25+$0x1400]  }
0x212: {  	[tilespmem:s25+$0x19050] =	vst v0;
	v0 =	vadd.f32 v6, v2;
	v2 =	vld [tilespmem:s25+$0xD410]  }
0x213: {  	v6 =	vld [tilespmem:s25+$0x1410]  }
0x214: {  	[tilespmem:s25+$0x19060] =	vst v0;
	v0 =	vadd.f32 v4, v1;
	v7 =	vld [tilespmem:s25+$0xD420]  }
0x215: {  	v8 =	vld [tilespmem:s25+$0x1420]  }
0x216: {  	[tilespmem:s25+$0x19070] =	vst v0;
	v1 =	vadd.f32 v5, v3;
	v0 =	vld [tilespmem:s25+$0xD430]  }
.Ltmp6:
0x217: {  	v3 =	vld [tilespmem:s25+$0x1430];
	(pc) =	sbr.rel @p0 .LBB2_9-.Ltmp6, $4  }
0x218: {  	[tilespmem:s25+$0x19400] =	vst v1;
	v2 =	vadd.f32 v6, v2;
	v1 =	vld [tilespmem:s25+$0xD440]  }
0x219: {  	v4 =	vld [tilespmem:s25+$0x1440]  }
0x21a: {  	s29 =	sshrl.u32 s28, $0x3;
	[tilespmem:s25+$0x19410] =	vst v2;
	v6 =	vadd.f32 v8, v7;
	v2 =	vld [tilespmem:s25+$0xD450]  }
0x21b: {  	s26 =	sadd.s32 $0x80, s26;
	s28 =	sadd.s32 $0x1, s28;
	s29 =	smul.u32 $0x1800, s29;
	v5 =	vld [tilespmem:s25+$0x1450]  }
0x21c: {  	s26 =	sand.u32 $0x380, s26;
	v63 =	vld [tilespmem:s25+$0xD460]  }
0x21d: {  	v7 =	vld [tilespmem:s25+$0x1460];
	s26 =	sor.u32 s26, s29  }
0x21e: {  	v8 =	vld [tilespmem:s26+$0xD470]  }
0x21f: {  	v9 =	vld [tilespmem:s26+$0x1470]  }
0x220: {  	v10 =	vld [tilespmem:s26+$0xC000]  }
0x221: {  	v11 =	vld [tilespmem:s26+$0x0]  }
0x222: {  	v12 =	vld [tilespmem:s26+$0xC010]  }
0x223: {  	v13 =	vld [tilespmem:s26+$0x10]  }
0x224: {  	v14 =	vld [tilespmem:s26+$0xC020]  }
0x225: {  	v15 =	vld [tilespmem:s26+$0x20]  }
0x226: {  	v16 =	vld [tilespmem:s26+$0xC030]  }
0x227: {  	v17 =	vld [tilespmem:s26+$0x30]  }
0x228: {  	v18 =	vld [tilespmem:s26+$0xC040]  }
0x229: {  	v19 =	vld [tilespmem:s26+$0x40]  }
0x22a: {  	v20 =	vld [tilespmem:s26+$0xC050]  }
0x22b: {  	v21 =	vld [tilespmem:s26+$0x50]  }
0x22c: {  	v22 =	vld [tilespmem:s26+$0xC060]  }
0x22d: {  	v23 =	vld [tilespmem:s26+$0x60]  }
0x22e: {  	v24 =	vld [tilespmem:s26+$0xC070]  }
0x22f: {  	v25 =	vld [tilespmem:s26+$0x70]  }
0x230: {  	v26 =	vld [tilespmem:s26+$0xC400]  }
0x231: {  	v27 =	vld [tilespmem:s26+$0x400]  }
0x232: {  	v28 =	vld [tilespmem:s26+$0xC410]  }
0x233: {  	v29 =	vld [tilespmem:s26+$0x410]  }
0x234: {  	v30 =	vld [tilespmem:s26+$0xC420]  }
0x235: {  	v31 =	vld [tilespmem:s26+$0x420]  }
0x236: {  	v32 =	vld [tilespmem:s26+$0xC430]  }
0x237: {  	v33 =	vld [tilespmem:s26+$0x430]  }
0x238: {  	v34 =	vld [tilespmem:s26+$0xC440]  }
0x239: {  	v35 =	vld [tilespmem:s26+$0x440]  }
0x23a: {  	v36 =	vld [tilespmem:s26+$0xC450]  }
0x23b: {  	v37 =	vld [tilespmem:s26+$0x450]  }
0x23c: {  	v38 =	vld [tilespmem:s26+$0xC460]  }
0x23d: {  	v39 =	vld [tilespmem:s26+$0x460]  }
0x23e: {  	v40 =	vld [tilespmem:s26+$0xC470]  }
0x23f: {  	v41 =	vld [tilespmem:s26+$0x470]  }
0x240: {  	v42 =	vld [tilespmem:s26+$0xC800]  }
0x241: {  	v43 =	vld [tilespmem:s26+$0x800]  }
0x242: {  	v44 =	vld [tilespmem:s26+$0xC810]  }
0x243: {  	v45 =	vld [tilespmem:s26+$0x810]  }
0x244: {  	v46 =	vld [tilespmem:s26+$0xC820]  }
0x245: {  	v47 =	vld [tilespmem:s26+$0x820]  }
0x246: {  	v48 =	vld [tilespmem:s26+$0xC830]  }
0x247: {  	v49 =	vld [tilespmem:s26+$0x830]  }
0x248: {  	v50 =	vld [tilespmem:s26+$0xC840]  }
0x249: {  	v51 =	vld [tilespmem:s26+$0x840]  }
0x24a: {  	v52 =	vld [tilespmem:s26+$0xC850]  }
0x24b: {  	v53 =	vld [tilespmem:s26+$0x850]  }
0x24c: {  	v54 =	vld [tilespmem:s26+$0xC860]  }
0x24d: {  	v55 =	vld [tilespmem:s26+$0x860]  }
0x24e: {  	v56 =	vld [tilespmem:s26+$0xC870]  }
0x24f: {  	v0 =	vadd.f32 v3, v0;
	v3 =	vld [tilespmem:s26+$0x870]  }
0x250: {  	[tilespmem:s25+$0x19420] =	vst v6;
	v1 =	vadd.f32 v4, v1;
	v4 =	vld [tilespmem:s26+$0xCC00]  }
0x251: {  	[tilespmem:s25+$0x19430] =	vst v0;
	v60 =	vld [tilespmem:s26+$0xC10];
	v57 =	vadd.f32 v5, v2  }
0x252: {  	v2 =	vld [tilespmem:s26+$0xC00];
	[tilespmem:s25+$0x19440] =	vst v1;
	v58 =	vadd.f32 v7, v63  }
0x253: {  	v5 =	vld [tilespmem:s26+$0xCC10];
	[tilespmem:s25+$0x19450] =	vst v57;
	v59 =	vadd.f32 v9, v8  }
0x254: {  	v7 =	vld [tilespmem:s26+$0xCC20];
	[tilespmem:s25+$0x19460] =	vst v58;
	v61 =	vadd.f32 v11, v10  }
0x255: {  	v63 =	vld [tilespmem:s26+$0xC20];
	v62 =	vadd.f32 v13, v12;
	[tilespmem:s26+$0x19470] =	vst v59  }
0x256: {  	v57 =	vld [tilespmem:s26+$0x1050];
	v15 =	vadd.f32 v15, v14;
	[tilespmem:s26+$0x18000] =	vst v61  }
0x257: {  	v9 =	vld [tilespmem:s26+$0xCC30];
	v17 =	vadd.f32 v17, v16;
	[tilespmem:s26+$0x18010] =	vst v62  }
0x258: {  	v10 =	vld [tilespmem:s26+$0xC30];
	v19 =	vadd.f32 v19, v18;
	[tilespmem:s26+$0x18020] =	vst v15  }
0x259: {  	v11 =	vld [tilespmem:s26+$0xCC40];
	v21 =	vadd.f32 v21, v20;
	[tilespmem:s26+$0x18030] =	vst v17  }
0x25a: {  	v12 =	vld [tilespmem:s26+$0xC40];
	v23 =	vadd.f32 v23, v22;
	[tilespmem:s26+$0x18040] =	vst v19  }
0x25b: {  	v13 =	vld [tilespmem:s26+$0xCC50];
	v25 =	vadd.f32 v25, v24;
	[tilespmem:s26+$0x18050] =	vst v21  }
0x25c: {  	v14 =	vld [tilespmem:s26+$0xC50];
	v27 =	vadd.f32 v27, v26;
	[tilespmem:s26+$0x18060] =	vst v23  }
0x25d: {  	v29 =	vadd.f32 v29, v28;
	v16 =	vld [tilespmem:s26+$0xC60];
	[tilespmem:s26+$0x18070] =	vst v25  }
0x25e: {  	v31 =	vadd.f32 v31, v30;
	v18 =	vld [tilespmem:s26+$0xC70];
	[tilespmem:s26+$0x18400] =	vst v27  }
0x25f: {  	v33 =	vadd.f32 v33, v32;
	v20 =	vld [tilespmem:s26+$0x1000];
	[tilespmem:s26+$0x18410] =	vst v29  }
0x260: {  	v35 =	vadd.f32 v35, v34;
	v40 =	vadd.f32 v41, v40;
	v41 =	vld [tilespmem:s26+$0x1010];
	[tilespmem:s26+$0x18420] =	vst v31  }
0x261: {  	v37 =	vadd.f32 v37, v36;
	v42 =	vadd.f32 v43, v42;
	v43 =	vld [tilespmem:s26+$0xD020];
	[tilespmem:s26+$0x18430] =	vst v33  }
0x262: {  	v39 =	vadd.f32 v39, v38;
	v44 =	vadd.f32 v45, v44;
	v45 =	vld [tilespmem:s26+$0x1020];
	[tilespmem:s26+$0x18440] =	vst v35  }
0x263: {  	v46 =	vadd.f32 v47, v46;
	v47 =	vld [tilespmem:s26+$0xD030];
	[tilespmem:s26+$0x18450] =	vst v37  }
0x264: {  	v48 =	vadd.f32 v49, v48;
	v49 =	vld [tilespmem:s26+$0x1030];
	[tilespmem:s26+$0x18460] =	vst v39  }
0x265: {  	v50 =	vadd.f32 v51, v50;
	v51 =	vld [tilespmem:s26+$0xD040];
	[tilespmem:s26+$0x18470] =	vst v40  }
0x266: {  	v52 =	vadd.f32 v53, v52;
	v53 =	vld [tilespmem:s26+$0x1040];
	[tilespmem:s26+$0x18800] =	vst v42  }
0x267: {  	v54 =	vadd.f32 v55, v54;
	v55 =	vld [tilespmem:s26+$0xD050];
	[tilespmem:s26+$0x18810] =	vst v44  }
0x268: {  	v30 =	vld [tilespmem:s26+$0x1070];
	[tilespmem:s26+$0x18820] =	vst v46  }
0x269: {  	v32 =	vld [tilespmem:s26+$0xD400];
	[tilespmem:s26+$0x18830] =	vst v48  }
0x26a: {  	v34 =	vld [tilespmem:s26+$0x1400];
	[tilespmem:s26+$0x18840] =	vst v50  }
0x26b: {  	v56 =	vadd.f32 v3, v56;
	v36 =	vld [tilespmem:s26+$0xD410];
	[tilespmem:s26+$0x18850] =	vst v52  }
0x26c: {  	v38 =	vld [tilespmem:s26+$0x1410];
	[tilespmem:s26+$0x18860] =	vst v54;
	v58 =	vadd.f32 v2, v4  }
0x26d: {  	v15 =	vld [tilespmem:s26+$0xCC60];
	[tilespmem:s26+$0x18870] =	vst v56;
	v60 =	vadd.f32 v60, v5  }
0x26e: {  	v17 =	vld [tilespmem:s26+$0xCC70];
	v62 =	vadd.f32 v63, v7;
	[tilespmem:s26+$0x18C00] =	vst v58  }
0x26f: {  	v19 =	vld [tilespmem:s26+$0xD000];
	[tilespmem:s26+$0x18C10] =	vst v60;
	v10 =	vadd.f32 v10, v9  }
0x270: {  	v21 =	vld [tilespmem:s26+$0xD010];
	[tilespmem:s26+$0x18C20] =	vst v62;
	v31 =	vadd.f32 v12, v11  }
0x271: {  	v59 =	vld [tilespmem:s26+$0xD060];
	v33 =	vadd.f32 v14, v13;
	[tilespmem:s26+$0x18C30] =	vst v10  }
0x272: {  	v61 =	vld [tilespmem:s26+$0x1060];
	v43 =	vadd.f32 v45, v43;
	[tilespmem:s26+$0x18C40] =	vst v31  }
0x273: {  	v40 =	vld [tilespmem:s26+$0xD420];
	v45 =	vadd.f32 v49, v47;
	[tilespmem:s26+$0x18C50] =	vst v33  }
0x274: {  	v42 =	vld [tilespmem:s26+$0x1420];
	v47 =	vadd.f32 v53, v51;
	[tilespmem:s26+$0x19020] =	vst v43  }
0x275: {  	v44 =	vld [tilespmem:s26+$0xD430];
	v49 =	vadd.f32 v57, v55;
	[tilespmem:s26+$0x19030] =	vst v45  }
0x276: {  	v46 =	vld [tilespmem:s26+$0x1430];
	v55 =	vadd.f32 v34, v32;
	[tilespmem:s26+$0x19040] =	vst v47  }
0x277: {  	v48 =	vld [tilespmem:s26+$0xD440];
	v57 =	vadd.f32 v38, v36;
	[tilespmem:s26+$0x19050] =	vst v49  }
0x278: {  	v50 =	vld [tilespmem:s26+$0x1440];
	v35 =	vadd.f32 v16, v15;
	[tilespmem:s26+$0x19400] =	vst v55  }
0x279: {  	v52 =	vld [tilespmem:s26+$0xD450];
	v37 =	vadd.f32 v18, v17;
	[tilespmem:s26+$0x19410] =	vst v57  }
0x27a: {  	v54 =	vld [tilespmem:s26+$0x1450];
	v39 =	vadd.f32 v20, v19;
	[tilespmem:s26+$0x18C60] =	vst v35  }
0x27b: {  	v56 =	vld [tilespmem:s26+$0xD460];
	v41 =	vadd.f32 v41, v21;
	[tilespmem:s26+$0x18C70] =	vst v37  }
0x27c: {  	v63 =	vld [tilespmem:s26+$0xD070];
	v51 =	vadd.f32 v61, v59;
	[tilespmem:s26+$0x19000] =	vst v39  }
0x27d: {  	v58 =	vld [tilespmem:s26+$0x1460];
	v59 =	vadd.f32 v42, v40;
	[tilespmem:s26+$0x19010] =	vst v41  }
0x27e: {  	v60 =	vadd.f32 v46, v44;
	[tilespmem:s26+$0x19060] =	vst v51  }
0x27f: {  	v61 =	vadd.f32 v50, v48;
	[tilespmem:s26+$0x19420] =	vst v59  }
0x280: {  	p0 =	seq.s32 s23, $0xD;
	v62 =	vadd.f32 v54, v52;
	[tilespmem:s26+$0x19430] =	vst v60  }
.Ltmp7:
0x281: {  	v53 =	vadd.f32 v30, v63;
	[tilespmem:s26+$0x19440] =	vst v61;
	(pc) =	sbr.rel @p0 .LBB2_12-.Ltmp7, $4  }
0x282: {  	s31 =	sadd.s32 s24, s10;
	v63 =	vadd.f32 v58, v56;
	[tilespmem:s26+$0x19450] =	vst v62  }
0x283: {  	s25 =	sshrl.u32 s31, $0x3;
	[tilespmem:s26+$0x19070] =	vst v53  }
0x284: {  	s25 =	sadd.s32 s5, s25;
	[tilespmem:s26+$0x19460] =	vst v63  }
0x285: {  	[hbm4b:s25+s3] =	stream.linear.scatter [tilespmem:s20], [sflag:$0x4], $0x6000, $0x38;
	[tilespmem:$0x1E000] =	vst v63  }
.Ltmp8:
0x286: {  	(pc) =	sbr.rel .LBB2_2-.Ltmp8, $4  }
0x287: {  	s24 =	sadd.s32 s24, s11  }
0x288: {  	s24 =	sshrl.u32 s24, $0x3  }
0x289: {  	s23 =	sadd.s32 $0x1, s23;
	s24 =	sadd.s32 s1, s24  }
0x28a: {  	[tilespmem:s15], [sflag:$0x2] =	stream.linear.gather [hbm4b:s24+s3], $0x6000, $0x38;
	[tilespmem:$0x1E000] =	vst v63  }
.LBB2_13:
0x28b: {  	_ =	sfence.sel $0x180000  }
0x28c: {  	[bflag:$0x0] =	sbarrier.arrive $0xFFFF  }
0x28d: {  	p0 =	sne.s32 s0, $0x0;
	_ =	strace $0x90000047  }
0x28e: {  	s0 =	sadd.s32 @!p0 $0x100000, s2;
	[bflag:$0x2] =	sbarrier.arrive $0xFFFF  }
0x28f: {  	[sflag:s0] =	ssyncadd.tile.s32 @!p0 $0x1;
	_ =	shalt  }
.Lfunc_end2:
_tile_overlayer_lowered:
.L_overlay_start_2:
0x290: {  	(tag) =	ssettag $0x2  }
0x291: {  	s0 =	rddreg [dreg:$0x0];
	s2 =	stileid.u32  }
0x292: {  	s1 =	rddreg [dreg:$0x1];
	p0 =	sne.s32 s2, $0x0  }
0x293: {  	s3 =	rddreg [dreg:$0x2];
	[bflag:$0x3] =	sbarrier.arrive $0xFFFF;
	s2 =	simm.s32 @!p0 $0x1C05  }
0x294: {  	[timem:s3], [sflag:s2] =	dma.local @!p0 [hbm:s0], s1  }
0x295: {  	s0 =	simm.s32 @!p0 $0x5  }
0x296: {  	_ =	swait.ge @!p0 [sflag:s0], s1  }
0x297: {  	s1 =	ssub.s32 @!p0 $0x0, s1;
	[sflag:s0] =	ssyncset.done @!p0 $0x0  }
0x298: {  	[sflag:s0] =	ssyncadd.s32 @!p0 s1  }
0x299: {  	[bflag:$0x3] =	sbarrier.arrive $0xFFFF  }
0x29a: {  	_ =	shalt  }

</sc_bundles>
